<compile_context>
chip_gen: v7x
topology: tpu7x:2x2x1
jax: 0.10.2.dev20260603
libtpu: 0.0.44.dev20260713+nightly
codegen_flags: <defaults>
</compile_context>

<pallas_src>
import functools

import jax
import jax.numpy as jnp
from jax import lax
from jax.experimental import pallas as pl
from jax.experimental.pallas import tpu as pltpu
from jax.experimental.pallas import tpu_sc as plsc

N = 10000
E = 320000
D = 128
DE = 16

NC = 2
NS = 16
NW = NC * NS
EROWS = E // 128
ERPAD = 2560
WROWS = 80
NROWS = 79
NPAD = NROWS * 128
EBLK = 2048
ERB = 128
NSTEPS = 20



def _edge_body(h_ref, wn_ref, wan_ref, e_ref, wbig_ref, wat_ref, g_ref,
               src1_ref, nf_ref, ns_ref, ew_ref, es_ref, srcr_ref):
    nf = lax.dot_general(h_ref[...], wn_ref[...], (((1,), (1,)), ((), ())),
                         preferred_element_type=jnp.float32)
    nf_ref[...] = nf
    ns_ref[...] = jnp.dot(nf, wan_ref[...], preferred_element_type=jnp.float32)

    ew = jnp.dot(e_ref[...], wbig_ref[...], preferred_element_type=jnp.float32)
    ew_ref[...] = ew
    es8 = jnp.dot(ew * wat_ref[...], g_ref[...],
                  preferred_element_type=jnp.float32)
    gid = pl.program_id(0)

    @pl.when(gid < NSTEPS - 1)
    def _():
        es_ref[...] = es8
        srcr_ref[...] = src1_ref[...]

    @pl.when(gid == NSTEPS - 1)
    def _():
        erow = lax.broadcasted_iota(jnp.int32, (EBLK, 8), 0) + gid * EBLK
        es_ref[...] = jnp.where(erow < E // 8, es8, 0.0)
        rows = lax.broadcasted_iota(jnp.int32, (ERB, 128), 0) + gid * ERB
        srcr_ref[...] = jnp.where(rows < EROWS, src1_ref[...], 0)


def _scale_body(ew_ref, g8_ref, gt_ref, out_ref):
    gexp = jnp.dot(g8_ref[...], gt_ref[...], preferred_element_type=jnp.float32)
    out_ref[...] = ew_ref[...] * gexp



def _worker_rows(wid):
    raw = (wid * EROWS) // NW
    base = ((raw + 7) // 8) * 8
    raw_n = ((wid + 1) * EROWS) // NW
    nxt = jnp.where(wid == NW - 1, EROWS, ((raw_n + 7) // 8) * 8)
    return base, nxt - base


def _sc1_body(src_hbm, es_hbm, ns_hbm, ex_hbm, spart_hbm,
              src_v, es_v, ns_v, ex_v, zb_v, s_sh, dsem, xsem):
    c = lax.axis_index("c")
    s = lax.axis_index("s")
    wid = s * NC + c
    base, count = _worker_rows(wid)
    base = pl.multiple_of(base, 8)

    pltpu.sync_copy(src_hbm.at[pl.ds(base, WROWS)], src_v)
    pltpu.sync_copy(es_hbm.at[pl.ds(base, WROWS)], es_v)
    pltpu.sync_copy(ns_hbm, ns_v)

    @pl.when(s == 0)
    def _():
        zeros16 = jnp.zeros((16,), jnp.float32)

        @plsc.parallel_loop(0, NPAD // 16, unroll=4)
        def _(i):
            zb_v[pl.ds(pl.multiple_of(i * 16, 16), 16)] = zeros16
        pltpu.sync_copy(zb_v, s_sh)

    @plsc.parallel_loop(0, WROWS)
    def _(r):
        for k in range(8):
            sv = src_v[r, pl.ds(k * 16, 16)]
            nsv = plsc.load_gather(ns_v, [sv])
            a = es_v[r, pl.ds(k * 16, 16)] + nsv
            eact = jnp.where(a >= 0.0, a, a * 0.01)
            ex_v[r, pl.ds(k * 16, 16)] = jnp.exp(eact)

    exd = pltpu.async_copy(ex_v, ex_hbm.at[pl.ds(base, WROWS)], xsem)

    plsc.subcore_barrier()

    def sgroup(gidx, _):
        for t in range(5):
            j = gidx * 5 + t

            @pl.when(j < count)
            def _():
                pltpu.async_copy(ex_v.at[j], s_sh.at[src_v.at[j]], dsem,
                                 add=True)
        for t in range(5):
            j = gidx * 5 + t

            @pl.when(j < count)
            def _():
                pltpu.make_async_copy(ex_v.at[j], s_sh.at[src_v.at[j]],
                                      dsem).wait()
        return ()
    lax.fori_loop(0, WROWS // 5, sgroup, ())

    plsc.subcore_barrier()
    exd.wait()

    @pl.when(s == 0)
    def _():
        pltpu.sync_copy(s_sh, spart_hbm.at[pl.ds(c * NPAD, NPAD)])


def _sc2_body(src_hbm, ex_hbm, spart_hbm, gamma_hbm,
              src_v, ex_v, s0_v, s1_v, g_v):
    c = lax.axis_index("c")
    s = lax.axis_index("s")
    wid = s * NC + c
    base, _count = _worker_rows(wid)
    base = pl.multiple_of(base, 8)

    pltpu.sync_copy(src_hbm.at[pl.ds(base, WROWS)], src_v)
    pltpu.sync_copy(ex_hbm.at[pl.ds(base, WROWS)], ex_v)
    pltpu.sync_copy(spart_hbm.at[pl.ds(0, NPAD)], s0_v)
    pltpu.sync_copy(spart_hbm.at[pl.ds(NPAD, NPAD)], s1_v)

    @plsc.parallel_loop(0, NPAD // 16, unroll=4)
    def _(i):
        off = pl.ds(pl.multiple_of(i * 16, 16), 16)
        s0_v[off] = s0_v[off] + s1_v[off]

    @plsc.parallel_loop(0, WROWS)
    def _(r):
        for k in range(8):
            sv = src_v[r, pl.ds(k * 16, 16)]
            st = plsc.load_gather(s0_v, [sv])
            g_v[r, pl.ds(k * 16, 16)] = ex_v[r, pl.ds(k * 16, 16)] / st

    pltpu.sync_copy(g_v, gamma_hbm.at[pl.ds(base, WROWS)])



@jax.jit
def kernel(h, e, edge_index, Wn, We, Wa):
    f32 = jnp.float32
    wa_n = Wa[0, DE:].reshape(D, 1)
    w_big = jnp.kron(jnp.eye(8, dtype=f32), We.T)
    wa_t = jnp.tile(Wa[0, :DE], 8).reshape(1, 128)

    e128 = e.reshape(E * DE // 128, 128)
    src1 = edge_index[0].reshape(EROWS, 128)
    gsel = jnp.repeat(jnp.eye(8, dtype=f32), DE, axis=0)
    nblk = 512
    node_feat, n_score, ew128, es8a, src128 = pl.pallas_call(
        _edge_body,
        grid=(NSTEPS,),
        in_specs=[
            pl.BlockSpec((nblk, D), lambda i: (i, 0)),
            pl.BlockSpec((D, D), lambda i: (0, 0)),
            pl.BlockSpec((D, 1), lambda i: (0, 0)),
            pl.BlockSpec((EBLK, 128), lambda i: (i, 0)),
            pl.BlockSpec((128, 128), lambda i: (0, 0)),
            pl.BlockSpec((1, 128), lambda i: (0, 0)),
            pl.BlockSpec((128, 8), lambda i: (0, 0)),
            pl.BlockSpec((ERB, 128), lambda i: (i, 0)),
        ],
        out_specs=[
            pl.BlockSpec((nblk, D), lambda i: (i, 0)),
            pl.BlockSpec((nblk, 1), lambda i: (i, 0)),
            pl.BlockSpec((EBLK, 128), lambda i: (i, 0)),
            pl.BlockSpec((EBLK, 8), lambda i: (i, 0)),
            pl.BlockSpec((ERB, 128), lambda i: (i, 0)),
        ],
        out_shape=[
            jax.ShapeDtypeStruct((N, D), f32),
            jax.ShapeDtypeStruct((N, 1), f32),
            jax.ShapeDtypeStruct((e128.shape[0], 128), f32),
            jax.ShapeDtypeStruct((ERPAD * 16, 8), f32),
            jax.ShapeDtypeStruct((ERPAD, 128), jnp.int32),
        ],
    )(h, Wn, wa_n, e128, w_big, wa_t, gsel, src1)
    es128 = es8a.reshape(ERPAD, 128)
    n_score1 = n_score.reshape(N)

    mesh = plsc.VectorSubcoreMesh(core_axis_name="c", subcore_axis_name="s")
    sc_params = pltpu.CompilerParams(needs_layout_passes=False)

    sc1 = pl.kernel(
        _sc1_body,
        compiler_params=sc_params,
        out_type=(
            jax.ShapeDtypeStruct((ERPAD, 128), f32),
            jax.ShapeDtypeStruct((NC * NPAD,), f32),
        ),
        mesh=mesh,
        scratch_types=[
            pltpu.VMEM((WROWS, 128), jnp.int32),
            pltpu.VMEM((WROWS, 128), f32),
            pltpu.VMEM((N,), f32),
            pltpu.VMEM((WROWS, 128), f32),
            pltpu.VMEM((NPAD,), f32),
            pltpu.VMEM_SHARED((NPAD,), f32),
            pltpu.SemaphoreType.DMA,
            pltpu.SemaphoreType.DMA,
        ],
    )
    ex128, s_part = sc1(src128, es128, n_score1)

    sc2 = pl.kernel(
        _sc2_body,
        compiler_params=sc_params,
        out_type=jax.ShapeDtypeStruct((ERPAD, 128), f32),
        mesh=mesh,
        scratch_types=[
            pltpu.VMEM((WROWS, 128), jnp.int32),
            pltpu.VMEM((WROWS, 128), f32),
            pltpu.VMEM((NPAD,), f32),
            pltpu.VMEM((NPAD,), f32),
            pltpu.VMEM((WROWS, 128), f32),
        ],
    )
    gamma128 = sc2(src128, ex128, s_part)

    gtile = jnp.repeat(jnp.eye(8, dtype=f32), DE, axis=1)
    ewt128 = pl.pallas_call(
        _scale_body,
        grid=(NSTEPS,),
        in_specs=[
            pl.BlockSpec((EBLK, 128), lambda i: (i, 0)),
            pl.BlockSpec((EBLK, 8), lambda i: (i, 0)),
            pl.BlockSpec((8, 128), lambda i: (0, 0)),
        ],
        out_specs=pl.BlockSpec((EBLK, 128), lambda i: (i, 0)),
        out_shape=jax.ShapeDtypeStruct((e128.shape[0], 128), f32),
    )(ew128, gamma128.reshape(ERPAD * 16, 8), gtile)

    e_weighted = ewt128.reshape(E, DE)
    return (node_feat, e_weighted)

# --- scband reference (transcript-rebuilt; emitter-appended) ---
"""Pipeline reference for scband-weighted-agg-edge-37838661878216 (READ-ONLY COPY).

The authoritative reference and input builder live on the scoring server;
editing this copy changes nothing except your own understanding.
"""

import jax, jax.numpy as jnp
import numpy as np

N = 10000
E = 320000
D_IN = 128
D_NOUT = 128
D_E = 16
D_EOUT = 16


def setup_inputs(seed: int = 0) -> dict:
    key = jax.random.key(seed)
    k1, k2, k3, k4, k5, k6 = jax.random.split(key, 6)
    h = jax.random.normal(k1, (N, D_IN), dtype=jnp.float32)
    e = jax.random.normal(k2, (E, D_E), dtype=jnp.float32)
    edge_index = jax.random.randint(k3, (2, E), 0, N, dtype=jnp.int32)
    # Learned parameters (nn.Linear with bias=False stores weight [out, in])
    Wn = jax.random.normal(k4, (D_NOUT, D_IN), dtype=jnp.float32) * (1.0 / np.sqrt(D_IN))
    We = jax.random.normal(k5, (D_EOUT, D_E), dtype=jnp.float32) * (1.0 / np.sqrt(D_E))
    Wa = jax.random.normal(k6, (1, D_NOUT + D_EOUT), dtype=jnp.float32) * (1.0 / np.sqrt(D_NOUT + D_EOUT))
    return {"h": h, "e": e, "edge_index": edge_index, "Wn": Wn, "We": We, "Wa": Wa}


def reference(h, e, edge_index, Wn, We, Wa):
    # node_feat = fc_n(h); e_weighted = fc_e(e)
    node_feat = h @ Wn.T
    e_w = e @ We.T
    src = edge_index[0]
    # group_apply_edges(group_by='src'): per-src-group attention softmax.
    # Grouped tensors in DGL are [groups, deg, feat]; cat along feature dim,
    # softmax over the degree dimension == segment softmax keyed by src node.
    src_ft = node_feat[src]                      # gather: [E, D_NOUT]
    z2 = jnp.concatenate([e_w, src_ft], axis=-1)  # [E, D_EOUT + D_NOUT]
    a = z2 @ Wa.T                                 # [E, 1]
    eact = jax.nn.leaky_relu(a, 0.01)
    # segment softmax over edges sharing the same src
    m = jax.ops.segment_max(eact, src, num_segments=N)
    m = jnp.where(jnp.isfinite(m), m, 0.0)
    ex = jnp.exp(eact - m[src])
    s = jax.ops.segment_sum(ex, src, num_segments=N)
    gamma = ex / s[src]
    e_weighted = gamma * e_w
    return (node_feat, e_weighted)

if __name__ == "__main__":
    import jax
    _d = setup_inputs()
    print(jax.jit(kernel)(*tuple(_d.values())))

</pallas_src>

<mosaic_0001>
#map = affine_map<(d0, d1) -> (0, 0)>
#map1 = affine_map<(d0, d1) -> (0)>
module attributes {stable_mosaic.version = 14 : i64} {
  func.func @_sc1_body(%arg0: i32, %arg1: i32, %arg2: memref<2560x128xi32, #tpu.memory_space<hbm>>, %arg3: memref<2560x128xf32, #tpu.memory_space<hbm>>, %arg4: memref<10000xf32, #tpu.memory_space<hbm>>, %arg5: memref<2560x128xf32, #tpu.memory_space<hbm>>, %arg6: memref<20224xf32, #tpu.memory_space<hbm>>, %arg7: memref<80x128xi32, #tpu.memory_space<vmem>>, %arg8: memref<80x128xf32, #tpu.memory_space<vmem>>, %arg9: memref<10000xf32, #tpu.memory_space<vmem>>, %arg10: memref<80x128xf32, #tpu.memory_space<vmem>>, %arg11: memref<10112xf32, #tpu.memory_space<vmem>>, %arg12: memref<10112xf32, #tpu.memory_space<vmem_shared>>, %arg13: memref<!tpu.dma_semaphore, #tpu.memory_space<semaphore_mem>>, %arg14: memref<!tpu.dma_semaphore, #tpu.memory_space<semaphore_mem>>) attributes {dimension_semantics = [#tpu.dimension_semantics<core_parallel>, #tpu.dimension_semantics<subcore_parallel>], iteration_bounds = array<i64: 2, 16>, scalar_prefetch = 0 : i64, scratch_operands = 8 : i64, tpu.core_type = #tpu.core_type<sc_vector_subcore>, window_params = [{transform_indices = #map}, {transform_indices = #map}, {transform_indices = #map1}, {transform_indices = #map}, {transform_indices = #map1}]} {
    %mul3A = arith.constant 2 : i32
    %mul3A_0 = arith.muli %arg1, %mul3A : i32
    %add3A = arith.addi %mul3A_0, %arg0 : i32
    %mul3A_1 = arith.constant 2500 : i32
    %mul3A_2 = arith.muli %add3A, %mul3A_1 : i32
    %jit3A = arith.constant 32 : i32
    %div3A = arith.divsi %mul3A_2, %jit3A : i32
    %sign3A = arith.constant 0 : i32
    %sign3A_3 = arith.cmpi sgt, %mul3A_2, %sign3A : i32
    %sign3A_4 = arith.extui %sign3A_3 : i1 to i32
    %sign3A_5 = arith.constant 0 : i32
    %sign3A_6 = arith.cmpi slt, %mul3A_2, %sign3A_5 : i32
    %sign3A_7 = arith.extui %sign3A_6 : i1 to i32
    %sign3A_8 = arith.subi %sign3A_4, %sign3A_7 : i32
    %sign3A_9 = arith.constant 0 : i32
    %sign3A_10 = arith.cmpi sgt, %jit3A, %sign3A_9 : i32
    %sign3A_11 = arith.extui %sign3A_10 : i1 to i32
    %sign3A_12 = arith.constant 0 : i32
    %sign3A_13 = arith.cmpi slt, %jit3A, %sign3A_12 : i32
    %sign3A_14 = arith.extui %sign3A_13 : i1 to i32
    %sign3A_15 = arith.subi %sign3A_11, %sign3A_14 : i32
    %ne3A = arith.cmpi ne, %sign3A_8, %sign3A_15 : i32
    %rem3A = arith.remsi %mul3A_2, %jit3A : i32
    %ne3A_16 = arith.constant 0 : i32
    %ne3A_17 = arith.cmpi ne, %rem3A, %ne3A_16 : i32
    %and3A = arith.andi %ne3A, %ne3A_17 : i1
    %sub3A = arith.constant 1 : i32
    %sub3A_18 = arith.subi %div3A, %sub3A : i32
    %select_n3A = arith.select %and3A, %sub3A_18, %div3A : i32
    %add3A_19 = arith.constant 7 : i32
    %add3A_20 = arith.addi %select_n3A, %add3A_19 : i32
    %jit3A_21 = arith.constant 8 : i32
    %div3A_22 = arith.divsi %add3A_20, %jit3A_21 : i32
    %sign3A_23 = arith.constant 0 : i32
    %sign3A_24 = arith.cmpi sgt, %add3A_20, %sign3A_23 : i32
    %sign3A_25 = arith.extui %sign3A_24 : i1 to i32
    %sign3A_26 = arith.constant 0 : i32
    %sign3A_27 = arith.cmpi slt, %add3A_20, %sign3A_26 : i32
    %sign3A_28 = arith.extui %sign3A_27 : i1 to i32
    %sign3A_29 = arith.subi %sign3A_25, %sign3A_28 : i32
    %sign3A_30 = arith.constant 0 : i32
    %sign3A_31 = arith.cmpi sgt, %jit3A_21, %sign3A_30 : i32
    %sign3A_32 = arith.extui %sign3A_31 : i1 to i32
    %sign3A_33 = arith.constant 0 : i32
    %sign3A_34 = arith.cmpi slt, %jit3A_21, %sign3A_33 : i32
    %sign3A_35 = arith.extui %sign3A_34 : i1 to i32
    %sign3A_36 = arith.subi %sign3A_32, %sign3A_35 : i32
    %ne3A_37 = arith.cmpi ne, %sign3A_29, %sign3A_36 : i32
    %rem3A_38 = arith.remsi %add3A_20, %jit3A_21 : i32
    %ne3A_39 = arith.constant 0 : i32
    %ne3A_40 = arith.cmpi ne, %rem3A_38, %ne3A_39 : i32
    %and3A_41 = arith.andi %ne3A_37, %ne3A_40 : i1
    %sub3A_42 = arith.constant 1 : i32
    %sub3A_43 = arith.subi %div3A_22, %sub3A_42 : i32
    %select_n3A_44 = arith.select %and3A_41, %sub3A_43, %div3A_22 : i32
    %mul3A_45 = arith.constant 8 : i32
    %mul3A_46 = arith.muli %select_n3A_44, %mul3A_45 : i32
    %add3A_47 = arith.constant 1 : i32
    %add3A_48 = arith.addi %add3A, %add3A_47 : i32
    %mul3A_49 = arith.constant 2500 : i32
    %mul3A_50 = arith.muli %add3A_48, %mul3A_49 : i32
    %jit3A_51 = arith.constant 32 : i32
    %div3A_52 = arith.divsi %mul3A_50, %jit3A_51 : i32
    %sign3A_53 = arith.constant 0 : i32
    %sign3A_54 = arith.cmpi sgt, %mul3A_50, %sign3A_53 : i32
    %sign3A_55 = arith.extui %sign3A_54 : i1 to i32
    %sign3A_56 = arith.constant 0 : i32
    %sign3A_57 = arith.cmpi slt, %mul3A_50, %sign3A_56 : i32
    %sign3A_58 = arith.extui %sign3A_57 : i1 to i32
    %sign3A_59 = arith.subi %sign3A_55, %sign3A_58 : i32
    %sign3A_60 = arith.constant 0 : i32
    %sign3A_61 = arith.cmpi sgt, %jit3A_51, %sign3A_60 : i32
    %sign3A_62 = arith.extui %sign3A_61 : i1 to i32
    %sign3A_63 = arith.constant 0 : i32
    %sign3A_64 = arith.cmpi slt, %jit3A_51, %sign3A_63 : i32
    %sign3A_65 = arith.extui %sign3A_64 : i1 to i32
    %sign3A_66 = arith.subi %sign3A_62, %sign3A_65 : i32
    %ne3A_67 = arith.cmpi ne, %sign3A_59, %sign3A_66 : i32
    %rem3A_68 = arith.remsi %mul3A_50, %jit3A_51 : i32
    %ne3A_69 = arith.constant 0 : i32
    %ne3A_70 = arith.cmpi ne, %rem3A_68, %ne3A_69 : i32
    %and3A_71 = arith.andi %ne3A_67, %ne3A_70 : i1
    %sub3A_72 = arith.constant 1 : i32
    %sub3A_73 = arith.subi %div3A_52, %sub3A_72 : i32
    %select_n3A_74 = arith.select %and3A_71, %sub3A_73, %div3A_52 : i32
    %eq3A = arith.constant 31 : i32
    %eq3A_75 = arith.cmpi eq, %add3A, %eq3A : i32
    %add3A_76 = arith.constant 7 : i32
    %add3A_77 = arith.addi %select_n3A_74, %add3A_76 : i32
    %jit3A_78 = arith.constant 8 : i32
    %div3A_79 = arith.divsi %add3A_77, %jit3A_78 : i32
    %sign3A_80 = arith.constant 0 : i32
    %sign3A_81 = arith.cmpi sgt, %add3A_77, %sign3A_80 : i32
    %sign3A_82 = arith.extui %sign3A_81 : i1 to i32
    %sign3A_83 = arith.constant 0 : i32
    %sign3A_84 = arith.cmpi slt, %add3A_77, %sign3A_83 : i32
    %sign3A_85 = arith.extui %sign3A_84 : i1 to i32
    %sign3A_86 = arith.subi %sign3A_82, %sign3A_85 : i32
    %sign3A_87 = arith.constant 0 : i32
    %sign3A_88 = arith.cmpi sgt, %jit3A_78, %sign3A_87 : i32
    %sign3A_89 = arith.extui %sign3A_88 : i1 to i32
    %sign3A_90 = arith.constant 0 : i32
    %sign3A_91 = arith.cmpi slt, %jit3A_78, %sign3A_90 : i32
    %sign3A_92 = arith.extui %sign3A_91 : i1 to i32
    %sign3A_93 = arith.subi %sign3A_89, %sign3A_92 : i32
    %ne3A_94 = arith.cmpi ne, %sign3A_86, %sign3A_93 : i32
    %rem3A_95 = arith.remsi %add3A_77, %jit3A_78 : i32
    %ne3A_96 = arith.constant 0 : i32
    %ne3A_97 = arith.cmpi ne, %rem3A_95, %ne3A_96 : i32
    %and3A_98 = arith.andi %ne3A_94, %ne3A_97 : i1
    %sub3A_99 = arith.constant 1 : i32
    %sub3A_100 = arith.subi %div3A_79, %sub3A_99 : i32
    %select_n3A_101 = arith.select %and3A_98, %sub3A_100, %div3A_79 : i32
    %mul3A_102 = arith.constant 8 : i32
    %mul3A_103 = arith.muli %select_n3A_101, %mul3A_102 : i32
    %jit3A_104 = arith.constant 2500 : i32
    %select_n3A_105 = arith.select %eq3A_75, %jit3A_104, %mul3A_103 : i32
    %sub3A_106 = arith.subi %select_n3A_105, %mul3A_46 : i32
    %multiple_of3A = tpu.assume_multiple %mul3A_46, 8 : i32
    "tpu.region"() ({
      %run_scoped3A = tpu.sem_alloc : memref<!tpu.dma_semaphore, #tpu.memory_space<semaphore_mem>>
      %dma_start3A_128 = arith.constant 0 : i32
      %dma_start3A_129 = tpu.memref_slice %arg2[%multiple_of3A, %dma_start3A_128] : memref<2560x128xi32, #tpu.memory_space<hbm>> -> memref<80x128xi32, #tpu.memory_space<hbm>>
      %dma_start3A_130 = arith.constant 0 : i32
      %dma_start3A_131 = tpu.memref_slice %arg2[%multiple_of3A, %dma_start3A_130] : memref<2560x128xi32, #tpu.memory_space<hbm>> -> memref<80x128xi32, #tpu.memory_space<hbm>>
      tpu.enqueue_dma source(%dma_start3A_131 : memref<80x128xi32, #tpu.memory_space<hbm>>) target(%arg7 : memref<80x128xi32, #tpu.memory_space<vmem>>) target_semaphore(%run_scoped3A : memref<!tpu.dma_semaphore, #tpu.memory_space<semaphore_mem>>)
      %dma_wait3A_132 = arith.constant 0 : i32
      %dma_wait3A_133 = tpu.memref_slice %arg2[%multiple_of3A, %dma_wait3A_132] : memref<2560x128xi32, #tpu.memory_space<hbm>> -> memref<80x128xi32, #tpu.memory_space<hbm>>
      %dma_wait3A_134 = arith.constant 0 : i32
      %dma_wait3A_135 = tpu.memref_slice %arg2[%multiple_of3A, %dma_wait3A_134] : memref<2560x128xi32, #tpu.memory_space<hbm>> -> memref<80x128xi32, #tpu.memory_space<hbm>>
      tpu.wait_dma2 semaphore(%run_scoped3A : memref<!tpu.dma_semaphore, #tpu.memory_space<semaphore_mem>>) src(%dma_wait3A_135 : memref<80x128xi32, #tpu.memory_space<hbm>>) dst(%arg7 : memref<80x128xi32, #tpu.memory_space<vmem>>)
      tpu.yield
    }) : () -> ()
    "tpu.region"() ({
      %run_scoped3A = tpu.sem_alloc : memref<!tpu.dma_semaphore, #tpu.memory_space<semaphore_mem>>
      %dma_start3A_128 = arith.constant 0 : i32
      %dma_start3A_129 = tpu.memref_slice %arg3[%multiple_of3A, %dma_start3A_128] : memref<2560x128xf32, #tpu.memory_space<hbm>> -> memref<80x128xf32, #tpu.memory_space<hbm>>
      %dma_start3A_130 = arith.constant 0 : i32
      %dma_start3A_131 = tpu.memref_slice %arg3[%multiple_of3A, %dma_start3A_130] : memref<2560x128xf32, #tpu.memory_space<hbm>> -> memref<80x128xf32, #tpu.memory_space<hbm>>
      tpu.enqueue_dma source(%dma_start3A_131 : memref<80x128xf32, #tpu.memory_space<hbm>>) target(%arg8 : memref<80x128xf32, #tpu.memory_space<vmem>>) target_semaphore(%run_scoped3A : memref<!tpu.dma_semaphore, #tpu.memory_space<semaphore_mem>>)
      %dma_wait3A_132 = arith.constant 0 : i32
      %dma_wait3A_133 = tpu.memref_slice %arg3[%multiple_of3A, %dma_wait3A_132] : memref<2560x128xf32, #tpu.memory_space<hbm>> -> memref<80x128xf32, #tpu.memory_space<hbm>>
      %dma_wait3A_134 = arith.constant 0 : i32
      %dma_wait3A_135 = tpu.memref_slice %arg3[%multiple_of3A, %dma_wait3A_134] : memref<2560x128xf32, #tpu.memory_space<hbm>> -> memref<80x128xf32, #tpu.memory_space<hbm>>
      tpu.wait_dma2 semaphore(%run_scoped3A : memref<!tpu.dma_semaphore, #tpu.memory_space<semaphore_mem>>) src(%dma_wait3A_135 : memref<80x128xf32, #tpu.memory_space<hbm>>) dst(%arg8 : memref<80x128xf32, #tpu.memory_space<vmem>>)
      tpu.yield
    }) : () -> ()
    "tpu.region"() ({
      %run_scoped3A = tpu.sem_alloc : memref<!tpu.dma_semaphore, #tpu.memory_space<semaphore_mem>>
      tpu.enqueue_dma source(%arg4 : memref<10000xf32, #tpu.memory_space<hbm>>) target(%arg9 : memref<10000xf32, #tpu.memory_space<vmem>>) target_semaphore(%run_scoped3A : memref<!tpu.dma_semaphore, #tpu.memory_space<semaphore_mem>>)
      tpu.wait_dma2 semaphore(%run_scoped3A : memref<!tpu.dma_semaphore, #tpu.memory_space<semaphore_mem>>) src(%arg4 : memref<10000xf32, #tpu.memory_space<hbm>>) dst(%arg9 : memref<10000xf32, #tpu.memory_space<vmem>>)
      tpu.yield
    }) : () -> ()
    %eq3A_107 = arith.constant 0 : i32
    %eq3A_108 = arith.cmpi eq, %arg1, %eq3A_107 : i32
    %convert_element_type3A = arith.extui %eq3A_108 : i1 to i32
    %cond3A = arith.constant 0 : i32
    %cond3A_109 = arith.cmpi ne, %convert_element_type3A, %cond3A : i32
    scf.if %cond3A_109 {
      %broadcast_in_dim3A = arith.constant 0.000000e+00 : f32
      %broadcast_in_dim3A_128 = vector.broadcast %broadcast_in_dim3A : f32 to vector<16xf32>
      %parallel_loop3A_129 = arith.constant 0 : i32
      %parallel_loop3A_130 = arith.constant 632 : i32
      %parallel_loop3A_131 = arith.constant 1 : i32
      scf.for %parallel_loop3A_132 = %parallel_loop3A_129 to %parallel_loop3A_130 step %parallel_loop3A_131  : i32 {
        %parallel_loop3A_133 = arith.constant 16 : i32
        %parallel_loop3A_134 = arith.muli %parallel_loop3A_132, %parallel_loop3A_133 : i32
        %parallel_loop3A_135 = tpu.assume_multiple %parallel_loop3A_134, 16 : i32
        %parallel_loop3A_136 = arith.index_cast %parallel_loop3A_135 : i32 to index
        %parallel_loop3A_137 = tpu.vector_load %arg11[%parallel_loop3A_136] {strides = array<i32>} : memref<10112xf32, #tpu.memory_space<vmem>>, vector<16xf32>,
        tpu.vector_store %arg11[%parallel_loop3A_136], %broadcast_in_dim3A_128 {strides = array<i32>} : memref<10112xf32, #tpu.memory_space<vmem>>, vector<16xf32>,
      } {sc.loop_unroll_factor = 4 : i64, sc.parallel_access}
      "tpu.region"() ({
        %run_scoped3A = tpu.sem_alloc : memref<!tpu.dma_semaphore, #tpu.memory_space<semaphore_mem>>
        tpu.enqueue_dma source(%arg11 : memref<10112xf32, #tpu.memory_space<vmem>>) target(%arg12 : memref<10112xf32, #tpu.memory_space<vmem_shared>>) target_semaphore(%run_scoped3A : memref<!tpu.dma_semaphore, #tpu.memory_space<semaphore_mem>>)
        tpu.wait_dma2 semaphore(%run_scoped3A : memref<!tpu.dma_semaphore, #tpu.memory_space<semaphore_mem>>) src(%arg11 : memref<10112xf32, #tpu.memory_space<vmem>>) dst(%arg12 : memref<10112xf32, #tpu.memory_space<vmem_shared>>)
        tpu.yield
      }) : () -> ()
    } else {
    }
    %parallel_loop3A = arith.constant 0 : i32
    %parallel_loop3A_110 = arith.constant 80 : i32
    %parallel_loop3A_111 = arith.constant 1 : i32
    scf.for %parallel_loop3A_128 = %parallel_loop3A to %parallel_loop3A_110 step %parallel_loop3A_111  : i32 {
      %parallel_loop3A_129 = arith.index_cast %parallel_loop3A_128 : i32 to index
      %parallel_loop3A_130 = arith.constant 0 : index
      %parallel_loop3A_131 = tpu.vector_load %arg7[%parallel_loop3A_129, %parallel_loop3A_130] {strides = array<i32>} : memref<80x128xi32, #tpu.memory_space<vmem>>, vector<16xi32>,
      %parallel_loop3A_132 = tpu.vector_load_idx %arg9[%parallel_loop3A_131] : memref<10000xf32, #tpu.memory_space<vmem>>[vector<16xi32>], vector<16xf32>,
      %parallel_loop3A_133 = arith.index_cast %parallel_loop3A_128 : i32 to index
      %parallel_loop3A_134 = arith.constant 0 : index
      %parallel_loop3A_135 = tpu.vector_load %arg8[%parallel_loop3A_133, %parallel_loop3A_134] {strides = array<i32>} : memref<80x128xf32, #tpu.memory_space<vmem>>, vector<16xf32>,
      %parallel_loop3A_136 = arith.addf %parallel_loop3A_135, %parallel_loop3A_132 : vector<16xf32>
      %parallel_loop3A_137 = arith.constant 0.000000e+00 : f32
      %parallel_loop3A_138 = vector.broadcast %parallel_loop3A_137 : f32 to vector<16xf32>
      %parallel_loop3A_139 = arith.cmpf oge, %parallel_loop3A_136, %parallel_loop3A_138 : vector<16xf32>
      %parallel_loop3A_140 = arith.constant 0.00999999977 : f32
      %parallel_loop3A_141 = vector.broadcast %parallel_loop3A_140 : f32 to vector<16xf32>
      %parallel_loop3A_142 = arith.mulf %parallel_loop3A_136, %parallel_loop3A_141 : vector<16xf32>
      %parallel_loop3A_143 = arith.select %parallel_loop3A_139, %parallel_loop3A_136, %parallel_loop3A_142 : vector<16xi1>, vector<16xf32>
      %parallel_loop3A_144 = math.exp %parallel_loop3A_143 : vector<16xf32>
      %parallel_loop3A_145 = arith.index_cast %parallel_loop3A_128 : i32 to index
      %parallel_loop3A_146 = arith.constant 0 : index
      %parallel_loop3A_147 = tpu.vector_load %arg10[%parallel_loop3A_145, %parallel_loop3A_146] {strides = array<i32>} : memref<80x128xf32, #tpu.memory_space<vmem>>, vector<16xf32>,
      tpu.vector_store %arg10[%parallel_loop3A_145, %parallel_loop3A_146], %parallel_loop3A_144 {strides = array<i32>} : memref<80x128xf32, #tpu.memory_space<vmem>>, vector<16xf32>,
      %parallel_loop3A_148 = arith.index_cast %parallel_loop3A_128 : i32 to index
      %parallel_loop3A_149 = arith.constant 16 : index
      %parallel_loop3A_150 = tpu.vector_load %arg7[%parallel_loop3A_148, %parallel_loop3A_149] {strides = array<i32>} : memref<80x128xi32, #tpu.memory_space<vmem>>, vector<16xi32>,
      %parallel_loop3A_151 = tpu.vector_load_idx %arg9[%parallel_loop3A_150] : memref<10000xf32, #tpu.memory_space<vmem>>[vector<16xi32>], vector<16xf32>,
      %parallel_loop3A_152 = arith.index_cast %parallel_loop3A_128 : i32 to index
      %parallel_loop3A_153 = arith.constant 16 : index
      %parallel_loop3A_154 = tpu.vector_load %arg8[%parallel_loop3A_152, %parallel_loop3A_153] {strides = array<i32>} : memref<80x128xf32, #tpu.memory_space<vmem>>, vector<16xf32>,
      %parallel_loop3A_155 = arith.addf %parallel_loop3A_154, %parallel_loop3A_151 : vector<16xf32>
      %parallel_loop3A_156 = arith.constant 0.000000e+00 : f32
      %parallel_loop3A_157 = vector.broadcast %parallel_loop3A_156 : f32 to vector<16xf32>
      %parallel_loop3A_158 = arith.cmpf oge, %parallel_loop3A_155, %parallel_loop3A_157 : vector<16xf32>
      %parallel_loop3A_159 = arith.constant 0.00999999977 : f32
      %parallel_loop3A_160 = vector.broadcast %parallel_loop3A_159 : f32 to vector<16xf32>
      %parallel_loop3A_161 = arith.mulf %parallel_loop3A_155, %parallel_loop3A_160 : vector<16xf32>
      %parallel_loop3A_162 = arith.select %parallel_loop3A_158, %parallel_loop3A_155, %parallel_loop3A_161 : vector<16xi1>, vector<16xf32>
      %parallel_loop3A_163 = math.exp %parallel_loop3A_162 : vector<16xf32>
      %parallel_loop3A_164 = arith.index_cast %parallel_loop3A_128 : i32 to index
      %parallel_loop3A_165 = arith.constant 16 : index
      %parallel_loop3A_166 = tpu.vector_load %arg10[%parallel_loop3A_164, %parallel_loop3A_165] {strides = array<i32>} : memref<80x128xf32, #tpu.memory_space<vmem>>, vector<16xf32>,
      tpu.vector_store %arg10[%parallel_loop3A_164, %parallel_loop3A_165], %parallel_loop3A_163 {strides = array<i32>} : memref<80x128xf32, #tpu.memory_space<vmem>>, vector<16xf32>,
      %parallel_loop3A_167 = arith.index_cast %parallel_loop3A_128 : i32 to index
      %parallel_loop3A_168 = arith.constant 32 : index
      %parallel_loop3A_169 = tpu.vector_load %arg7[%parallel_loop3A_167, %parallel_loop3A_168] {strides = array<i32>} : memref<80x128xi32, #tpu.memory_space<vmem>>, vector<16xi32>,
      %parallel_loop3A_170 = tpu.vector_load_idx %arg9[%parallel_loop3A_169] : memref<10000xf32, #tpu.memory_space<vmem>>[vector<16xi32>], vector<16xf32>,
      %parallel_loop3A_171 = arith.index_cast %parallel_loop3A_128 : i32 to index
      %parallel_loop3A_172 = arith.constant 32 : index
      %parallel_loop3A_173 = tpu.vector_load %arg8[%parallel_loop3A_171, %parallel_loop3A_172] {strides = array<i32>} : memref<80x128xf32, #tpu.memory_space<vmem>>, vector<16xf32>,
      %parallel_loop3A_174 = arith.addf %parallel_loop3A_173, %parallel_loop3A_170 : vector<16xf32>
      %parallel_loop3A_175 = arith.constant 0.000000e+00 : f32
      %parallel_loop3A_176 = vector.broadcast %parallel_loop3A_175 : f32 to vector<16xf32>
      %parallel_loop3A_177 = arith.cmpf oge, %parallel_loop3A_174, %parallel_loop3A_176 : vector<16xf32>
      %parallel_loop3A_178 = arith.constant 0.00999999977 : f32
      %parallel_loop3A_179 = vector.broadcast %parallel_loop3A_178 : f32 to vector<16xf32>
      %parallel_loop3A_180 = arith.mulf %parallel_loop3A_174, %parallel_loop3A_179 : vector<16xf32>
      %parallel_loop3A_181 = arith.select %parallel_loop3A_177, %parallel_loop3A_174, %parallel_loop3A_180 : vector<16xi1>, vector<16xf32>
      %parallel_loop3A_182 = math.exp %parallel_loop3A_181 : vector<16xf32>
      %parallel_loop3A_183 = arith.index_cast %parallel_loop3A_128 : i32 to index
      %parallel_loop3A_184 = arith.constant 32 : index
      %parallel_loop3A_185 = tpu.vector_load %arg10[%parallel_loop3A_183, %parallel_loop3A_184] {strides = array<i32>} : memref<80x128xf32, #tpu.memory_space<vmem>>, vector<16xf32>,
      tpu.vector_store %arg10[%parallel_loop3A_183, %parallel_loop3A_184], %parallel_loop3A_182 {strides = array<i32>} : memref<80x128xf32, #tpu.memory_space<vmem>>, vector<16xf32>,
      %parallel_loop3A_186 = arith.index_cast %parallel_loop3A_128 : i32 to index
      %parallel_loop3A_187 = arith.constant 48 : index
      %parallel_loop3A_188 = tpu.vector_load %arg7[%parallel_loop3A_186, %parallel_loop3A_187] {strides = array<i32>} : memref<80x128xi32, #tpu.memory_space<vmem>>, vector<16xi32>,
      %parallel_loop3A_189 = tpu.vector_load_idx %arg9[%parallel_loop3A_188] : memref<10000xf32, #tpu.memory_space<vmem>>[vector<16xi32>], vector<16xf32>,
      %parallel_loop3A_190 = arith.index_cast %parallel_loop3A_128 : i32 to index
      %parallel_loop3A_191 = arith.constant 48 : index
      %parallel_loop3A_192 = tpu.vector_load %arg8[%parallel_loop3A_190, %parallel_loop3A_191] {strides = array<i32>} : memref<80x128xf32, #tpu.memory_space<vmem>>, vector<16xf32>,
      %parallel_loop3A_193 = arith.addf %parallel_loop3A_192, %parallel_loop3A_189 : vector<16xf32>
      %parallel_loop3A_194 = arith.constant 0.000000e+00 : f32
      %parallel_loop3A_195 = vector.broadcast %parallel_loop3A_194 : f32 to vector<16xf32>
      %parallel_loop3A_196 = arith.cmpf oge, %parallel_loop3A_193, %parallel_loop3A_195 : vector<16xf32>
      %parallel_loop3A_197 = arith.constant 0.00999999977 : f32
      %parallel_loop3A_198 = vector.broadcast %parallel_loop3A_197 : f32 to vector<16xf32>
      %parallel_loop3A_199 = arith.mulf %parallel_loop3A_193, %parallel_loop3A_198 : vector<16xf32>
      %parallel_loop3A_200 = arith.select %parallel_loop3A_196, %parallel_loop3A_193, %parallel_loop3A_199 : vector<16xi1>, vector<16xf32>
      %parallel_loop3A_201 = math.exp %parallel_loop3A_200 : vector<16xf32>
      %parallel_loop3A_202 = arith.index_cast %parallel_loop3A_128 : i32 to index
      %parallel_loop3A_203 = arith.constant 48 : index
      %parallel_loop3A_204 = tpu.vector_load %arg10[%parallel_loop3A_202, %parallel_loop3A_203] {strides = array<i32>} : memref<80x128xf32, #tpu.memory_space<vmem>>, vector<16xf32>,
      tpu.vector_store %arg10[%parallel_loop3A_202, %parallel_loop3A_203], %parallel_loop3A_201 {strides = array<i32>} : memref<80x128xf32, #tpu.memory_space<vmem>>, vector<16xf32>,
      %parallel_loop3A_205 = arith.index_cast %parallel_loop3A_128 : i32 to index
      %parallel_loop3A_206 = arith.constant 64 : index
      %parallel_loop3A_207 = tpu.vector_load %arg7[%parallel_loop3A_205, %parallel_loop3A_206] {strides = array<i32>} : memref<80x128xi32, #tpu.memory_space<vmem>>, vector<16xi32>,
      %parallel_loop3A_208 = tpu.vector_load_idx %arg9[%parallel_loop3A_207] : memref<10000xf32, #tpu.memory_space<vmem>>[vector<16xi32>], vector<16xf32>,
      %parallel_loop3A_209 = arith.index_cast %parallel_loop3A_128 : i32 to index
      %parallel_loop3A_210 = arith.constant 64 : index
      %parallel_loop3A_211 = tpu.vector_load %arg8[%parallel_loop3A_209, %parallel_loop3A_210] {strides = array<i32>} : memref<80x128xf32, #tpu.memory_space<vmem>>, vector<16xf32>,
      %parallel_loop3A_212 = arith.addf %parallel_loop3A_211, %parallel_loop3A_208 : vector<16xf32>
      %parallel_loop3A_213 = arith.constant 0.000000e+00 : f32
      %parallel_loop3A_214 = vector.broadcast %parallel_loop3A_213 : f32 to vector<16xf32>
      %parallel_loop3A_215 = arith.cmpf oge, %parallel_loop3A_212, %parallel_loop3A_214 : vector<16xf32>
      %parallel_loop3A_216 = arith.constant 0.00999999977 : f32
      %parallel_loop3A_217 = vector.broadcast %parallel_loop3A_216 : f32 to vector<16xf32>
      %parallel_loop3A_218 = arith.mulf %parallel_loop3A_212, %parallel_loop3A_217 : vector<16xf32>
      %parallel_loop3A_219 = arith.select %parallel_loop3A_215, %parallel_loop3A_212, %parallel_loop3A_218 : vector<16xi1>, vector<16xf32>
      %parallel_loop3A_220 = math.exp %parallel_loop3A_219 : vector<16xf32>
      %parallel_loop3A_221 = arith.index_cast %parallel_loop3A_128 : i32 to index
      %parallel_loop3A_222 = arith.constant 64 : index
      %parallel_loop3A_223 = tpu.vector_load %arg10[%parallel_loop3A_221, %parallel_loop3A_222] {strides = array<i32>} : memref<80x128xf32, #tpu.memory_space<vmem>>, vector<16xf32>,
      tpu.vector_store %arg10[%parallel_loop3A_221, %parallel_loop3A_222], %parallel_loop3A_220 {strides = array<i32>} : memref<80x128xf32, #tpu.memory_space<vmem>>, vector<16xf32>,
      %parallel_loop3A_224 = arith.index_cast %parallel_loop3A_128 : i32 to index
      %parallel_loop3A_225 = arith.constant 80 : index
      %parallel_loop3A_226 = tpu.vector_load %arg7[%parallel_loop3A_224, %parallel_loop3A_225] {strides = array<i32>} : memref<80x128xi32, #tpu.memory_space<vmem>>, vector<16xi32>,
      %parallel_loop3A_227 = tpu.vector_load_idx %arg9[%parallel_loop3A_226] : memref<10000xf32, #tpu.memory_space<vmem>>[vector<16xi32>], vector<16xf32>,
      %parallel_loop3A_228 = arith.index_cast %parallel_loop3A_128 : i32 to index
      %parallel_loop3A_229 = arith.constant 80 : index
      %parallel_loop3A_230 = tpu.vector_load %arg8[%parallel_loop3A_228, %parallel_loop3A_229] {strides = array<i32>} : memref<80x128xf32, #tpu.memory_space<vmem>>, vector<16xf32>,
      %parallel_loop3A_231 = arith.addf %parallel_loop3A_230, %parallel_loop3A_227 : vector<16xf32>
      %parallel_loop3A_232 = arith.constant 0.000000e+00 : f32
      %parallel_loop3A_233 = vector.broadcast %parallel_loop3A_232 : f32 to vector<16xf32>
      %parallel_loop3A_234 = arith.cmpf oge, %parallel_loop3A_231, %parallel_loop3A_233 : vector<16xf32>
      %parallel_loop3A_235 = arith.constant 0.00999999977 : f32
      %parallel_loop3A_236 = vector.broadcast %parallel_loop3A_235 : f32 to vector<16xf32>
      %parallel_loop3A_237 = arith.mulf %parallel_loop3A_231, %parallel_loop3A_236 : vector<16xf32>
      %parallel_loop3A_238 = arith.select %parallel_loop3A_234, %parallel_loop3A_231, %parallel_loop3A_237 : vector<16xi1>, vector<16xf32>
      %parallel_loop3A_239 = math.exp %parallel_loop3A_238 : vector<16xf32>
      %parallel_loop3A_240 = arith.index_cast %parallel_loop3A_128 : i32 to index
      %parallel_loop3A_241 = arith.constant 80 : index
      %parallel_loop3A_242 = tpu.vector_load %arg10[%parallel_loop3A_240, %parallel_loop3A_241] {strides = array<i32>} : memref<80x128xf32, #tpu.memory_space<vmem>>, vector<16xf32>,
      tpu.vector_store %arg10[%parallel_loop3A_240, %parallel_loop3A_241], %parallel_loop3A_239 {strides = array<i32>} : memref<80x128xf32, #tpu.memory_space<vmem>>, vector<16xf32>,
      %parallel_loop3A_243 = arith.index_cast %parallel_loop3A_128 : i32 to index
      %parallel_loop3A_244 = arith.constant 96 : index
      %parallel_loop3A_245 = tpu.vector_load %arg7[%parallel_loop3A_243, %parallel_loop3A_244] {strides = array<i32>} : memref<80x128xi32, #tpu.memory_space<vmem>>, vector<16xi32>,
      %parallel_loop3A_246 = tpu.vector_load_idx %arg9[%parallel_loop3A_245] : memref<10000xf32, #tpu.memory_space<vmem>>[vector<16xi32>], vector<16xf32>,
      %parallel_loop3A_247 = arith.index_cast %parallel_loop3A_128 : i32 to index
      %parallel_loop3A_248 = arith.constant 96 : index
      %parallel_loop3A_249 = tpu.vector_load %arg8[%parallel_loop3A_247, %parallel_loop3A_248] {strides = array<i32>} : memref<80x128xf32, #tpu.memory_space<vmem>>, vector<16xf32>,
      %parallel_loop3A_250 = arith.addf %parallel_loop3A_249, %parallel_loop3A_246 : vector<16xf32>
      %parallel_loop3A_251 = arith.constant 0.000000e+00 : f32
      %parallel_loop3A_252 = vector.broadcast %parallel_loop3A_251 : f32 to vector<16xf32>
      %parallel_loop3A_253 = arith.cmpf oge, %parallel_loop3A_250, %parallel_loop3A_252 : vector<16xf32>
      %parallel_loop3A_254 = arith.constant 0.00999999977 : f32
      %parallel_loop3A_255 = vector.broadcast %parallel_loop3A_254 : f32 to vector<16xf32>
      %parallel_loop3A_256 = arith.mulf %parallel_loop3A_250, %parallel_loop3A_255 : vector<16xf32>
      %parallel_loop3A_257 = arith.select %parallel_loop3A_253, %parallel_loop3A_250, %parallel_loop3A_256 : vector<16xi1>, vector<16xf32>
      %parallel_loop3A_258 = math.exp %parallel_loop3A_257 : vector<16xf32>
      %parallel_loop3A_259 = arith.index_cast %parallel_loop3A_128 : i32 to index
      %parallel_loop3A_260 = arith.constant 96 : index
      %parallel_loop3A_261 = tpu.vector_load %arg10[%parallel_loop3A_259, %parallel_loop3A_260] {strides = array<i32>} : memref<80x128xf32, #tpu.memory_space<vmem>>, vector<16xf32>,
      tpu.vector_store %arg10[%parallel_loop3A_259, %parallel_loop3A_260], %parallel_loop3A_258 {strides = array<i32>} : memref<80x128xf32, #tpu.memory_space<vmem>>, vector<16xf32>,
      %parallel_loop3A_262 = arith.index_cast %parallel_loop3A_128 : i32 to index
      %parallel_loop3A_263 = arith.constant 112 : index
      %parallel_loop3A_264 = tpu.vector_load %arg7[%parallel_loop3A_262, %parallel_loop3A_263] {strides = array<i32>} : memref<80x128xi32, #tpu.memory_space<vmem>>, vector<16xi32>,
      %parallel_loop3A_265 = tpu.vector_load_idx %arg9[%parallel_loop3A_264] : memref<10000xf32, #tpu.memory_space<vmem>>[vector<16xi32>], vector<16xf32>,
      %parallel_loop3A_266 = arith.index_cast %parallel_loop3A_128 : i32 to index
      %parallel_loop3A_267 = arith.constant 112 : index
      %parallel_loop3A_268 = tpu.vector_load %arg8[%parallel_loop3A_266, %parallel_loop3A_267] {strides = array<i32>} : memref<80x128xf32, #tpu.memory_space<vmem>>, vector<16xf32>,
      %parallel_loop3A_269 = arith.addf %parallel_loop3A_268, %parallel_loop3A_265 : vector<16xf32>
      %parallel_loop3A_270 = arith.constant 0.000000e+00 : f32
      %parallel_loop3A_271 = vector.broadcast %parallel_loop3A_270 : f32 to vector<16xf32>
      %parallel_loop3A_272 = arith.cmpf oge, %parallel_loop3A_269, %parallel_loop3A_271 : vector<16xf32>
      %parallel_loop3A_273 = arith.constant 0.00999999977 : f32
      %parallel_loop3A_274 = vector.broadcast %parallel_loop3A_273 : f32 to vector<16xf32>
      %parallel_loop3A_275 = arith.mulf %parallel_loop3A_269, %parallel_loop3A_274 : vector<16xf32>
      %parallel_loop3A_276 = arith.select %parallel_loop3A_272, %parallel_loop3A_269, %parallel_loop3A_275 : vector<16xi1>, vector<16xf32>
      %parallel_loop3A_277 = math.exp %parallel_loop3A_276 : vector<16xf32>
      %parallel_loop3A_278 = arith.index_cast %parallel_loop3A_128 : i32 to index
      %parallel_loop3A_279 = arith.constant 112 : index
      %parallel_loop3A_280 = tpu.vector_load %arg10[%parallel_loop3A_278, %parallel_loop3A_279] {strides = array<i32>} : memref<80x128xf32, #tpu.memory_space<vmem>>, vector<16xf32>,
      tpu.vector_store %arg10[%parallel_loop3A_278, %parallel_loop3A_279], %parallel_loop3A_277 {strides = array<i32>} : memref<80x128xf32, #tpu.memory_space<vmem>>, vector<16xf32>,
    } {sc.loop_unroll_factor = 1 : i64, sc.parallel_access}
    %dma_start3A = arith.constant 0 : i32
    %dma_start3A_112 = tpu.memref_slice %arg5[%multiple_of3A, %dma_start3A] : memref<2560x128xf32, #tpu.memory_space<hbm>> -> memref<80x128xf32, #tpu.memory_space<hbm>>
    %dma_start3A_113 = arith.constant 0 : i32
    %dma_start3A_114 = tpu.memref_slice %arg5[%multiple_of3A, %dma_start3A_113] : memref<2560x128xf32, #tpu.memory_space<hbm>> -> memref<80x128xf32, #tpu.memory_space<hbm>>
    tpu.enqueue_dma source(%arg10 : memref<80x128xf32, #tpu.memory_space<vmem>>) target(%dma_start3A_114 : memref<80x128xf32, #tpu.memory_space<hbm>>) target_semaphore(%arg14 : memref<!tpu.dma_semaphore, #tpu.memory_space<semaphore_mem>>)
    %barrier3A = arith.constant 0 : index
    tpu.barrier barrier_id(%barrier3A)
    %scan3A = arith.constant 0 : i32
    %scan3A_115 = arith.constant 16 : i32
    %scan3A_116 = arith.addi %scan3A, %scan3A_115 : i32
    %scan3A_117 = arith.constant 1 : i32
    scf.for %scan3A_128 = %scan3A to %scan3A_116 step %scan3A_117  : i32 {
      %mul3A_129 = arith.constant 5 : i32
      %mul3A_130 = arith.muli %scan3A_128, %mul3A_129 : i32
      %add3A_131 = arith.constant 0 : i32
      %add3A_132 = arith.addi %mul3A_130, %add3A_131 : i32
      %lt3A = arith.cmpi slt, %add3A_132, %sub3A_106 : i32
      %convert_element_type3A_133 = arith.extui %lt3A : i1 to i32
      %cond3A_134 = arith.constant 0 : i32
      %cond3A_135 = arith.cmpi ne, %convert_element_type3A_133, %cond3A_134 : i32
      scf.if %cond3A_135 {
        %dma_start3A_208 = arith.constant 0 : i32
        %dma_start3A_209 = tpu.memref_slice %arg10[%add3A_132, %dma_start3A_208] : memref<80x128xf32, #tpu.memory_space<vmem>> -> memref<1x128xf32, #tpu.memory_space<vmem>>
        %dma_start3A_210 = tpu.memref_squeeze %dma_start3A_209 : memref<1x128xf32, #tpu.memory_space<vmem>> -> memref<128xf32, #tpu.memory_space<vmem>>
        %dma_start3A_211 = arith.constant 0 : i32
        %dma_start3A_212 = tpu.memref_slice %arg7[%add3A_132, %dma_start3A_211] : memref<80x128xi32, #tpu.memory_space<vmem>> -> memref<1x128xi32, #tpu.memory_space<vmem>>
        %dma_start3A_213 = tpu.memref_squeeze %dma_start3A_212 : memref<1x128xi32, #tpu.memory_space<vmem>> -> memref<128xi32, #tpu.memory_space<vmem>>
        %dma_start3A_214 = arith.constant 0 : i32
        %dma_start3A_215 = tpu.memref_slice %arg12[%dma_start3A_214] : memref<10112xf32, #tpu.memory_space<vmem_shared>> -> memref<10112xf32, #tpu.memory_space<vmem_shared>>
        tpu.enqueue_indirect_dma source(%dma_start3A_210 : memref<128xf32, #tpu.memory_space<vmem>>) target(%dma_start3A_215 : memref<10112xf32, #tpu.memory_space<vmem_shared>>) offsets(%dma_start3A_213 : memref<128xi32, #tpu.memory_space<vmem>>) semaphore(%arg13 : memref<!tpu.dma_semaphore, #tpu.memory_space<semaphore_mem>>) {add = true}
      } else {
      }
      %mul3A_136 = arith.constant 5 : i32
      %mul3A_137 = arith.muli %scan3A_128, %mul3A_136 : i32
      %add3A_138 = arith.constant 1 : i32
      %add3A_139 = arith.addi %mul3A_137, %add3A_138 : i32
      %lt3A_140 = arith.cmpi slt, %add3A_139, %sub3A_106 : i32
      %convert_element_type3A_141 = arith.extui %lt3A_140 : i1 to i32
      %cond3A_142 = arith.constant 0 : i32
      %cond3A_143 = arith.cmpi ne, %convert_element_type3A_141, %cond3A_142 : i32
      scf.if %cond3A_143 {
        %dma_start3A_208 = arith.constant 0 : i32
        %dma_start3A_209 = tpu.memref_slice %arg10[%add3A_139, %dma_start3A_208] : memref<80x128xf32, #tpu.memory_space<vmem>> -> memref<1x128xf32, #tpu.memory_space<vmem>>
        %dma_start3A_210 = tpu.memref_squeeze %dma_start3A_209 : memref<1x128xf32, #tpu.memory_space<vmem>> -> memref<128xf32, #tpu.memory_space<vmem>>
        %dma_start3A_211 = arith.constant 0 : i32
        %dma_start3A_212 = tpu.memref_slice %arg7[%add3A_139, %dma_start3A_211] : memref<80x128xi32, #tpu.memory_space<vmem>> -> memref<1x128xi32, #tpu.memory_space<vmem>>
        %dma_start3A_213 = tpu.memref_squeeze %dma_start3A_212 : memref<1x128xi32, #tpu.memory_space<vmem>> -> memref<128xi32, #tpu.memory_space<vmem>>
        %dma_start3A_214 = arith.constant 0 : i32
        %dma_start3A_215 = tpu.memref_slice %arg12[%dma_start3A_214] : memref<10112xf32, #tpu.memory_space<vmem_shared>> -> memref<10112xf32, #tpu.memory_space<vmem_shared>>
        tpu.enqueue_indirect_dma source(%dma_start3A_210 : memref<128xf32, #tpu.memory_space<vmem>>) target(%dma_start3A_215 : memref<10112xf32, #tpu.memory_space<vmem_shared>>) offsets(%dma_start3A_213 : memref<128xi32, #tpu.memory_space<vmem>>) semaphore(%arg13 : memref<!tpu.dma_semaphore, #tpu.memory_space<semaphore_mem>>) {add = true}
      } else {
      }
      %mul3A_144 = arith.constant 5 : i32
      %mul3A_145 = arith.muli %scan3A_128, %mul3A_144 : i32
      %add3A_146 = arith.constant 2 : i32
      %add3A_147 = arith.addi %mul3A_145, %add3A_146 : i32
      %lt3A_148 = arith.cmpi slt, %add3A_147, %sub3A_106 : i32
      %convert_element_type3A_149 = arith.extui %lt3A_148 : i1 to i32
      %cond3A_150 = arith.constant 0 : i32
      %cond3A_151 = arith.cmpi ne, %convert_element_type3A_149, %cond3A_150 : i32
      scf.if %cond3A_151 {
        %dma_start3A_208 = arith.constant 0 : i32
        %dma_start3A_209 = tpu.memref_slice %arg10[%add3A_147, %dma_start3A_208] : memref<80x128xf32, #tpu.memory_space<vmem>> -> memref<1x128xf32, #tpu.memory_space<vmem>>
        %dma_start3A_210 = tpu.memref_squeeze %dma_start3A_209 : memref<1x128xf32, #tpu.memory_space<vmem>> -> memref<128xf32, #tpu.memory_space<vmem>>
        %dma_start3A_211 = arith.constant 0 : i32
        %dma_start3A_212 = tpu.memref_slice %arg7[%add3A_147, %dma_start3A_211] : memref<80x128xi32, #tpu.memory_space<vmem>> -> memref<1x128xi32, #tpu.memory_space<vmem>>
        %dma_start3A_213 = tpu.memref_squeeze %dma_start3A_212 : memref<1x128xi32, #tpu.memory_space<vmem>> -> memref<128xi32, #tpu.memory_space<vmem>>
        %dma_start3A_214 = arith.constant 0 : i32
        %dma_start3A_215 = tpu.memref_slice %arg12[%dma_start3A_214] : memref<10112xf32, #tpu.memory_space<vmem_shared>> -> memref<10112xf32, #tpu.memory_space<vmem_shared>>
        tpu.enqueue_indirect_dma source(%dma_start3A_210 : memref<128xf32, #tpu.memory_space<vmem>>) target(%dma_start3A_215 : memref<10112xf32, #tpu.memory_space<vmem_shared>>) offsets(%dma_start3A_213 : memref<128xi32, #tpu.memory_space<vmem>>) semaphore(%arg13 : memref<!tpu.dma_semaphore, #tpu.memory_space<semaphore_mem>>) {add = true}
      } else {
      }
      %mul3A_152 = arith.constant 5 : i32
      %mul3A_153 = arith.muli %scan3A_128, %mul3A_152 : i32
      %add3A_154 = arith.constant 3 : i32
      %add3A_155 = arith.addi %mul3A_153, %add3A_154 : i32
      %lt3A_156 = arith.cmpi slt, %add3A_155, %sub3A_106 : i32
      %convert_element_type3A_157 = arith.extui %lt3A_156 : i1 to i32
      %cond3A_158 = arith.constant 0 : i32
      %cond3A_159 = arith.cmpi ne, %convert_element_type3A_157, %cond3A_158 : i32
      scf.if %cond3A_159 {
        %dma_start3A_208 = arith.constant 0 : i32
        %dma_start3A_209 = tpu.memref_slice %arg10[%add3A_155, %dma_start3A_208] : memref<80x128xf32, #tpu.memory_space<vmem>> -> memref<1x128xf32, #tpu.memory_space<vmem>>
        %dma_start3A_210 = tpu.memref_squeeze %dma_start3A_209 : memref<1x128xf32, #tpu.memory_space<vmem>> -> memref<128xf32, #tpu.memory_space<vmem>>
        %dma_start3A_211 = arith.constant 0 : i32
        %dma_start3A_212 = tpu.memref_slice %arg7[%add3A_155, %dma_start3A_211] : memref<80x128xi32, #tpu.memory_space<vmem>> -> memref<1x128xi32, #tpu.memory_space<vmem>>
        %dma_start3A_213 = tpu.memref_squeeze %dma_start3A_212 : memref<1x128xi32, #tpu.memory_space<vmem>> -> memref<128xi32, #tpu.memory_space<vmem>>
        %dma_start3A_214 = arith.constant 0 : i32
        %dma_start3A_215 = tpu.memref_slice %arg12[%dma_start3A_214] : memref<10112xf32, #tpu.memory_space<vmem_shared>> -> memref<10112xf32, #tpu.memory_space<vmem_shared>>
        tpu.enqueue_indirect_dma source(%dma_start3A_210 : memref<128xf32, #tpu.memory_space<vmem>>) target(%dma_start3A_215 : memref<10112xf32, #tpu.memory_space<vmem_shared>>) offsets(%dma_start3A_213 : memref<128xi32, #tpu.memory_space<vmem>>) semaphore(%arg13 : memref<!tpu.dma_semaphore, #tpu.memory_space<semaphore_mem>>) {add = true}
      } else {
      }
      %mul3A_160 = arith.constant 5 : i32
      %mul3A_161 = arith.muli %scan3A_128, %mul3A_160 : i32
      %add3A_162 = arith.constant 4 : i32
      %add3A_163 = arith.addi %mul3A_161, %add3A_162 : i32
      %lt3A_164 = arith.cmpi slt, %add3A_163, %sub3A_106 : i32
      %convert_element_type3A_165 = arith.extui %lt3A_164 : i1 to i32
      %cond3A_166 = arith.constant 0 : i32
      %cond3A_167 = arith.cmpi ne, %convert_element_type3A_165, %cond3A_166 : i32
      scf.if %cond3A_167 {
        %dma_start3A_208 = arith.constant 0 : i32
        %dma_start3A_209 = tpu.memref_slice %arg10[%add3A_163, %dma_start3A_208] : memref<80x128xf32, #tpu.memory_space<vmem>> -> memref<1x128xf32, #tpu.memory_space<vmem>>
        %dma_start3A_210 = tpu.memref_squeeze %dma_start3A_209 : memref<1x128xf32, #tpu.memory_space<vmem>> -> memref<128xf32, #tpu.memory_space<vmem>>
        %dma_start3A_211 = arith.constant 0 : i32
        %dma_start3A_212 = tpu.memref_slice %arg7[%add3A_163, %dma_start3A_211] : memref<80x128xi32, #tpu.memory_space<vmem>> -> memref<1x128xi32, #tpu.memory_space<vmem>>
        %dma_start3A_213 = tpu.memref_squeeze %dma_start3A_212 : memref<1x128xi32, #tpu.memory_space<vmem>> -> memref<128xi32, #tpu.memory_space<vmem>>
        %dma_start3A_214 = arith.constant 0 : i32
        %dma_start3A_215 = tpu.memref_slice %arg12[%dma_start3A_214] : memref<10112xf32, #tpu.memory_space<vmem_shared>> -> memref<10112xf32, #tpu.memory_space<vmem_shared>>
        tpu.enqueue_indirect_dma source(%dma_start3A_210 : memref<128xf32, #tpu.memory_space<vmem>>) target(%dma_start3A_215 : memref<10112xf32, #tpu.memory_space<vmem_shared>>) offsets(%dma_start3A_213 : memref<128xi32, #tpu.memory_space<vmem>>) semaphore(%arg13 : memref<!tpu.dma_semaphore, #tpu.memory_space<semaphore_mem>>) {add = true}
      } else {
      }
      %mul3A_168 = arith.constant 5 : i32
      %mul3A_169 = arith.muli %scan3A_128, %mul3A_168 : i32
      %add3A_170 = arith.constant 0 : i32
      %add3A_171 = arith.addi %mul3A_169, %add3A_170 : i32
      %lt3A_172 = arith.cmpi slt, %add3A_171, %sub3A_106 : i32
      %convert_element_type3A_173 = arith.extui %lt3A_172 : i1 to i32
      %cond3A_174 = arith.constant 0 : i32
      %cond3A_175 = arith.cmpi ne, %convert_element_type3A_173, %cond3A_174 : i32
      scf.if %cond3A_175 {
        %dma_wait3A_208 = arith.constant 0 : i32
        %dma_wait3A_209 = tpu.memref_slice %arg10[%add3A_171, %dma_wait3A_208] : memref<80x128xf32, #tpu.memory_space<vmem>> -> memref<1x128xf32, #tpu.memory_space<vmem>>
        %dma_wait3A_210 = tpu.memref_squeeze %dma_wait3A_209 : memref<1x128xf32, #tpu.memory_space<vmem>> -> memref<128xf32, #tpu.memory_space<vmem>>
        %dma_wait3A_211 = arith.constant 0 : i32
        %dma_wait3A_212 = tpu.memref_slice %arg7[%add3A_171, %dma_wait3A_211] : memref<80x128xi32, #tpu.memory_space<vmem>> -> memref<1x128xi32, #tpu.memory_space<vmem>>
        %dma_wait3A_213 = tpu.memref_squeeze %dma_wait3A_212 : memref<1x128xi32, #tpu.memory_space<vmem>> -> memref<128xi32, #tpu.memory_space<vmem>>
        %dma_wait3A_214 = arith.constant 0 : i32
        %dma_wait3A_215 = tpu.memref_slice %arg12[%dma_wait3A_214] : memref<10112xf32, #tpu.memory_space<vmem_shared>> -> memref<10112xf32, #tpu.memory_space<vmem_shared>>
        tpu.wait_indirect_dma semaphore(%arg13 : memref<!tpu.dma_semaphore, #tpu.memory_space<semaphore_mem>>) src(%dma_wait3A_210 : memref<128xf32, #tpu.memory_space<vmem>>) dst(%dma_wait3A_215 : memref<10112xf32, #tpu.memory_space<vmem_shared>>)
      } else {
      }
      %mul3A_176 = arith.constant 5 : i32
      %mul3A_177 = arith.muli %scan3A_128, %mul3A_176 : i32
      %add3A_178 = arith.constant 1 : i32
      %add3A_179 = arith.addi %mul3A_177, %add3A_178 : i32
      %lt3A_180 = arith.cmpi slt, %add3A_179, %sub3A_106 : i32
      %convert_element_type3A_181 = arith.extui %lt3A_180 : i1 to i32
      %cond3A_182 = arith.constant 0 : i32
      %cond3A_183 = arith.cmpi ne, %convert_element_type3A_181, %cond3A_182 : i32
      scf.if %cond3A_183 {
        %dma_wait3A_208 = arith.constant 0 : i32
        %dma_wait3A_209 = tpu.memref_slice %arg10[%add3A_179, %dma_wait3A_208] : memref<80x128xf32, #tpu.memory_space<vmem>> -> memref<1x128xf32, #tpu.memory_space<vmem>>
        %dma_wait3A_210 = tpu.memref_squeeze %dma_wait3A_209 : memref<1x128xf32, #tpu.memory_space<vmem>> -> memref<128xf32, #tpu.memory_space<vmem>>
        %dma_wait3A_211 = arith.constant 0 : i32
        %dma_wait3A_212 = tpu.memref_slice %arg7[%add3A_179, %dma_wait3A_211] : memref<80x128xi32, #tpu.memory_space<vmem>> -> memref<1x128xi32, #tpu.memory_space<vmem>>
        %dma_wait3A_213 = tpu.memref_squeeze %dma_wait3A_212 : memref<1x128xi32, #tpu.memory_space<vmem>> -> memref<128xi32, #tpu.memory_space<vmem>>
        %dma_wait3A_214 = arith.constant 0 : i32
        %dma_wait3A_215 = tpu.memref_slice %arg12[%dma_wait3A_214] : memref<10112xf32, #tpu.memory_space<vmem_shared>> -> memref<10112xf32, #tpu.memory_space<vmem_shared>>
        tpu.wait_indirect_dma semaphore(%arg13 : memref<!tpu.dma_semaphore, #tpu.memory_space<semaphore_mem>>) src(%dma_wait3A_210 : memref<128xf32, #tpu.memory_space<vmem>>) dst(%dma_wait3A_215 : memref<10112xf32, #tpu.memory_space<vmem_shared>>)
      } else {
      }
      %mul3A_184 = arith.constant 5 : i32
      %mul3A_185 = arith.muli %scan3A_128, %mul3A_184 : i32
      %add3A_186 = arith.constant 2 : i32
      %add3A_187 = arith.addi %mul3A_185, %add3A_186 : i32
      %lt3A_188 = arith.cmpi slt, %add3A_187, %sub3A_106 : i32
      %convert_element_type3A_189 = arith.extui %lt3A_188 : i1 to i32
      %cond3A_190 = arith.constant 0 : i32
      %cond3A_191 = arith.cmpi ne, %convert_element_type3A_189, %cond3A_190 : i32
      scf.if %cond3A_191 {
        %dma_wait3A_208 = arith.constant 0 : i32
        %dma_wait3A_209 = tpu.memref_slice %arg10[%add3A_187, %dma_wait3A_208] : memref<80x128xf32, #tpu.memory_space<vmem>> -> memref<1x128xf32, #tpu.memory_space<vmem>>
        %dma_wait3A_210 = tpu.memref_squeeze %dma_wait3A_209 : memref<1x128xf32, #tpu.memory_space<vmem>> -> memref<128xf32, #tpu.memory_space<vmem>>
        %dma_wait3A_211 = arith.constant 0 : i32
        %dma_wait3A_212 = tpu.memref_slice %arg7[%add3A_187, %dma_wait3A_211] : memref<80x128xi32, #tpu.memory_space<vmem>> -> memref<1x128xi32, #tpu.memory_space<vmem>>
        %dma_wait3A_213 = tpu.memref_squeeze %dma_wait3A_212 : memref<1x128xi32, #tpu.memory_space<vmem>> -> memref<128xi32, #tpu.memory_space<vmem>>
        %dma_wait3A_214 = arith.constant 0 : i32
        %dma_wait3A_215 = tpu.memref_slice %arg12[%dma_wait3A_214] : memref<10112xf32, #tpu.memory_space<vmem_shared>> -> memref<10112xf32, #tpu.memory_space<vmem_shared>>
        tpu.wait_indirect_dma semaphore(%arg13 : memref<!tpu.dma_semaphore, #tpu.memory_space<semaphore_mem>>) src(%dma_wait3A_210 : memref<128xf32, #tpu.memory_space<vmem>>) dst(%dma_wait3A_215 : memref<10112xf32, #tpu.memory_space<vmem_shared>>)
      } else {
      }
      %mul3A_192 = arith.constant 5 : i32
      %mul3A_193 = arith.muli %scan3A_128, %mul3A_192 : i32
      %add3A_194 = arith.constant 3 : i32
      %add3A_195 = arith.addi %mul3A_193, %add3A_194 : i32
      %lt3A_196 = arith.cmpi slt, %add3A_195, %sub3A_106 : i32
      %convert_element_type3A_197 = arith.extui %lt3A_196 : i1 to i32
      %cond3A_198 = arith.constant 0 : i32
      %cond3A_199 = arith.cmpi ne, %convert_element_type3A_197, %cond3A_198 : i32
      scf.if %cond3A_199 {
        %dma_wait3A_208 = arith.constant 0 : i32
        %dma_wait3A_209 = tpu.memref_slice %arg10[%add3A_195, %dma_wait3A_208] : memref<80x128xf32, #tpu.memory_space<vmem>> -> memref<1x128xf32, #tpu.memory_space<vmem>>
        %dma_wait3A_210 = tpu.memref_squeeze %dma_wait3A_209 : memref<1x128xf32, #tpu.memory_space<vmem>> -> memref<128xf32, #tpu.memory_space<vmem>>
        %dma_wait3A_211 = arith.constant 0 : i32
        %dma_wait3A_212 = tpu.memref_slice %arg7[%add3A_195, %dma_wait3A_211] : memref<80x128xi32, #tpu.memory_space<vmem>> -> memref<1x128xi32, #tpu.memory_space<vmem>>
        %dma_wait3A_213 = tpu.memref_squeeze %dma_wait3A_212 : memref<1x128xi32, #tpu.memory_space<vmem>> -> memref<128xi32, #tpu.memory_space<vmem>>
        %dma_wait3A_214 = arith.constant 0 : i32
        %dma_wait3A_215 = tpu.memref_slice %arg12[%dma_wait3A_214] : memref<10112xf32, #tpu.memory_space<vmem_shared>> -> memref<10112xf32, #tpu.memory_space<vmem_shared>>
        tpu.wait_indirect_dma semaphore(%arg13 : memref<!tpu.dma_semaphore, #tpu.memory_space<semaphore_mem>>) src(%dma_wait3A_210 : memref<128xf32, #tpu.memory_space<vmem>>) dst(%dma_wait3A_215 : memref<10112xf32, #tpu.memory_space<vmem_shared>>)
      } else {
      }
      %mul3A_200 = arith.constant 5 : i32
      %mul3A_201 = arith.muli %scan3A_128, %mul3A_200 : i32
      %add3A_202 = arith.constant 4 : i32
      %add3A_203 = arith.addi %mul3A_201, %add3A_202 : i32
      %lt3A_204 = arith.cmpi slt, %add3A_203, %sub3A_106 : i32
      %convert_element_type3A_205 = arith.extui %lt3A_204 : i1 to i32
      %cond3A_206 = arith.constant 0 : i32
      %cond3A_207 = arith.cmpi ne, %convert_element_type3A_205, %cond3A_206 : i32
      scf.if %cond3A_207 {
        %dma_wait3A_208 = arith.constant 0 : i32
        %dma_wait3A_209 = tpu.memref_slice %arg10[%add3A_203, %dma_wait3A_208] : memref<80x128xf32, #tpu.memory_space<vmem>> -> memref<1x128xf32, #tpu.memory_space<vmem>>
        %dma_wait3A_210 = tpu.memref_squeeze %dma_wait3A_209 : memref<1x128xf32, #tpu.memory_space<vmem>> -> memref<128xf32, #tpu.memory_space<vmem>>
        %dma_wait3A_211 = arith.constant 0 : i32
        %dma_wait3A_212 = tpu.memref_slice %arg7[%add3A_203, %dma_wait3A_211] : memref<80x128xi32, #tpu.memory_space<vmem>> -> memref<1x128xi32, #tpu.memory_space<vmem>>
        %dma_wait3A_213 = tpu.memref_squeeze %dma_wait3A_212 : memref<1x128xi32, #tpu.memory_space<vmem>> -> memref<128xi32, #tpu.memory_space<vmem>>
        %dma_wait3A_214 = arith.constant 0 : i32
        %dma_wait3A_215 = tpu.memref_slice %arg12[%dma_wait3A_214] : memref<10112xf32, #tpu.memory_space<vmem_shared>> -> memref<10112xf32, #tpu.memory_space<vmem_shared>>
        tpu.wait_indirect_dma semaphore(%arg13 : memref<!tpu.dma_semaphore, #tpu.memory_space<semaphore_mem>>) src(%dma_wait3A_210 : memref<128xf32, #tpu.memory_space<vmem>>) dst(%dma_wait3A_215 : memref<10112xf32, #tpu.memory_space<vmem_shared>>)
      } else {
      }
    }
    %scan3A_118 = arith.constant 16 : i32
    %barrier3A_119 = arith.constant 0 : index
    tpu.barrier barrier_id(%barrier3A_119)
    %dma_wait3A = arith.constant 0 : i32
    %dma_wait3A_120 = tpu.memref_slice %arg5[%multiple_of3A, %dma_wait3A] : memref<2560x128xf32, #tpu.memory_space<hbm>> -> memref<80x128xf32, #tpu.memory_space<hbm>>
    %dma_wait3A_121 = arith.constant 0 : i32
    %dma_wait3A_122 = tpu.memref_slice %arg5[%multiple_of3A, %dma_wait3A_121] : memref<2560x128xf32, #tpu.memory_space<hbm>> -> memref<80x128xf32, #tpu.memory_space<hbm>>
    tpu.wait_dma2 semaphore(%arg14 : memref<!tpu.dma_semaphore, #tpu.memory_space<semaphore_mem>>) src(%arg10 : memref<80x128xf32, #tpu.memory_space<vmem>>) dst(%dma_wait3A_122 : memref<80x128xf32, #tpu.memory_space<hbm>>)
    %eq3A_123 = arith.constant 0 : i32
    %eq3A_124 = arith.cmpi eq, %arg1, %eq3A_123 : i32
    %convert_element_type3A_125 = arith.extui %eq3A_124 : i1 to i32
    %cond3A_126 = arith.constant 0 : i32
    %cond3A_127 = arith.cmpi ne, %convert_element_type3A_125, %cond3A_126 : i32
    scf.if %cond3A_127 {
      %mul3A_128 = arith.constant 10112 : i32
      %mul3A_129 = arith.muli %arg0, %mul3A_128 : i32
      "tpu.region"() ({
        %run_scoped3A = tpu.sem_alloc : memref<!tpu.dma_semaphore, #tpu.memory_space<semaphore_mem>>
        %dma_start3A_130 = tpu.memref_slice %arg6[%mul3A_129] : memref<20224xf32, #tpu.memory_space<hbm>> -> memref<10112xf32, #tpu.memory_space<hbm>>
        tpu.enqueue_dma source(%arg12 : memref<10112xf32, #tpu.memory_space<vmem_shared>>) target(%dma_start3A_130 : memref<10112xf32, #tpu.memory_space<hbm>>) target_semaphore(%run_scoped3A : memref<!tpu.dma_semaphore, #tpu.memory_space<semaphore_mem>>)
        %dma_wait3A_131 = tpu.memref_slice %arg6[%mul3A_129] : memref<20224xf32, #tpu.memory_space<hbm>> -> memref<10112xf32, #tpu.memory_space<hbm>>
        tpu.wait_dma2 semaphore(%run_scoped3A : memref<!tpu.dma_semaphore, #tpu.memory_space<semaphore_mem>>) src(%arg12 : memref<10112xf32, #tpu.memory_space<vmem_shared>>) dst(%dma_wait3A_131 : memref<10112xf32, #tpu.memory_space<hbm>>)
        tpu.yield
      }) : () -> ()
    } else {
    }
    return
  }
}

#map = affine_map<(d0, d1) -> (0, 0)>
#map1 = affine_map<(d0, d1) -> (0)>
module attributes {stable_mosaic.version = 14 : i64} {
  func.func @_sc2_body(%arg0: i32, %arg1: i32, %arg2: memref<2560x128xi32, #tpu.memory_space<hbm>>, %arg3: memref<2560x128xf32, #tpu.memory_space<hbm>>, %arg4: memref<20224xf32, #tpu.memory_space<hbm>>, %arg5: memref<2560x128xf32, #tpu.memory_space<hbm>>, %arg6: memref<80x128xi32, #tpu.memory_space<vmem>>, %arg7: memref<80x128xf32, #tpu.memory_space<vmem>>, %arg8: memref<10112xf32, #tpu.memory_space<vmem>>, %arg9: memref<10112xf32, #tpu.memory_space<vmem>>, %arg10: memref<80x128xf32, #tpu.memory_space<vmem>>) attributes {dimension_semantics = [#tpu.dimension_semantics<core_parallel>, #tpu.dimension_semantics<subcore_parallel>], iteration_bounds = array<i64: 2, 16>, scalar_prefetch = 0 : i64, scratch_operands = 5 : i64, tpu.core_type = #tpu.core_type<sc_vector_subcore>, window_params = [{transform_indices = #map}, {transform_indices = #map}, {transform_indices = #map1}, {transform_indices = #map}]} {
    %mul3A = arith.constant 2 : i32
    %mul3A_0 = arith.muli %arg1, %mul3A : i32
    %add3A = arith.addi %mul3A_0, %arg0 : i32
    %mul3A_1 = arith.constant 2500 : i32
    %mul3A_2 = arith.muli %add3A, %mul3A_1 : i32
    %jit3A = arith.constant 32 : i32
    %div3A = arith.divsi %mul3A_2, %jit3A : i32
    %sign3A = arith.constant 0 : i32
    %sign3A_3 = arith.cmpi sgt, %mul3A_2, %sign3A : i32
    %sign3A_4 = arith.extui %sign3A_3 : i1 to i32
    %sign3A_5 = arith.constant 0 : i32
    %sign3A_6 = arith.cmpi slt, %mul3A_2, %sign3A_5 : i32
    %sign3A_7 = arith.extui %sign3A_6 : i1 to i32
    %sign3A_8 = arith.subi %sign3A_4, %sign3A_7 : i32
    %sign3A_9 = arith.constant 0 : i32
    %sign3A_10 = arith.cmpi sgt, %jit3A, %sign3A_9 : i32
    %sign3A_11 = arith.extui %sign3A_10 : i1 to i32
    %sign3A_12 = arith.constant 0 : i32
    %sign3A_13 = arith.cmpi slt, %jit3A, %sign3A_12 : i32
    %sign3A_14 = arith.extui %sign3A_13 : i1 to i32
    %sign3A_15 = arith.subi %sign3A_11, %sign3A_14 : i32
    %ne3A = arith.cmpi ne, %sign3A_8, %sign3A_15 : i32
    %rem3A = arith.remsi %mul3A_2, %jit3A : i32
    %ne3A_16 = arith.constant 0 : i32
    %ne3A_17 = arith.cmpi ne, %rem3A, %ne3A_16 : i32
    %and3A = arith.andi %ne3A, %ne3A_17 : i1
    %sub3A = arith.constant 1 : i32
    %sub3A_18 = arith.subi %div3A, %sub3A : i32
    %select_n3A = arith.select %and3A, %sub3A_18, %div3A : i32
    %add3A_19 = arith.constant 7 : i32
    %add3A_20 = arith.addi %select_n3A, %add3A_19 : i32
    %jit3A_21 = arith.constant 8 : i32
    %div3A_22 = arith.divsi %add3A_20, %jit3A_21 : i32
    %sign3A_23 = arith.constant 0 : i32
    %sign3A_24 = arith.cmpi sgt, %add3A_20, %sign3A_23 : i32
    %sign3A_25 = arith.extui %sign3A_24 : i1 to i32
    %sign3A_26 = arith.constant 0 : i32
    %sign3A_27 = arith.cmpi slt, %add3A_20, %sign3A_26 : i32
    %sign3A_28 = arith.extui %sign3A_27 : i1 to i32
    %sign3A_29 = arith.subi %sign3A_25, %sign3A_28 : i32
    %sign3A_30 = arith.constant 0 : i32
    %sign3A_31 = arith.cmpi sgt, %jit3A_21, %sign3A_30 : i32
    %sign3A_32 = arith.extui %sign3A_31 : i1 to i32
    %sign3A_33 = arith.constant 0 : i32
    %sign3A_34 = arith.cmpi slt, %jit3A_21, %sign3A_33 : i32
    %sign3A_35 = arith.extui %sign3A_34 : i1 to i32
    %sign3A_36 = arith.subi %sign3A_32, %sign3A_35 : i32
    %ne3A_37 = arith.cmpi ne, %sign3A_29, %sign3A_36 : i32
    %rem3A_38 = arith.remsi %add3A_20, %jit3A_21 : i32
    %ne3A_39 = arith.constant 0 : i32
    %ne3A_40 = arith.cmpi ne, %rem3A_38, %ne3A_39 : i32
    %and3A_41 = arith.andi %ne3A_37, %ne3A_40 : i1
    %sub3A_42 = arith.constant 1 : i32
    %sub3A_43 = arith.subi %div3A_22, %sub3A_42 : i32
    %select_n3A_44 = arith.select %and3A_41, %sub3A_43, %div3A_22 : i32
    %mul3A_45 = arith.constant 8 : i32
    %mul3A_46 = arith.muli %select_n3A_44, %mul3A_45 : i32
    %add3A_47 = arith.constant 1 : i32
    %add3A_48 = arith.addi %add3A, %add3A_47 : i32
    %mul3A_49 = arith.constant 2500 : i32
    %mul3A_50 = arith.muli %add3A_48, %mul3A_49 : i32
    %jit3A_51 = arith.constant 32 : i32
    %div3A_52 = arith.divsi %mul3A_50, %jit3A_51 : i32
    %sign3A_53 = arith.constant 0 : i32
    %sign3A_54 = arith.cmpi sgt, %mul3A_50, %sign3A_53 : i32
    %sign3A_55 = arith.extui %sign3A_54 : i1 to i32
    %sign3A_56 = arith.constant 0 : i32
    %sign3A_57 = arith.cmpi slt, %mul3A_50, %sign3A_56 : i32
    %sign3A_58 = arith.extui %sign3A_57 : i1 to i32
    %sign3A_59 = arith.subi %sign3A_55, %sign3A_58 : i32
    %sign3A_60 = arith.constant 0 : i32
    %sign3A_61 = arith.cmpi sgt, %jit3A_51, %sign3A_60 : i32
    %sign3A_62 = arith.extui %sign3A_61 : i1 to i32
    %sign3A_63 = arith.constant 0 : i32
    %sign3A_64 = arith.cmpi slt, %jit3A_51, %sign3A_63 : i32
    %sign3A_65 = arith.extui %sign3A_64 : i1 to i32
    %sign3A_66 = arith.subi %sign3A_62, %sign3A_65 : i32
    %ne3A_67 = arith.cmpi ne, %sign3A_59, %sign3A_66 : i32
    %rem3A_68 = arith.remsi %mul3A_50, %jit3A_51 : i32
    %ne3A_69 = arith.constant 0 : i32
    %ne3A_70 = arith.cmpi ne, %rem3A_68, %ne3A_69 : i32
    %and3A_71 = arith.andi %ne3A_67, %ne3A_70 : i1
    %sub3A_72 = arith.constant 1 : i32
    %sub3A_73 = arith.subi %div3A_52, %sub3A_72 : i32
    %select_n3A_74 = arith.select %and3A_71, %sub3A_73, %div3A_52 : i32
    %eq3A = arith.constant 31 : i32
    %eq3A_75 = arith.cmpi eq, %add3A, %eq3A : i32
    %add3A_76 = arith.constant 7 : i32
    %add3A_77 = arith.addi %select_n3A_74, %add3A_76 : i32
    %jit3A_78 = arith.constant 8 : i32
    %div3A_79 = arith.divsi %add3A_77, %jit3A_78 : i32
    %sign3A_80 = arith.constant 0 : i32
    %sign3A_81 = arith.cmpi sgt, %add3A_77, %sign3A_80 : i32
    %sign3A_82 = arith.extui %sign3A_81 : i1 to i32
    %sign3A_83 = arith.constant 0 : i32
    %sign3A_84 = arith.cmpi slt, %add3A_77, %sign3A_83 : i32
    %sign3A_85 = arith.extui %sign3A_84 : i1 to i32
    %sign3A_86 = arith.subi %sign3A_82, %sign3A_85 : i32
    %sign3A_87 = arith.constant 0 : i32
    %sign3A_88 = arith.cmpi sgt, %jit3A_78, %sign3A_87 : i32
    %sign3A_89 = arith.extui %sign3A_88 : i1 to i32
    %sign3A_90 = arith.constant 0 : i32
    %sign3A_91 = arith.cmpi slt, %jit3A_78, %sign3A_90 : i32
    %sign3A_92 = arith.extui %sign3A_91 : i1 to i32
    %sign3A_93 = arith.subi %sign3A_89, %sign3A_92 : i32
    %ne3A_94 = arith.cmpi ne, %sign3A_86, %sign3A_93 : i32
    %rem3A_95 = arith.remsi %add3A_77, %jit3A_78 : i32
    %ne3A_96 = arith.constant 0 : i32
    %ne3A_97 = arith.cmpi ne, %rem3A_95, %ne3A_96 : i32
    %and3A_98 = arith.andi %ne3A_94, %ne3A_97 : i1
    %sub3A_99 = arith.constant 1 : i32
    %sub3A_100 = arith.subi %div3A_79, %sub3A_99 : i32
    %select_n3A_101 = arith.select %and3A_98, %sub3A_100, %div3A_79 : i32
    %mul3A_102 = arith.constant 8 : i32
    %mul3A_103 = arith.muli %select_n3A_101, %mul3A_102 : i32
    %jit3A_104 = arith.constant 2500 : i32
    %select_n3A_105 = arith.select %eq3A_75, %jit3A_104, %mul3A_103 : i32
    %sub3A_106 = arith.subi %select_n3A_105, %mul3A_46 : i32
    %multiple_of3A = tpu.assume_multiple %mul3A_46, 8 : i32
    "tpu.region"() ({
      %run_scoped3A = tpu.sem_alloc : memref<!tpu.dma_semaphore, #tpu.memory_space<semaphore_mem>>
      %dma_start3A = arith.constant 0 : i32
      %dma_start3A_112 = tpu.memref_slice %arg2[%multiple_of3A, %dma_start3A] : memref<2560x128xi32, #tpu.memory_space<hbm>> -> memref<80x128xi32, #tpu.memory_space<hbm>>
      %dma_start3A_113 = arith.constant 0 : i32
      %dma_start3A_114 = tpu.memref_slice %arg2[%multiple_of3A, %dma_start3A_113] : memref<2560x128xi32, #tpu.memory_space<hbm>> -> memref<80x128xi32, #tpu.memory_space<hbm>>
      tpu.enqueue_dma source(%dma_start3A_114 : memref<80x128xi32, #tpu.memory_space<hbm>>) target(%arg6 : memref<80x128xi32, #tpu.memory_space<vmem>>) target_semaphore(%run_scoped3A : memref<!tpu.dma_semaphore, #tpu.memory_space<semaphore_mem>>)
      %dma_wait3A = arith.constant 0 : i32
      %dma_wait3A_115 = tpu.memref_slice %arg2[%multiple_of3A, %dma_wait3A] : memref<2560x128xi32, #tpu.memory_space<hbm>> -> memref<80x128xi32, #tpu.memory_space<hbm>>
      %dma_wait3A_116 = arith.constant 0 : i32
      %dma_wait3A_117 = tpu.memref_slice %arg2[%multiple_of3A, %dma_wait3A_116] : memref<2560x128xi32, #tpu.memory_space<hbm>> -> memref<80x128xi32, #tpu.memory_space<hbm>>
      tpu.wait_dma2 semaphore(%run_scoped3A : memref<!tpu.dma_semaphore, #tpu.memory_space<semaphore_mem>>) src(%dma_wait3A_117 : memref<80x128xi32, #tpu.memory_space<hbm>>) dst(%arg6 : memref<80x128xi32, #tpu.memory_space<vmem>>)
      tpu.yield
    }) : () -> ()
    "tpu.region"() ({
      %run_scoped3A = tpu.sem_alloc : memref<!tpu.dma_semaphore, #tpu.memory_space<semaphore_mem>>
      %dma_start3A = arith.constant 0 : i32
      %dma_start3A_112 = tpu.memref_slice %arg3[%multiple_of3A, %dma_start3A] : memref<2560x128xf32, #tpu.memory_space<hbm>> -> memref<80x128xf32, #tpu.memory_space<hbm>>
      %dma_start3A_113 = arith.constant 0 : i32
      %dma_start3A_114 = tpu.memref_slice %arg3[%multiple_of3A, %dma_start3A_113] : memref<2560x128xf32, #tpu.memory_space<hbm>> -> memref<80x128xf32, #tpu.memory_space<hbm>>
      tpu.enqueue_dma source(%dma_start3A_114 : memref<80x128xf32, #tpu.memory_space<hbm>>) target(%arg7 : memref<80x128xf32, #tpu.memory_space<vmem>>) target_semaphore(%run_scoped3A : memref<!tpu.dma_semaphore, #tpu.memory_space<semaphore_mem>>)
      %dma_wait3A = arith.constant 0 : i32
      %dma_wait3A_115 = tpu.memref_slice %arg3[%multiple_of3A, %dma_wait3A] : memref<2560x128xf32, #tpu.memory_space<hbm>> -> memref<80x128xf32, #tpu.memory_space<hbm>>
      %dma_wait3A_116 = arith.constant 0 : i32
      %dma_wait3A_117 = tpu.memref_slice %arg3[%multiple_of3A, %dma_wait3A_116] : memref<2560x128xf32, #tpu.memory_space<hbm>> -> memref<80x128xf32, #tpu.memory_space<hbm>>
      tpu.wait_dma2 semaphore(%run_scoped3A : memref<!tpu.dma_semaphore, #tpu.memory_space<semaphore_mem>>) src(%dma_wait3A_117 : memref<80x128xf32, #tpu.memory_space<hbm>>) dst(%arg7 : memref<80x128xf32, #tpu.memory_space<vmem>>)
      tpu.yield
    }) : () -> ()
    "tpu.region"() ({
      %run_scoped3A = tpu.sem_alloc : memref<!tpu.dma_semaphore, #tpu.memory_space<semaphore_mem>>
      %dma_start3A = arith.constant 0 : i32
      %dma_start3A_112 = tpu.memref_slice %arg4[%dma_start3A] : memref<20224xf32, #tpu.memory_space<hbm>> -> memref<10112xf32, #tpu.memory_space<hbm>>
      %dma_start3A_113 = arith.constant 0 : i32
      %dma_start3A_114 = tpu.memref_slice %arg4[%dma_start3A_113] : memref<20224xf32, #tpu.memory_space<hbm>> -> memref<10112xf32, #tpu.memory_space<hbm>>
      tpu.enqueue_dma source(%dma_start3A_114 : memref<10112xf32, #tpu.memory_space<hbm>>) target(%arg8 : memref<10112xf32, #tpu.memory_space<vmem>>) target_semaphore(%run_scoped3A : memref<!tpu.dma_semaphore, #tpu.memory_space<semaphore_mem>>)
      %dma_wait3A = arith.constant 0 : i32
      %dma_wait3A_115 = tpu.memref_slice %arg4[%dma_wait3A] : memref<20224xf32, #tpu.memory_space<hbm>> -> memref<10112xf32, #tpu.memory_space<hbm>>
      %dma_wait3A_116 = arith.constant 0 : i32
      %dma_wait3A_117 = tpu.memref_slice %arg4[%dma_wait3A_116] : memref<20224xf32, #tpu.memory_space<hbm>> -> memref<10112xf32, #tpu.memory_space<hbm>>
      tpu.wait_dma2 semaphore(%run_scoped3A : memref<!tpu.dma_semaphore, #tpu.memory_space<semaphore_mem>>) src(%dma_wait3A_117 : memref<10112xf32, #tpu.memory_space<hbm>>) dst(%arg8 : memref<10112xf32, #tpu.memory_space<vmem>>)
      tpu.yield
    }) : () -> ()
    "tpu.region"() ({
      %run_scoped3A = tpu.sem_alloc : memref<!tpu.dma_semaphore, #tpu.memory_space<semaphore_mem>>
      %dma_start3A = arith.constant 10112 : i32
      %dma_start3A_112 = tpu.memref_slice %arg4[%dma_start3A] : memref<20224xf32, #tpu.memory_space<hbm>> -> memref<10112xf32, #tpu.memory_space<hbm>>
      %dma_start3A_113 = arith.constant 10112 : i32
      %dma_start3A_114 = tpu.memref_slice %arg4[%dma_start3A_113] : memref<20224xf32, #tpu.memory_space<hbm>> -> memref<10112xf32, #tpu.memory_space<hbm>>
      tpu.enqueue_dma source(%dma_start3A_114 : memref<10112xf32, #tpu.memory_space<hbm>>) target(%arg9 : memref<10112xf32, #tpu.memory_space<vmem>>) target_semaphore(%run_scoped3A : memref<!tpu.dma_semaphore, #tpu.memory_space<semaphore_mem>>)
      %dma_wait3A = arith.constant 10112 : i32
      %dma_wait3A_115 = tpu.memref_slice %arg4[%dma_wait3A] : memref<20224xf32, #tpu.memory_space<hbm>> -> memref<10112xf32, #tpu.memory_space<hbm>>
      %dma_wait3A_116 = arith.constant 10112 : i32
      %dma_wait3A_117 = tpu.memref_slice %arg4[%dma_wait3A_116] : memref<20224xf32, #tpu.memory_space<hbm>> -> memref<10112xf32, #tpu.memory_space<hbm>>
      tpu.wait_dma2 semaphore(%run_scoped3A : memref<!tpu.dma_semaphore, #tpu.memory_space<semaphore_mem>>) src(%dma_wait3A_117 : memref<10112xf32, #tpu.memory_space<hbm>>) dst(%arg9 : memref<10112xf32, #tpu.memory_space<vmem>>)
      tpu.yield
    }) : () -> ()
    %parallel_loop3A = arith.constant 0 : i32
    %parallel_loop3A_107 = arith.constant 632 : i32
    %parallel_loop3A_108 = arith.constant 1 : i32
    scf.for %parallel_loop3A_112 = %parallel_loop3A to %parallel_loop3A_107 step %parallel_loop3A_108  : i32 {
      %parallel_loop3A_113 = arith.constant 16 : i32
      %parallel_loop3A_114 = arith.muli %parallel_loop3A_112, %parallel_loop3A_113 : i32
      %parallel_loop3A_115 = tpu.assume_multiple %parallel_loop3A_114, 16 : i32
      %parallel_loop3A_116 = arith.index_cast %parallel_loop3A_115 : i32 to index
      %parallel_loop3A_117 = tpu.vector_load %arg8[%parallel_loop3A_116] {strides = array<i32>} : memref<10112xf32, #tpu.memory_space<vmem>>, vector<16xf32>,
      %parallel_loop3A_118 = arith.index_cast %parallel_loop3A_115 : i32 to index
      %parallel_loop3A_119 = tpu.vector_load %arg9[%parallel_loop3A_118] {strides = array<i32>} : memref<10112xf32, #tpu.memory_space<vmem>>, vector<16xf32>,
      %parallel_loop3A_120 = arith.addf %parallel_loop3A_117, %parallel_loop3A_119 : vector<16xf32>
      %parallel_loop3A_121 = arith.index_cast %parallel_loop3A_115 : i32 to index
      %parallel_loop3A_122 = tpu.vector_load %arg8[%parallel_loop3A_121] {strides = array<i32>} : memref<10112xf32, #tpu.memory_space<vmem>>, vector<16xf32>,
      tpu.vector_store %arg8[%parallel_loop3A_121], %parallel_loop3A_120 {strides = array<i32>} : memref<10112xf32, #tpu.memory_space<vmem>>, vector<16xf32>,
    } {sc.loop_unroll_factor = 4 : i64, sc.parallel_access}
    %parallel_loop3A_109 = arith.constant 0 : i32
    %parallel_loop3A_110 = arith.constant 80 : i32
    %parallel_loop3A_111 = arith.constant 1 : i32
    scf.for %parallel_loop3A_112 = %parallel_loop3A_109 to %parallel_loop3A_110 step %parallel_loop3A_111  : i32 {
      %parallel_loop3A_113 = arith.index_cast %parallel_loop3A_112 : i32 to index
      %parallel_loop3A_114 = arith.constant 0 : index
      %parallel_loop3A_115 = tpu.vector_load %arg6[%parallel_loop3A_113, %parallel_loop3A_114] {strides = array<i32>} : memref<80x128xi32, #tpu.memory_space<vmem>>, vector<16xi32>,
      %parallel_loop3A_116 = tpu.vector_load_idx %arg8[%parallel_loop3A_115] : memref<10112xf32, #tpu.memory_space<vmem>>[vector<16xi32>], vector<16xf32>,
      %parallel_loop3A_117 = arith.index_cast %parallel_loop3A_112 : i32 to index
      %parallel_loop3A_118 = arith.constant 0 : index
      %parallel_loop3A_119 = tpu.vector_load %arg7[%parallel_loop3A_117, %parallel_loop3A_118] {strides = array<i32>} : memref<80x128xf32, #tpu.memory_space<vmem>>, vector<16xf32>,
      %parallel_loop3A_120 = arith.divf %parallel_loop3A_119, %parallel_loop3A_116 : vector<16xf32>
      %parallel_loop3A_121 = arith.index_cast %parallel_loop3A_112 : i32 to index
      %parallel_loop3A_122 = arith.constant 0 : index
      %parallel_loop3A_123 = tpu.vector_load %arg10[%parallel_loop3A_121, %parallel_loop3A_122] {strides = array<i32>} : memref<80x128xf32, #tpu.memory_space<vmem>>, vector<16xf32>,
      tpu.vector_store %arg10[%parallel_loop3A_121, %parallel_loop3A_122], %parallel_loop3A_120 {strides = array<i32>} : memref<80x128xf32, #tpu.memory_space<vmem>>, vector<16xf32>,
      %parallel_loop3A_124 = arith.index_cast %parallel_loop3A_112 : i32 to index
      %parallel_loop3A_125 = arith.constant 16 : index
      %parallel_loop3A_126 = tpu.vector_load %arg6[%parallel_loop3A_124, %parallel_loop3A_125] {strides = array<i32>} : memref<80x128xi32, #tpu.memory_space<vmem>>, vector<16xi32>,
      %parallel_loop3A_127 = tpu.vector_load_idx %arg8[%parallel_loop3A_126] : memref<10112xf32, #tpu.memory_space<vmem>>[vector<16xi32>], vector<16xf32>,
      %parallel_loop3A_128 = arith.index_cast %parallel_loop3A_112 : i32 to index
      %parallel_loop3A_129 = arith.constant 16 : index
      %parallel_loop3A_130 = tpu.vector_load %arg7[%parallel_loop3A_128, %parallel_loop3A_129] {strides = array<i32>} : memref<80x128xf32, #tpu.memory_space<vmem>>, vector<16xf32>,
      %parallel_loop3A_131 = arith.divf %parallel_loop3A_130, %parallel_loop3A_127 : vector<16xf32>
      %parallel_loop3A_132 = arith.index_cast %parallel_loop3A_112 : i32 to index
      %parallel_loop3A_133 = arith.constant 16 : index
      %parallel_loop3A_134 = tpu.vector_load %arg10[%parallel_loop3A_132, %parallel_loop3A_133] {strides = array<i32>} : memref<80x128xf32, #tpu.memory_space<vmem>>, vector<16xf32>,
      tpu.vector_store %arg10[%parallel_loop3A_132, %parallel_loop3A_133], %parallel_loop3A_131 {strides = array<i32>} : memref<80x128xf32, #tpu.memory_space<vmem>>, vector<16xf32>,
      %parallel_loop3A_135 = arith.index_cast %parallel_loop3A_112 : i32 to index
      %parallel_loop3A_136 = arith.constant 32 : index
      %parallel_loop3A_137 = tpu.vector_load %arg6[%parallel_loop3A_135, %parallel_loop3A_136] {strides = array<i32>} : memref<80x128xi32, #tpu.memory_space<vmem>>, vector<16xi32>,
      %parallel_loop3A_138 = tpu.vector_load_idx %arg8[%parallel_loop3A_137] : memref<10112xf32, #tpu.memory_space<vmem>>[vector<16xi32>], vector<16xf32>,
      %parallel_loop3A_139 = arith.index_cast %parallel_loop3A_112 : i32 to index
      %parallel_loop3A_140 = arith.constant 32 : index
      %parallel_loop3A_141 = tpu.vector_load %arg7[%parallel_loop3A_139, %parallel_loop3A_140] {strides = array<i32>} : memref<80x128xf32, #tpu.memory_space<vmem>>, vector<16xf32>,
      %parallel_loop3A_142 = arith.divf %parallel_loop3A_141, %parallel_loop3A_138 : vector<16xf32>
      %parallel_loop3A_143 = arith.index_cast %parallel_loop3A_112 : i32 to index
      %parallel_loop3A_144 = arith.constant 32 : index
      %parallel_loop3A_145 = tpu.vector_load %arg10[%parallel_loop3A_143, %parallel_loop3A_144] {strides = array<i32>} : memref<80x128xf32, #tpu.memory_space<vmem>>, vector<16xf32>,
      tpu.vector_store %arg10[%parallel_loop3A_143, %parallel_loop3A_144], %parallel_loop3A_142 {strides = array<i32>} : memref<80x128xf32, #tpu.memory_space<vmem>>, vector<16xf32>,
      %parallel_loop3A_146 = arith.index_cast %parallel_loop3A_112 : i32 to index
      %parallel_loop3A_147 = arith.constant 48 : index
      %parallel_loop3A_148 = tpu.vector_load %arg6[%parallel_loop3A_146, %parallel_loop3A_147] {strides = array<i32>} : memref<80x128xi32, #tpu.memory_space<vmem>>, vector<16xi32>,
      %parallel_loop3A_149 = tpu.vector_load_idx %arg8[%parallel_loop3A_148] : memref<10112xf32, #tpu.memory_space<vmem>>[vector<16xi32>], vector<16xf32>,
      %parallel_loop3A_150 = arith.index_cast %parallel_loop3A_112 : i32 to index
      %parallel_loop3A_151 = arith.constant 48 : index
      %parallel_loop3A_152 = tpu.vector_load %arg7[%parallel_loop3A_150, %parallel_loop3A_151] {strides = array<i32>} : memref<80x128xf32, #tpu.memory_space<vmem>>, vector<16xf32>,
      %parallel_loop3A_153 = arith.divf %parallel_loop3A_152, %parallel_loop3A_149 : vector<16xf32>
      %parallel_loop3A_154 = arith.index_cast %parallel_loop3A_112 : i32 to index
      %parallel_loop3A_155 = arith.constant 48 : index
      %parallel_loop3A_156 = tpu.vector_load %arg10[%parallel_loop3A_154, %parallel_loop3A_155] {strides = array<i32>} : memref<80x128xf32, #tpu.memory_space<vmem>>, vector<16xf32>,
      tpu.vector_store %arg10[%parallel_loop3A_154, %parallel_loop3A_155], %parallel_loop3A_153 {strides = array<i32>} : memref<80x128xf32, #tpu.memory_space<vmem>>, vector<16xf32>,
      %parallel_loop3A_157 = arith.index_cast %parallel_loop3A_112 : i32 to index
      %parallel_loop3A_158 = arith.constant 64 : index
      %parallel_loop3A_159 = tpu.vector_load %arg6[%parallel_loop3A_157, %parallel_loop3A_158] {strides = array<i32>} : memref<80x128xi32, #tpu.memory_space<vmem>>, vector<16xi32>,
      %parallel_loop3A_160 = tpu.vector_load_idx %arg8[%parallel_loop3A_159] : memref<10112xf32, #tpu.memory_space<vmem>>[vector<16xi32>], vector<16xf32>,
      %parallel_loop3A_161 = arith.index_cast %parallel_loop3A_112 : i32 to index
      %parallel_loop3A_162 = arith.constant 64 : index
      %parallel_loop3A_163 = tpu.vector_load %arg7[%parallel_loop3A_161, %parallel_loop3A_162] {strides = array<i32>} : memref<80x128xf32, #tpu.memory_space<vmem>>, vector<16xf32>,
      %parallel_loop3A_164 = arith.divf %parallel_loop3A_163, %parallel_loop3A_160 : vector<16xf32>
      %parallel_loop3A_165 = arith.index_cast %parallel_loop3A_112 : i32 to index
      %parallel_loop3A_166 = arith.constant 64 : index
      %parallel_loop3A_167 = tpu.vector_load %arg10[%parallel_loop3A_165, %parallel_loop3A_166] {strides = array<i32>} : memref<80x128xf32, #tpu.memory_space<vmem>>, vector<16xf32>,
      tpu.vector_store %arg10[%parallel_loop3A_165, %parallel_loop3A_166], %parallel_loop3A_164 {strides = array<i32>} : memref<80x128xf32, #tpu.memory_space<vmem>>, vector<16xf32>,
      %parallel_loop3A_168 = arith.index_cast %parallel_loop3A_112 : i32 to index
      %parallel_loop3A_169 = arith.constant 80 : index
      %parallel_loop3A_170 = tpu.vector_load %arg6[%parallel_loop3A_168, %parallel_loop3A_169] {strides = array<i32>} : memref<80x128xi32, #tpu.memory_space<vmem>>, vector<16xi32>,
      %parallel_loop3A_171 = tpu.vector_load_idx %arg8[%parallel_loop3A_170] : memref<10112xf32, #tpu.memory_space<vmem>>[vector<16xi32>], vector<16xf32>,
      %parallel_loop3A_172 = arith.index_cast %parallel_loop3A_112 : i32 to index
      %parallel_loop3A_173 = arith.constant 80 : index
      %parallel_loop3A_174 = tpu.vector_load %arg7[%parallel_loop3A_172, %parallel_loop3A_173] {strides = array<i32>} : memref<80x128xf32, #tpu.memory_space<vmem>>, vector<16xf32>,
      %parallel_loop3A_175 = arith.divf %parallel_loop3A_174, %parallel_loop3A_171 : vector<16xf32>
      %parallel_loop3A_176 = arith.index_cast %parallel_loop3A_112 : i32 to index
      %parallel_loop3A_177 = arith.constant 80 : index
      %parallel_loop3A_178 = tpu.vector_load %arg10[%parallel_loop3A_176, %parallel_loop3A_177] {strides = array<i32>} : memref<80x128xf32, #tpu.memory_space<vmem>>, vector<16xf32>,
      tpu.vector_store %arg10[%parallel_loop3A_176, %parallel_loop3A_177], %parallel_loop3A_175 {strides = array<i32>} : memref<80x128xf32, #tpu.memory_space<vmem>>, vector<16xf32>,
      %parallel_loop3A_179 = arith.index_cast %parallel_loop3A_112 : i32 to index
      %parallel_loop3A_180 = arith.constant 96 : index
      %parallel_loop3A_181 = tpu.vector_load %arg6[%parallel_loop3A_179, %parallel_loop3A_180] {strides = array<i32>} : memref<80x128xi32, #tpu.memory_space<vmem>>, vector<16xi32>,
      %parallel_loop3A_182 = tpu.vector_load_idx %arg8[%parallel_loop3A_181] : memref<10112xf32, #tpu.memory_space<vmem>>[vector<16xi32>], vector<16xf32>,
      %parallel_loop3A_183 = arith.index_cast %parallel_loop3A_112 : i32 to index
      %parallel_loop3A_184 = arith.constant 96 : index
      %parallel_loop3A_185 = tpu.vector_load %arg7[%parallel_loop3A_183, %parallel_loop3A_184] {strides = array<i32>} : memref<80x128xf32, #tpu.memory_space<vmem>>, vector<16xf32>,
      %parallel_loop3A_186 = arith.divf %parallel_loop3A_185, %parallel_loop3A_182 : vector<16xf32>
      %parallel_loop3A_187 = arith.index_cast %parallel_loop3A_112 : i32 to index
      %parallel_loop3A_188 = arith.constant 96 : index
      %parallel_loop3A_189 = tpu.vector_load %arg10[%parallel_loop3A_187, %parallel_loop3A_188] {strides = array<i32>} : memref<80x128xf32, #tpu.memory_space<vmem>>, vector<16xf32>,
      tpu.vector_store %arg10[%parallel_loop3A_187, %parallel_loop3A_188], %parallel_loop3A_186 {strides = array<i32>} : memref<80x128xf32, #tpu.memory_space<vmem>>, vector<16xf32>,
      %parallel_loop3A_190 = arith.index_cast %parallel_loop3A_112 : i32 to index
      %parallel_loop3A_191 = arith.constant 112 : index
      %parallel_loop3A_192 = tpu.vector_load %arg6[%parallel_loop3A_190, %parallel_loop3A_191] {strides = array<i32>} : memref<80x128xi32, #tpu.memory_space<vmem>>, vector<16xi32>,
      %parallel_loop3A_193 = tpu.vector_load_idx %arg8[%parallel_loop3A_192] : memref<10112xf32, #tpu.memory_space<vmem>>[vector<16xi32>], vector<16xf32>,
      %parallel_loop3A_194 = arith.index_cast %parallel_loop3A_112 : i32 to index
      %parallel_loop3A_195 = arith.constant 112 : index
      %parallel_loop3A_196 = tpu.vector_load %arg7[%parallel_loop3A_194, %parallel_loop3A_195] {strides = array<i32>} : memref<80x128xf32, #tpu.memory_space<vmem>>, vector<16xf32>,
      %parallel_loop3A_197 = arith.divf %parallel_loop3A_196, %parallel_loop3A_193 : vector<16xf32>
      %parallel_loop3A_198 = arith.index_cast %parallel_loop3A_112 : i32 to index
      %parallel_loop3A_199 = arith.constant 112 : index
      %parallel_loop3A_200 = tpu.vector_load %arg10[%parallel_loop3A_198, %parallel_loop3A_199] {strides = array<i32>} : memref<80x128xf32, #tpu.memory_space<vmem>>, vector<16xf32>,
      tpu.vector_store %arg10[%parallel_loop3A_198, %parallel_loop3A_199], %parallel_loop3A_197 {strides = array<i32>} : memref<80x128xf32, #tpu.memory_space<vmem>>, vector<16xf32>,
    } {sc.loop_unroll_factor = 1 : i64, sc.parallel_access}
    "tpu.region"() ({
      %run_scoped3A = tpu.sem_alloc : memref<!tpu.dma_semaphore, #tpu.memory_space<semaphore_mem>>
      %dma_start3A = arith.constant 0 : i32
      %dma_start3A_112 = tpu.memref_slice %arg5[%multiple_of3A, %dma_start3A] : memref<2560x128xf32, #tpu.memory_space<hbm>> -> memref<80x128xf32, #tpu.memory_space<hbm>>
      %dma_start3A_113 = arith.constant 0 : i32
      %dma_start3A_114 = tpu.memref_slice %arg5[%multiple_of3A, %dma_start3A_113] : memref<2560x128xf32, #tpu.memory_space<hbm>> -> memref<80x128xf32, #tpu.memory_space<hbm>>
      tpu.enqueue_dma source(%arg10 : memref<80x128xf32, #tpu.memory_space<vmem>>) target(%dma_start3A_114 : memref<80x128xf32, #tpu.memory_space<hbm>>) target_semaphore(%run_scoped3A : memref<!tpu.dma_semaphore, #tpu.memory_space<semaphore_mem>>)
      %dma_wait3A = arith.constant 0 : i32
      %dma_wait3A_115 = tpu.memref_slice %arg5[%multiple_of3A, %dma_wait3A] : memref<2560x128xf32, #tpu.memory_space<hbm>> -> memref<80x128xf32, #tpu.memory_space<hbm>>
      %dma_wait3A_116 = arith.constant 0 : i32
      %dma_wait3A_117 = tpu.memref_slice %arg5[%multiple_of3A, %dma_wait3A_116] : memref<2560x128xf32, #tpu.memory_space<hbm>> -> memref<80x128xf32, #tpu.memory_space<hbm>>
      tpu.wait_dma2 semaphore(%run_scoped3A : memref<!tpu.dma_semaphore, #tpu.memory_space<semaphore_mem>>) src(%arg10 : memref<80x128xf32, #tpu.memory_space<vmem>>) dst(%dma_wait3A_117 : memref<80x128xf32, #tpu.memory_space<hbm>>)
      tpu.yield
    }) : () -> ()
    return
  }
}

module attributes {stable_mosaic.version = 14 : i64} {
  func.func @_edge_body(%arg0: i32, %arg1: memref<512x128xf32, #tpu.memory_space<vmem>>, %arg2: memref<128x128xf32, #tpu.memory_space<vmem>>, %arg3: memref<128x1xf32, #tpu.memory_space<vmem>>, %arg4: memref<2048x128xf32, #tpu.memory_space<vmem>>, %arg5: memref<128x128xf32, #tpu.memory_space<vmem>>, %arg6: memref<1x128xf32, #tpu.memory_space<vmem>>, %arg7: memref<128x8xf32, #tpu.memory_space<vmem>>, %arg8: memref<128x128xi32, #tpu.memory_space<vmem>>, %arg9: memref<512x128xf32, #tpu.memory_space<vmem>>, %arg10: memref<512x1xf32, #tpu.memory_space<vmem>>, %arg11: memref<2048x128xf32, #tpu.memory_space<vmem>>, %arg12: memref<2048x8xf32, #tpu.memory_space<vmem>>, %arg13: memref<128x128xi32, #tpu.memory_space<vmem>>) attributes {dimension_semantics = [#tpu.dimension_semantics<arbitrary>], iteration_bounds = array<i64: 20>, scalar_prefetch = 0 : i64, scratch_operands = 0 : i64, tpu.core_type = #tpu.core_type<tc>, window_params = [{transform_indices = @transform_0, window_bounds = array<i64: 512, 128>}, {pipeline_mode = #tpu.pipeline_mode<synchronous>, transform_indices = @transform_1, window_bounds = array<i64: 128, 128>}, {pipeline_mode = #tpu.pipeline_mode<synchronous>, transform_indices = @transform_2, window_bounds = array<i64: 128, 1>}, {transform_indices = @transform_3, window_bounds = array<i64: 2048, 128>}, {pipeline_mode = #tpu.pipeline_mode<synchronous>, transform_indices = @transform_4, window_bounds = array<i64: 128, 128>}, {pipeline_mode = #tpu.pipeline_mode<synchronous>, transform_indices = @transform_5, window_bounds = array<i64: 1, 128>}, {pipeline_mode = #tpu.pipeline_mode<synchronous>, transform_indices = @transform_6, window_bounds = array<i64: 128, 8>}, {transform_indices = @transform_7, window_bounds = array<i64: 128, 128>}, {transform_indices = @transform_8, window_bounds = array<i64: 512, 128>}, {transform_indices = @transform_9, window_bounds = array<i64: 512, 1>}, {transform_indices = @transform_10, window_bounds = array<i64: 2048, 128>}, {transform_indices = @transform_11, window_bounds = array<i64: 2048, 8>}, {transform_indices = @transform_12, window_bounds = array<i64: 128, 128>}]} {
    %get3A = arith.constant 0 : index
    %get3A_0 = arith.constant 0 : index
    %get3A_1 = vector.load %arg1[%get3A, %get3A_0] : memref<512x128xf32, #tpu.memory_space<vmem>>, vector<512x128xf32>
    %get3A_2 = arith.constant 0 : index
    %get3A_3 = arith.constant 0 : index
    %get3A_4 = vector.load %arg2[%get3A_2, %get3A_3] : memref<128x128xf32, #tpu.memory_space<vmem>>, vector<128x128xf32>
    %dot_general3A = arith.constant dense<0.000000e+00> : vector<512x128xf32>
    %dot_general3A_5 = tpu.matmul %get3A_1, %get3A_4, %dot_general3A {dimension_numbers = #tpu.dot_dimension_numbers<[1], [1], [0], [0], [0, 0, 1, 0], [], []>, transpose_lhs_hint = false} : vector<512x128xf32>, vector<128x128xf32>, vector<512x128xf32> -> vector<512x128xf32>
    %swap3A = arith.constant 0 : index
    %swap3A_6 = arith.constant 0 : index
    %swap3A_7 = vector.load %arg9[%swap3A, %swap3A_6] : memref<512x128xf32, #tpu.memory_space<vmem>>, vector<512x128xf32>
    tpu.vector_store %arg9[%swap3A, %swap3A_6], %dot_general3A_5 {strides = array<i32>} : memref<512x128xf32, #tpu.memory_space<vmem>>, vector<512x128xf32>,
    %get3A_8 = arith.constant 0 : index
    %get3A_9 = arith.constant 0 : index
    %get3A_10 = vector.load %arg3[%get3A_8, %get3A_9] : memref<128x1xf32, #tpu.memory_space<vmem>>, vector<128x1xf32>
    %dot_general3A_11 = arith.constant dense<0.000000e+00> : vector<512x1xf32>
    %dot_general3A_12 = tpu.matmul %dot_general3A_5, %get3A_10, %dot_general3A_11 {dimension_numbers = #tpu.dot_dimension_numbers<[1], [0], [0], [1], [0, 0, 1, 1], [], []>, transpose_lhs_hint = false} : vector<512x128xf32>, vector<128x1xf32>, vector<512x1xf32> -> vector<512x1xf32>
    %swap3A_13 = arith.constant 0 : index
    %swap3A_14 = arith.constant 0 : index
    %swap3A_15 = vector.load %arg10[%swap3A_13, %swap3A_14] : memref<512x1xf32, #tpu.memory_space<vmem>>, vector<512x1xf32>
    tpu.vector_store %arg10[%swap3A_13, %swap3A_14], %dot_general3A_12 {strides = array<i32>} : memref<512x1xf32, #tpu.memory_space<vmem>>, vector<512x1xf32>,
    %get3A_16 = arith.constant 0 : index
    %get3A_17 = arith.constant 0 : index
    %get3A_18 = vector.load %arg4[%get3A_16, %get3A_17] : memref<2048x128xf32, #tpu.memory_space<vmem>>, vector<2048x128xf32>
    %get3A_19 = arith.constant 0 : index
    %get3A_20 = arith.constant 0 : index
    %get3A_21 = vector.load %arg5[%get3A_19, %get3A_20] : memref<128x128xf32, #tpu.memory_space<vmem>>, vector<128x128xf32>
    %dot_general3A_22 = arith.constant dense<0.000000e+00> : vector<2048x128xf32>
    %dot_general3A_23 = tpu.matmul %get3A_18, %get3A_21, %dot_general3A_22 {dimension_numbers = #tpu.dot_dimension_numbers<[1], [0], [0], [1], [0, 0, 1, 1], [], []>, transpose_lhs_hint = false} : vector<2048x128xf32>, vector<128x128xf32>, vector<2048x128xf32> -> vector<2048x128xf32>
    %swap3A_24 = arith.constant 0 : index
    %swap3A_25 = arith.constant 0 : index
    %swap3A_26 = vector.load %arg11[%swap3A_24, %swap3A_25] : memref<2048x128xf32, #tpu.memory_space<vmem>>, vector<2048x128xf32>
    tpu.vector_store %arg11[%swap3A_24, %swap3A_25], %dot_general3A_23 {strides = array<i32>} : memref<2048x128xf32, #tpu.memory_space<vmem>>, vector<2048x128xf32>,
    %get3A_27 = arith.constant 0 : index
    %get3A_28 = arith.constant 0 : index
    %get3A_29 = vector.load %arg6[%get3A_27, %get3A_28] : memref<1x128xf32, #tpu.memory_space<vmem>>, vector<1x128xf32>
    %mul3A = vector.broadcast %get3A_29 : vector<1x128xf32> to vector<2048x128xf32>
    %mul3A_30 = arith.mulf %dot_general3A_23, %mul3A : vector<2048x128xf32>
    %get3A_31 = arith.constant 0 : index
    %get3A_32 = arith.constant 0 : index
    %get3A_33 = vector.load %arg7[%get3A_31, %get3A_32] : memref<128x8xf32, #tpu.memory_space<vmem>>, vector<128x8xf32>
    %dot_general3A_34 = arith.constant dense<0.000000e+00> : vector<2048x8xf32>
    %dot_general3A_35 = tpu.matmul %mul3A_30, %get3A_33, %dot_general3A_34 {dimension_numbers = #tpu.dot_dimension_numbers<[1], [0], [0], [1], [0, 0, 1, 1], [], []>, transpose_lhs_hint = false} : vector<2048x128xf32>, vector<128x8xf32>, vector<2048x8xf32> -> vector<2048x8xf32>
    %lt3A = arith.constant 19 : i32
    %lt3A_36 = arith.cmpi slt, %arg0, %lt3A : i32
    %convert_element_type3A = arith.extui %lt3A_36 : i1 to i32
    %cond3A = arith.constant 0 : i32
    %cond3A_37 = arith.cmpi ne, %convert_element_type3A, %cond3A : i32
    scf.if %cond3A_37 {
      %swap3A_42 = arith.constant 0 : index
      %swap3A_43 = arith.constant 0 : index
      %swap3A_44 = vector.load %arg12[%swap3A_42, %swap3A_43] : memref<2048x8xf32, #tpu.memory_space<vmem>>, vector<2048x8xf32>
      tpu.vector_store %arg12[%swap3A_42, %swap3A_43], %dot_general3A_35 {strides = array<i32>} : memref<2048x8xf32, #tpu.memory_space<vmem>>, vector<2048x8xf32>,
      %get3A_45 = arith.constant 0 : index
      %get3A_46 = arith.constant 0 : index
      %get3A_47 = vector.load %arg8[%get3A_45, %get3A_46] : memref<128x128xi32, #tpu.memory_space<vmem>>, vector<128x128xi32>
      %swap3A_48 = arith.constant 0 : index
      %swap3A_49 = arith.constant 0 : index
      %swap3A_50 = vector.load %arg13[%swap3A_48, %swap3A_49] : memref<128x128xi32, #tpu.memory_space<vmem>>, vector<128x128xi32>
      tpu.vector_store %arg13[%swap3A_48, %swap3A_49], %get3A_47 {strides = array<i32>} : memref<128x128xi32, #tpu.memory_space<vmem>>, vector<128x128xi32>,
    } else {
    }
    %eq3A = arith.constant 19 : i32
    %eq3A_38 = arith.cmpi eq, %arg0, %eq3A : i32
    %convert_element_type3A_39 = arith.extui %eq3A_38 : i1 to i32
    %cond3A_40 = arith.constant 0 : i32
    %cond3A_41 = arith.cmpi ne, %convert_element_type3A_39, %cond3A_40 : i32
    scf.if %cond3A_41 {
      %iota3A = tpu.iota {dimensions = array<i32: 0>} : vector<2048x8xi32>
      %mul3A_42 = arith.constant 2048 : i32
      %mul3A_43 = arith.muli %arg0, %mul3A_42 : i32
      %add3A = vector.broadcast %mul3A_43 : i32 to vector<2048x8xi32>
      %add3A_44 = arith.addi %iota3A, %add3A : vector<2048x8xi32>
      %lt3A_45 = arith.constant 40000 : i32
      %lt3A_46 = vector.broadcast %lt3A_45 : i32 to vector<2048x8xi32>
      %lt3A_47 = arith.cmpi slt, %add3A_44, %lt3A_46 : vector<2048x8xi32>
      %jit3A = arith.constant 0.000000e+00 : f32
      %broadcast_in_dim3A = vector.broadcast %jit3A : f32 to vector<2048x8xf32>
      %select_n3A = arith.select %lt3A_47, %dot_general3A_35, %broadcast_in_dim3A : vector<2048x8xi1>, vector<2048x8xf32>
      %swap3A_48 = arith.constant 0 : index
      %swap3A_49 = arith.constant 0 : index
      %swap3A_50 = vector.load %arg12[%swap3A_48, %swap3A_49] : memref<2048x8xf32, #tpu.memory_space<vmem>>, vector<2048x8xf32>
      tpu.vector_store %arg12[%swap3A_48, %swap3A_49], %select_n3A {strides = array<i32>} : memref<2048x8xf32, #tpu.memory_space<vmem>>, vector<2048x8xf32>,
      %iota3A_51 = tpu.iota {dimensions = array<i32: 0>} : vector<128x128xi32>
      %mul3A_52 = arith.constant 128 : i32
      %mul3A_53 = arith.muli %arg0, %mul3A_52 : i32
      %add3A_54 = vector.broadcast %mul3A_53 : i32 to vector<128x128xi32>
      %add3A_55 = arith.addi %iota3A_51, %add3A_54 : vector<128x128xi32>
      %lt3A_56 = arith.constant 2500 : i32
      %lt3A_57 = vector.broadcast %lt3A_56 : i32 to vector<128x128xi32>
      %lt3A_58 = arith.cmpi slt, %add3A_55, %lt3A_57 : vector<128x128xi32>
      %get3A_59 = arith.constant 0 : index
      %get3A_60 = arith.constant 0 : index
      %get3A_61 = vector.load %arg8[%get3A_59, %get3A_60] : memref<128x128xi32, #tpu.memory_space<vmem>>, vector<128x128xi32>
      %jit3A_62 = arith.constant 0 : i32
      %broadcast_in_dim3A_63 = vector.broadcast %jit3A_62 : i32 to vector<128x128xi32>
      %select_n3A_64 = arith.select %lt3A_58, %get3A_61, %broadcast_in_dim3A_63 : vector<128x128xi1>, vector<128x128xi32>
      %swap3A_65 = arith.constant 0 : index
      %swap3A_66 = arith.constant 0 : index
      %swap3A_67 = vector.load %arg13[%swap3A_65, %swap3A_66] : memref<128x128xi32, #tpu.memory_space<vmem>>, vector<128x128xi32>
      tpu.vector_store %arg13[%swap3A_65, %swap3A_66], %select_n3A_64 {strides = array<i32>} : memref<128x128xi32, #tpu.memory_space<vmem>>, vector<128x128xi32>,
    } else {
    }
    return
  }
  func.func @transform_0(%arg0: i32) -> (i32, i32) {
    %c0_i32 = arith.constant 0 : i32
    %c0_i32_0 = arith.constant 0 : i32
    return %arg0, %c0_i32 : i32, i32
  }
  func.func @transform_1(%arg0: i32) -> (i32, i32) {
    %c0_i32 = arith.constant 0 : i32
    %c0_i32_0 = arith.constant 0 : i32
    %c0_i32_1 = arith.constant 0 : i32
    return %c0_i32, %c0_i32_0 : i32, i32
  }
  func.func @transform_2(%arg0: i32) -> (i32, i32) {
    %c0_i32 = arith.constant 0 : i32
    %c0_i32_0 = arith.constant 0 : i32
    %c0_i32_1 = arith.constant 0 : i32
    return %c0_i32, %c0_i32_0 : i32, i32
  }
  func.func @transform_3(%arg0: i32) -> (i32, i32) {
    %c0_i32 = arith.constant 0 : i32
    %c0_i32_0 = arith.constant 0 : i32
    return %arg0, %c0_i32 : i32, i32
  }
  func.func @transform_4(%arg0: i32) -> (i32, i32) {
    %c0_i32 = arith.constant 0 : i32
    %c0_i32_0 = arith.constant 0 : i32
    %c0_i32_1 = arith.constant 0 : i32
    return %c0_i32, %c0_i32_0 : i32, i32
  }
  func.func @transform_5(%arg0: i32) -> (i32, i32) {
    %c0_i32 = arith.constant 0 : i32
    %c0_i32_0 = arith.constant 0 : i32
    %c0_i32_1 = arith.constant 0 : i32
    return %c0_i32, %c0_i32_0 : i32, i32
  }
  func.func @transform_6(%arg0: i32) -> (i32, i32) {
    %c0_i32 = arith.constant 0 : i32
    %c0_i32_0 = arith.constant 0 : i32
    %c0_i32_1 = arith.constant 0 : i32
    return %c0_i32, %c0_i32_0 : i32, i32
  }
  func.func @transform_7(%arg0: i32) -> (i32, i32) {
    %c0_i32 = arith.constant 0 : i32
    %c0_i32_0 = arith.constant 0 : i32
    return %arg0, %c0_i32 : i32, i32
  }
  func.func @transform_8(%arg0: i32) -> (i32, i32) {
    %c0_i32 = arith.constant 0 : i32
    %c0_i32_0 = arith.constant 0 : i32
    return %arg0, %c0_i32 : i32, i32
  }
  func.func @transform_9(%arg0: i32) -> (i32, i32) {
    %c0_i32 = arith.constant 0 : i32
    %c0_i32_0 = arith.constant 0 : i32
    return %arg0, %c0_i32 : i32, i32
  }
  func.func @transform_10(%arg0: i32) -> (i32, i32) {
    %c0_i32 = arith.constant 0 : i32
    %c0_i32_0 = arith.constant 0 : i32
    return %arg0, %c0_i32 : i32, i32
  }
  func.func @transform_11(%arg0: i32) -> (i32, i32) {
    %c0_i32 = arith.constant 0 : i32
    %c0_i32_0 = arith.constant 0 : i32
    return %arg0, %c0_i32 : i32, i32
  }
  func.func @transform_12(%arg0: i32) -> (i32, i32) {
    %c0_i32 = arith.constant 0 : i32
    %c0_i32_0 = arith.constant 0 : i32
    return %arg0, %c0_i32 : i32, i32
  }
}

module attributes {stable_mosaic.version = 14 : i64} {
  func.func @_scale_body(%arg0: i32, %arg1: memref<2048x128xf32, #tpu.memory_space<vmem>>, %arg2: memref<2048x8xf32, #tpu.memory_space<vmem>>, %arg3: memref<8x128xf32, #tpu.memory_space<vmem>>, %arg4: memref<2048x128xf32, #tpu.memory_space<vmem>>) attributes {dimension_semantics = [#tpu.dimension_semantics<arbitrary>], iteration_bounds = array<i64: 20>, scalar_prefetch = 0 : i64, scratch_operands = 0 : i64, tpu.core_type = #tpu.core_type<tc>, window_params = [{transform_indices = @transform_0, window_bounds = array<i64: 2048, 128>}, {transform_indices = @transform_1, window_bounds = array<i64: 2048, 8>}, {pipeline_mode = #tpu.pipeline_mode<synchronous>, transform_indices = @transform_2, window_bounds = array<i64: 8, 128>}, {transform_indices = @transform_3, window_bounds = array<i64: 2048, 128>}]} {
    %get3A = arith.constant 0 : index
    %get3A_0 = arith.constant 0 : index
    %get3A_1 = vector.load %arg2[%get3A, %get3A_0] : memref<2048x8xf32, #tpu.memory_space<vmem>>, vector<2048x8xf32>
    %get3A_2 = arith.constant 0 : index
    %get3A_3 = arith.constant 0 : index
    %get3A_4 = vector.load %arg3[%get3A_2, %get3A_3] : memref<8x128xf32, #tpu.memory_space<vmem>>, vector<8x128xf32>
    %dot_general3A = arith.constant dense<0.000000e+00> : vector<2048x128xf32>
    %dot_general3A_5 = tpu.matmul %get3A_1, %get3A_4, %dot_general3A {dimension_numbers = #tpu.dot_dimension_numbers<[1], [0], [0], [1], [0, 0, 1, 1], [], []>, transpose_lhs_hint = false} : vector<2048x8xf32>, vector<8x128xf32>, vector<2048x128xf32> -> vector<2048x128xf32>
    %get3A_6 = arith.constant 0 : index
    %get3A_7 = arith.constant 0 : index
    %get3A_8 = vector.load %arg1[%get3A_6, %get3A_7] : memref<2048x128xf32, #tpu.memory_space<vmem>>, vector<2048x128xf32>
    %mul3A = arith.mulf %get3A_8, %dot_general3A_5 : vector<2048x128xf32>
    %swap3A = arith.constant 0 : index
    %swap3A_9 = arith.constant 0 : index
    %swap3A_10 = vector.load %arg4[%swap3A, %swap3A_9] : memref<2048x128xf32, #tpu.memory_space<vmem>>, vector<2048x128xf32>
    tpu.vector_store %arg4[%swap3A, %swap3A_9], %mul3A {strides = array<i32>} : memref<2048x128xf32, #tpu.memory_space<vmem>>, vector<2048x128xf32>,
    return
  }
  func.func @transform_0(%arg0: i32) -> (i32, i32) {
    %c0_i32 = arith.constant 0 : i32
    %c0_i32_0 = arith.constant 0 : i32
    return %arg0, %c0_i32 : i32, i32
  }
  func.func @transform_1(%arg0: i32) -> (i32, i32) {
    %c0_i32 = arith.constant 0 : i32
    %c0_i32_0 = arith.constant 0 : i32
    return %arg0, %c0_i32 : i32, i32
  }
  func.func @transform_2(%arg0: i32) -> (i32, i32) {
    %c0_i32 = arith.constant 0 : i32
    %c0_i32_0 = arith.constant 0 : i32
    %c0_i32_1 = arith.constant 0 : i32
    return %c0_i32, %c0_i32_0 : i32, i32
  }
  func.func @transform_3(%arg0: i32) -> (i32, i32) {
    %c0_i32 = arith.constant 0 : i32
    %c0_i32_0 = arith.constant 0 : i32
    return %arg0, %c0_i32 : i32, i32
  }
}

</mosaic_0001>

<sc_bundles>
// kernel: kernel.6.cloned.1.call-start
scs
__scs_entry_jumppad:
0x0: {  	(pc) =	sbr.rel $0x88, $3  }
0x1: {  	(tag) =	ssettag $0x0;
	lr =	simm.s32 $0x1  }
0x2: {  	[smem:$0x3F9B] =	sst lr;
	_ =	strace $0xD0000000  }
0x3: {  	_ = 	snop  }
0x4: {  	_ = 	snop  }
0x5: {  	_ = 	snop  }
0x6: {  	_ = 	snop  }
0x7: {  	_ = 	snop  }
__scs_overlays_trampoline_lowered:
0x8: {  	[smem:$0x3FAA] =	sst s0  }
0x9: {  	[smem:$0x3FAB] =	sst s1  }
0xa: {  	[smem:$0x3FAC] =	sst s2  }
0xb: {  	[smem:$0x3FAD] =	sst s3  }
0xc: {  	[smem:$0x3FAE] =	sst s4  }
0xd: {  	[smem:$0x3FAF] =	sst s5  }
0xe: {  	[smem:$0x3FB0] =	sst s6  }
0xf: {  	[smem:$0x3FB1] =	sst s7  }
0x10: {  	[smem:$0x3FB2] =	sst s8  }
0x11: {  	[smem:$0x3FB3] =	sst s9;
	s0 =	simm.s32 @!p0 $0x0  }
0x12: {  	s1 =	sld [smem:$0x3F99];
	s0 =	simm.s32 @p0 $0x1  }
0x13: {  	[smem:$0x3FB4] =	sst s0;
	s0 =	simm.s32 @!p1 $0x0  }
0x14: {  	s2 =	sld [smem:$0x3F98];
	s0 =	simm.s32 @p1 $0x1  }
0x15: {  	[smem:$0x3FB5] =	sst s0;
	s0 =	simm.s32 @!p2 $0x0  }
0x16: {  	s3 =	sld [smem:$0x3FDB];
	s0 =	simm.s32 @p2 $0x1  }
0x17: {  	s4 =	simm.s32 $0x1BF5;
	[smem:$0x3FB7] =	sst s0  }
0x18: {  	s0 =	sld [smem:$0x3F9A];
	_ =	swait.ge [sflag:s4], $0x0  }
0x19: {  	s7 =	sld [smem:$0x3F9B]  }
0x1a: {  	s8 =	sadd.s32 $0xFFFFE003, lr  }
0x1b: {  	s9 =	sadd.s32 $0xFFFFFEF7, lr;
	s5 =	simm.s32 $0xFFFFFFFF;
	p2 =	slt.u32 s8, $0xFFFFF086  }
0x1c: {  	p1 =	slt.u32 s9, $0xF7A;
	s5 =	simm.s32 @!p2 $0x0  }
0x1d: {  	s5 =	simm.s32 @p1 $0x1;
	p0 =	seq.s32 s7, s2  }
0x1e: {  	s7 =	smul.u32 @!p0 $0xF7A, s2;
	p2 =	seq.s32 @!p0 s5, $0x0  }
0x1f: {  	s9 =	smul.u32 $0xF7A, s1;
	s8 =	simm.s32 @!p0 $0x1BF5;
	p2 =	por !p2, p0  }
0x20: {  	[sflag:s8] =	ssyncset.s32 @!p0 $0xFFFFF086;
	s6 =	sadd.s32 @!p0 s3, s7;
	s7 =	simm.s32 @!p0 $0x108  }
0x21: {  	s3 =	sadd.s32 s3, s9;
	s6 =	sadd.s32 @!p0 $0x88, s6;
	s7 =	simm.s32 @p2 $0x1082  }
0x22: {  	[simem:s7], [sflag:s8] =	dma.local @!p0 [hbm:s6], $0xF7A  }
0x23: {  	s9 =	sor.u32 $0xD0000000, s2;
	s6 =	simm.s32 $0x108;
	_ =	swait.ge @!p0 [sflag:s8], $0x0  }
0x24: {  	s3 =	sadd.s32 $0x88, s3;
	s6 =	simm.s32 @!p1 $0x1082;
	[sflag:s4] =	ssyncset.s32 $0xFFFFF086  }
0x25: {  	[simem:s6], [sflag:s4] =	dma.local [hbm:s3], $0xF7A  }
0x26: {  	[smem:$0x3F9B] =	sst s1;
	(tag) =	ssettag s2;
	_ =	strace s9  }
0x27: {  	s1 =	sld [smem:$0x3FAB]  }
0x28: {  	s2 =	sld [smem:$0x3FAC]  }
0x29: {  	s4 =	sld [smem:$0x3FAE]  }
0x2a: {  	p0 =	seq.s32 s5, $0x0;
	s5 =	sld [smem:$0x3FAF]  }
0x2b: {  	s6 =	sld [smem:$0x3FB0]  }
0x2c: {  	s7 =	sld [smem:$0x3FB1]  }
0x2d: {  	s3 =	simm.s32 $0x108;
	s8 =	sld [smem:$0x3FB2]  }
0x2e: {  	s3 =	simm.s32 @!p0 $0x1082;
	s9 =	sld [smem:$0x3FB3]  }
0x2f: {  	lr =	sadd.s32 s0, s3;
	s0 =	sld [smem:$0x3FAA]  }
0x30: {  	s3 =	sld [smem:$0x3FAD]  }
0x31: {  	[smem:$0x3FB6] =	sst s10  }
0x32: {  	s10 =	sld [smem:$0x3FB4];
	_ =	sdelay $0x3  }
0x33: {  	p0 =	seq.s32 s10, $0x1;
	s10 =	sld [smem:$0x3FB6];
	_ =	sdelay $0x3  }
0x34: {  	[smem:$0x3FB6] =	sst s10  }
0x35: {  	s10 =	sld [smem:$0x3FB5];
	_ =	sdelay $0x3  }
0x36: {  	p1 =	seq.s32 s10, $0x1;
	s10 =	sld [smem:$0x3FB6];
	_ =	sdelay $0x3  }
0x37: {  	[smem:$0x3FB6] =	sst s10  }
0x38: {  	s10 =	sld [smem:$0x3FB7]  }
0x39: {  	_ = 	snop;
	(pc) =	sbr.ind lr, $3  }
0x3a: {  	_ = 	snop  }
0x3b: {  	_ = 	snop  }
0x3c: {  	p2 =	seq.s32 s10, $0x1;
	s10 =	sld [smem:$0x3FB6]  }
0x3d: {  	_ =	shalt  }
0x3e: {  	_ =	shalt  }
0x3f: {  	_ =	shalt  }
0x40: {  	_ =	shalt  }
0x41: {  	_ =	shalt  }
0x42: {  	_ =	shalt  }
0x43: {  	_ =	shalt  }
0x44: {  	_ =	shalt  }
0x45: {  	_ =	shalt  }
0x46: {  	_ =	shalt  }
0x47: {  	_ =	shalt  }
0x48: {  	_ =	shalt  }
0x49: {  	_ =	shalt  }
0x4a: {  	_ =	shalt  }
0x4b: {  	_ =	shalt  }
0x4c: {  	_ =	shalt  }
0x4d: {  	_ =	shalt  }
0x4e: {  	_ =	shalt  }
0x4f: {  	_ =	shalt  }
0x50: {  	_ =	shalt  }
0x51: {  	_ =	shalt  }
0x52: {  	_ =	shalt  }
0x53: {  	_ =	shalt  }
0x54: {  	_ =	shalt  }
0x55: {  	_ =	shalt  }
0x56: {  	_ =	shalt  }
0x57: {  	_ =	shalt  }
0x58: {  	_ =	shalt  }
0x59: {  	_ =	shalt  }
0x5a: {  	_ =	shalt  }
0x5b: {  	_ =	shalt  }
0x5c: {  	_ =	shalt  }
0x5d: {  	_ =	shalt  }
0x5e: {  	_ =	shalt  }
0x5f: {  	_ =	shalt  }
0x60: {  	_ =	shalt  }
0x61: {  	_ =	shalt  }
0x62: {  	_ =	shalt  }
0x63: {  	_ =	shalt  }
0x64: {  	_ =	shalt  }
0x65: {  	_ =	shalt  }
0x66: {  	_ =	shalt  }
0x67: {  	_ =	shalt  }
0x68: {  	_ =	shalt  }
0x69: {  	_ =	shalt  }
0x6a: {  	_ =	shalt  }
0x6b: {  	_ =	shalt  }
0x6c: {  	_ =	shalt  }
0x6d: {  	_ =	shalt  }
0x6e: {  	_ =	shalt  }
0x6f: {  	_ =	shalt  }
0x70: {  	_ =	shalt  }
0x71: {  	_ =	shalt  }
0x72: {  	_ =	shalt  }
0x73: {  	_ =	shalt  }
0x74: {  	_ =	shalt  }
0x75: {  	_ =	shalt  }
0x76: {  	_ =	shalt  }
0x77: {  	_ =	shalt  }
0x78: {  	_ =	shalt  }
0x79: {  	_ =	shalt  }
0x7a: {  	_ =	shalt  }
0x7b: {  	_ =	shalt  }
0x7c: {  	_ =	shalt  }
0x7d: {  	_ =	shalt  }
0x7e: {  	_ =	shalt  }
0x7f: {  	_ =	shalt  }
0x80: {  	_ =	shalt  }
0x81: {  	_ =	shalt  }
0x82: {  	_ =	shalt  }
0x83: {  	_ =	shalt  }
0x84: {  	_ =	shalt  }
0x85: {  	_ =	shalt  }
0x86: {  	_ =	shalt  }
0x87: {  	_ =	shalt  }
.Lfunc_end0:
.L_simem_size_0:
called_computation_lowered:
.L_overlay_start_0:
0x88: {  	s2 =	sld [smem:$0x3FD9]  }
0x89: {  	s3 =	sld [smem:$0x3FFE];
	_ =	sdelay $0x1  }
0x8a: {  	s1 =	srdreg.scid  }
0x8b: {  	s0 =	sand.u32 $0x1, s1  }
0x8c: {  	s14 =	sshll.u32 s0, $0xA;
	s2 =	sadd.s32 s3, s2  }
0x8d: {  	s2 =	sadd.s32 s2, s14  }
0x8e: {  	[smem:$0x3FC2] =	sst s2  }
0x8f: {  	_ = 	snop  }
0x90: {  	s2 =	sld [smem:$0x3FD0];
	_ =	sdelay $0x2  }
0x91: {  	s15 =	simm.s32 $0xA;
	s4 =	simm.s32 $0x10  }
0x92: {  	[smem:s4], [sflag:s15] =	dma.local [hbm:s2], $0x1  }
0x93: {  	_ =	swait.eq [sflag:s15], $0x1  }
0x94: {  	[sflag:s15] =	ssyncset.done $0x0  }
0x95: {  	[sflag:s15] =	ssyncadd.s32 $0xFFFFFFFF  }
0x96: {  	s16 =	sld [smem:$0x11];
	(tm) =	ssettm $0x1  }
0x97: {  	s17 =	sld [smem:$0x3FFB];
	_ =	sdelay $0x3  }
0x98: {  	_ =	strace s17  }
0x99: {  	s3 =	sld [smem:$0x3FFC];
	_ =	sdelay $0x3  }
0x9a: {  	_ =	strace s3  }
0x9b: {  	s3 =	sld [smem:$0x3FFD];
	_ =	sdelay $0x3  }
0x9c: {  	_ =	strace s3  }
0x9d: {  	_ =	strace $0x8FFFFFFF  }
0x9e: {  	s18 =	sld [smem:$0x3FDB];
	_ =	sdelay $0x1  }
0x9f: {  	s19 =	simm.s32 $_scs_section_size  }
0xa0: {  	s5 =	simm.s32 $_size__tile_overlayer_lowered;
	s6 =	simm.s32 $_tile_overlayer_lowered  }
0xa1: {  	s22 =	simm.s32 $0x1BFF;
	s21 =	sshll.u32 s6, $0x1;
	s3 =	sadd.s32 s19, s18  }
0xa2: {  	s7 =	simm.s32 $0x0;
	s20 =	sshll.u32 s5, $0x1;
	s5 =	sadd.s32 s21, s3  }
0xa3: {  	[timem:s7], [sflag:s22] =	dma.local [hbm:s5], s20  }
0xa4: {  	_ =	swait.ge [sflag:s22], s20  }
0xa5: {  	s4 =	ssub.s32 $0x0, s20;
	[sflag:s22] =	ssyncset.done $0x0  }
0xa6: {  	[sflag:s22] =	ssyncadd.s32 s4;
	_ =	sdelay $0x1  }
0xa7: {  	s23 =	simm.s32 $0x1B8B  }
0xa8: {  	_ =	swait.ge [sflag:s23], $0x1  }
0xa9: {  	[sflag:s23] =	ssyncset.done $0x0  }
0xaa: {  	s25 =	simm.s32 $0x1B8E;
	s24 =	sld [smem:$0x3FFE];
	[sflag:s23] =	ssyncadd.s32 $0xFFFFFFFF  }
0xab: {  	s26 =	simm.s32 $execute0_lowered;
	[smem:$0x3FD2] =	sst s25  }
0xac: {  	s5 =	sshll.u32 s26, $0x1;
	_ =	strace $0x80000046;
	[dreg:$0x1] =	wrdreg $0xFFFFFFFF  }
0xad: {  	s28 =	simm.s32 $_size_execute0_lowered;
	s3 =	sadd.s32 s3, s5;
	[dreg:$0x0] =	wrdreg $0x0  }
0xae: {  	s5 =	sshll.u32 s28, $0x1;
	[dreg:$0x2] =	wrdreg s3  }
0xaf: {  	[dreg:$0x3] =	wrdreg s5  }
0xb0: {  	[dreg:$0x4] =	wrdreg $0xC0  }
0xb1: {  	_ =	task [dreg:s7], $0x5FFFF  }
0xb2: {  	[dreg:$0x1] =	wrdreg $0xFFFFFFFF  }
0xb3: {  	[dreg:$0x0] =	wrdreg $0x60  }
0xb4: {  	[dreg:$0x2] =	wrdreg s16  }
0xb5: {  	[dreg:$0x3] =	wrdreg s24  }
0xb6: {  	[dreg:$0x4] =	wrdreg $0xC7000  }
0xb7: {  	[dreg:$0x5] =	wrdreg $0x9  }
0xb8: {  	_ =	task.clear_ibuf [dreg:s7], $0x6FFFF;
	_ =	strace $0x90000046  }
0xb9: {  	s29 =	simm.s32 $0x9;
	_ =	strace $0x80000048  }
0xba: {  	_ =	swait.ge [sflag:s29], $0x1  }
0xbb: {  	[sflag:s29] =	ssyncadd.s32 $0xFFFFFFFF  }
0xbc: {  	_ =	strace $0x90000048  }
0xbd: {  	_ =	sfence  }
0xbe: {  	s30 =	sld [smem:$0x0];
	_ =	sdelay $0x2  }
0xbf: {  	s31 =	sshll.u32 s1, $0xD;
	s1 =	sshrl.u32 s1, $0x2  }
0xc0: {  	s3 =	sand.u32 $0x4000, s31;
	s1 =	sadd.s32 s1, s30  }
0xc1: {  	s0 =	sor.u32 s3, s0;
	s1 =	sshll.u32 s1, $0x11  }
0xc2: {  	s0 =	sor.u32 s1, s0  }
0xc3: {  	s0 =	sadd.s32 $0x8F2B, s0  }
0xc4: {  	[sflag:s0] =	ssyncadd.remote.s32 $0x1  }
0xc5: {  	_ =	sfence.sel $0xFFFF  }
0xc6: {  	[dreg:$0x0] =	wrdreg $0xFFFFFFFF;
	(pc) =	sbr.abs _section_cstart, $3  }
0xc7: {  	[dreg:$0x1] =	wrdreg $0xFFFFFFFF  }
0xc8: {  	_ =	task.clear_ibuf [dreg:s7], $0x2FFFF;
	_ =	strace $0x9FFFFFFF  }
0xc9: {  	(tm) =	ssettm $0x7FFFFFFF  }
tec
execute0_lowered:
.L_overlay_start_1:
0x0: {  	(tag) =	ssettag $0x1  }
0x1: {  	s5 =	rddreg [dreg:$0x0]  }
0x2: {  	s0 =	srdreg.scid;
	s6 =	rddreg [dreg:$0x1]  }
0x3: {  	s10 =	stileid.u32;
	s1 =	rddreg [dreg:$0x2];
	s2 =	simm.s32 $0x0  }
0x4: {  	s14 =	simm.s32 $0x7780;
	s4 =	sand.u32 $0x1, s0;
	s28 =	sshll.u32 s10, $0x1  }
0x5: {  	s15 =	simm.s32 $0x2;
	s0 =	rddreg [dreg:$0x3];
	s7 =	sor.u32 s4, s28  }
0x6: {  	s16 =	simm.s32 $0x0;
	[smem:$0x7FF] =	sst s2;
	s3 =	smul.u32 $0x9C4, s7  }
0x7: {  	_ =	strace $0x80000047;
	s11 =	smul.u32 $0x4F0, s4;
	s4 =	ssub.s32 $0x2, s4  }
0x8: {  	p0 =	seq.s32 s7, $0x1F;
	s30 =	sshrl.u32 s4, $0x1;
	s8 =	sshrl.u32 s3, $0x5  }
0x9: {  	s11 =	sadd.s32 s11, s6;
	s12 =	sadd.s32 $0x9C4, s3;
	s8 =	sadd.s32 $0x7, s8  }
0xa: {  	s31 =	ssub.s32 s4, s30;
	s12 =	sshrl.u32 s12, $0x5;
	s9 =	sshll.u32 s8, $0x4  }
0xb: {  	s3 =	sadd.s32 $0x1000, s6;
	s29 =	sadd.s32 $0x7, s12;
	s9 =	sand.u32 $0x1FFFFF80, s9  }
0xc: {  	s8 =	sand.u32 $0x1FF8, s8;
	s12 =	simm.s32 $0x5000;
	s13 =	sadd.s32 s9, s6  }
0xd: {  	s6 =	sand.u32 $0x7FFFFF8, s29;
	s5 =	sadd.s32 s5, s9;
	s9 =	smax.u32 s31, $0x1  }
0xe: {  	s6 =	simm.s32 @p0 $0x9C4;
	s7 =	sadd.s32 $0x1600, s13;
	p0 =	sne.s32 s10, $0x0  }
0xf: {  	s10 =	simm.s32 $0x3;
	s4 =	ssub.s32 s6, s8;
	s6 =	sadd.s32 $0x13D400, s13  }
0x10: {  	v0 =	vimm.f32 $0.0e+00;
	s8 =	sadd.s32 $0xB600, s11;
	s11 =	simm.s32 $0x2800;
	s13 =	simm.s32 $0x9F80  }
.LBB2_1:
0x11: {  	[tilespmem:s2], [sflag:$0x3] =	stream.linear.gather [hbm4b:s5+s2], $0x2800, $0x38;
	[tilespmem:$0xC978] =	vst v63  }
0x12: {  	_ =	swait.ge [sflag:s10], $0x2800  }
0x13: {  	[sflag:s10] =	ssyncset.done $0x0  }
0x14: {  	[sflag:s10] =	ssyncadd.s32 $0xFFFFD800  }
0x15: {  	[tilespmem:s11], [sflag:$0x3] =	stream.linear.gather [hbm4b:s6+s2], $0x2800, $0x38;
	[tilespmem:$0xC978] =	vst v63  }
0x16: {  	_ =	swait.ge [sflag:s10], $0x2800  }
0x17: {  	[sflag:s10] =	ssyncset.done $0x0  }
.Ltmp0:
0x18: {  	[sflag:s10] =	ssyncadd.s32 $0xFFFFD800;
	(pc) =	sbr.rel @p0 .LBB2_5-.Ltmp0, $4  }
0x19: {  	[tilespmem:s12], [sflag:$0x3] =	stream.linear.gather [hbm4b:s3+s2], $0x2780, $0x38;
	[tilespmem:$0xC978] =	vst v63  }
0x1a: {  	_ =	swait.ge [sflag:s10], $0x2780  }
0x1b: {  	[sflag:s10] =	ssyncset.done $0x0  }
0x1c: {  	[sflag:s10] =	ssyncadd.s32 $0xFFFFD880  }
0x1d: {  	s17 =	simm.s32 $0x9FA0  }
0x1e: {  	[tilespmem:s17+$0xFFFFFFE0] =	vst v0  }
0x1f: {  	[tilespmem:s17+$0x10] =	vst v0  }
0x20: {  	s18 =	simm.s32 $0x0;
	[tilespmem:s17+$0x0] =	vst v0  }
.LBB2_3:
0x21: {  	s18 =	sadd.s32 $0x4, s18  }
0x22: {  	[tilespmem:s17+$0xFFFFFFF0] =	vst v0;
	s17 =	sadd.s32 $0x40, s17;
	p1 =	slt.u32 s18, $0x274  }
.Ltmp1:
0x23: {  	[tilespmem:s17+$0xFFFFFFE0] =	vst v0;
	(pc) =	sbr.rel @p1 .LBB2_3-.Ltmp1, $3  }
0x24: {  	_ =	sdelay $0x1  }
0x25: {  	[tilespmem:s17+$0x10] =	vst v0  }
0x26: {  	[tilespmem:s17+$0x0] =	vst v0  }
0x27: {  	[tilespmem:s17+$0xFFFFFFF0] =	vst v0  }
0x28: {  	[spmem:s1] =	stream.linear.scatter [tilespmem:s13], [sflag:$0x3], $0x2780, $0x38;
	[tilespmem:$0xC978] =	vst v63  }
0x29: {  	_ =	swait.ge [sflag:s10], $0x2780  }
0x2a: {  	[sflag:s10] =	ssyncset.done $0x0  }
0x2b: {  	[sflag:s10] =	ssyncadd.s32 $0xFFFFD880  }
.LBB2_5:
0x2c: {  	s17 =	simm.s32 $0x0  }
0x2d: {  	v1 =	vld [tilespmem:s17+$0x0];
	_ =	sdelay $0x6  }
0x2e: {  	v2 =	vld [tilespmem:s17+$0x2800]  }
0x2f: {  	v1 =	vld.idx.msk [tilespmem:v1+s12+$0x0], $0xffff;
	_ =	sdelay $0x4  }
0x30: {  	v1 =	vadd.f32 v2, v1;
	_ =	sdelay $0x1  }
0x31: {  	v2 =	vmul.f32 $9.999999770e-03, v1  }
0x32: {  	vm0 =	vge.f32 v1, $0.0e+00  }
0x33: {  	v1 =	vsel vm0, v1, v2  }
0x34: {  	v1 =	vmul.f32 $1.442695020e+00, v1;
	_ =	sdelay $0x1  }
0x35: {  	s18 =	simm.s32 $0x80;
	(erf) = vpow2.f32 v1  }
0x36: {  	v1 =	vld [tilespmem:s18+$0x0];
	_ =	sdelay $0x1  }
0x37: {  	v2 =	vld [tilespmem:s17+$0x10];
	_ =	sdelay $0x4  }
0x38: {  	v4 =	vld [tilespmem:s18+$0x2800]  }
0x39: {  	v1 =	vld.idx.msk [tilespmem:v1+s12+$0x0], $0xffff;
	v3 =	vpop (erf)  }
0x3a: {  	[tilespmem:s17+$0x7780] =	vst v3;
	v3 =	vld [tilespmem:s17+$0x2810]  }
0x3b: {  	v2 =	vld.idx.msk [tilespmem:v2+s12+$0x0], $0xffff;
	_ =	sdelay $0x2  }
0x3c: {  	v1 =	vadd.f32 v4, v1;
	_ =	sdelay $0x1  }
0x3d: {  	v4 =	vmul.f32 $9.999999770e-03, v1;
	v2 =	vadd.f32 v3, v2  }
0x3e: {  	vm5 =	vge.f32 v1, $0.0e+00  }
0x3f: {  	v1 =	vsel vm5, v1, v4;
	v3 =	vmul.f32 $9.999999770e-03, v2  }
0x40: {  	v1 =	vmul.f32 $1.442695020e+00, v1;
	vm6 =	vge.f32 v2, $0.0e+00  }
0x41: {  	v2 =	vsel vm6, v2, v3  }
0x42: {  	s19 =	simm.s32 $0x100;
	(erf) = vpow2.f32 v1;
	v1 =	vmul.f32 $1.442695020e+00, v2  }
0x43: {  	v2 =	vld [tilespmem:s19+$0x0]  }
0x44: {  	(erf) = vpow2.f32 v1  }
0x45: {  	v1 =	vld [tilespmem:s18+$0x10];
	_ =	sdelay $0x1  }
0x46: {  	v3 =	vld [tilespmem:s17+$0x20];
	_ =	sdelay $0x2  }
0x47: {  	v5 =	vld [tilespmem:s19+$0x2800]  }
0x48: {  	v2 =	vld.idx.msk [tilespmem:v2+s12+$0x0], $0xffff;
	v4 =	vpop (erf)  }
0x49: {  	v7 =	vld [tilespmem:s18+$0x2810];
	[tilespmem:s18+$0x7780] =	vst v4  }
0x4a: {  	v1 =	vld.idx.msk [tilespmem:v1+s12+$0x0], $0xffff;
	v4 =	vpop (erf)  }
0x4b: {  	v6 =	vld [tilespmem:s17+$0x2820];
	[tilespmem:s17+$0x7790] =	vst v4  }
0x4c: {  	v3 =	vld.idx.msk [tilespmem:v3+s12+$0x0], $0xffff  }
0x4d: {  	v2 =	vadd.f32 v5, v2;
	_ =	sdelay $0x1  }
0x4e: {  	v4 =	vmul.f32 $9.999999770e-03, v2;
	v1 =	vadd.f32 v7, v1  }
0x4f: {  	vm7 =	vge.f32 v2, $0.0e+00  }
0x50: {  	v2 =	vsel vm7, v2, v4;
	v4 =	vmul.f32 $9.999999770e-03, v1;
	v3 =	vadd.f32 v6, v3  }
0x51: {  	vm8 =	vge.f32 v1, $0.0e+00  }
0x52: {  	v2 =	vmul.f32 $1.442695020e+00, v2;
	v1 =	vsel vm8, v1, v4;
	v5 =	vmul.f32 $9.999999770e-03, v3  }
0x53: {  	vm9 =	vge.f32 v3, $0.0e+00;
	v1 =	vmul.f32 $1.442695020e+00, v1  }
0x54: {  	s20 =	simm.s32 $0x180;
	(erf) = vpow2.f32 v2;
	v2 =	vsel vm9, v3, v5  }
0x55: {  	v3 =	vld [tilespmem:s20+$0x0];
	(erf) = vpow2.f32 v1;
	v2 =	vmul.f32 $1.442695020e+00, v2;
	_ =	sdelay $0x1  }
0x56: {  	v1 =	vld [tilespmem:s19+$0x10];
	(erf) = vpow2.f32 v2  }
0x57: {  	v2 =	vld [tilespmem:s18+$0x20];
	_ =	sdelay $0x1  }
0x58: {  	v4 =	vld [tilespmem:s17+$0x30]  }
0x59: {  	v8 =	vld [tilespmem:s19+$0x2810]  }
0x5a: {  	v6 =	vld [tilespmem:s20+$0x2800]  }
0x5b: {  	v5 =	vpop (erf);
	v3 =	vld.idx.msk [tilespmem:v3+s12+$0x0], $0xffff  }
0x5c: {  	v7 =	vld [tilespmem:s18+$0x2820];
	[tilespmem:s19+$0x7780] =	vst v5;
	v5 =	vpop (erf)  }
0x5d: {  	v1 =	vld.idx.msk [tilespmem:v1+s12+$0x0], $0xffff;
	[tilespmem:s18+$0x7790] =	vst v5  }
0x5e: {  	v2 =	vld.idx.msk [tilespmem:v2+s12+$0x0], $0xffff;
	v9 =	vpop (erf)  }
0x5f: {  	v5 =	vld [tilespmem:s17+$0x2830];
	[tilespmem:s17+$0x77A0] =	vst v9  }
0x60: {  	v3 =	vadd.f32 v6, v3;
	v4 =	vld.idx.msk [tilespmem:v4+s12+$0x0], $0xffff;
	_ =	sdelay $0x1  }
0x61: {  	v1 =	vadd.f32 v8, v1;
	v6 =	vmul.f32 $9.999999770e-03, v3  }
0x62: {  	vm10 =	vge.f32 v3, $0.0e+00;
	v2 =	vadd.f32 v7, v2  }
0x63: {  	vm11 =	vge.f32 v1, $0.0e+00;
	v3 =	vsel vm10, v3, v6;
	v6 =	vmul.f32 $9.999999770e-03, v1  }
0x64: {  	v3 =	vmul.f32 $1.442695020e+00, v3;
	v4 =	vadd.f32 v5, v4;
	v5 =	vmul.f32 $9.999999770e-03, v2  }
0x65: {  	vm12 =	vge.f32 v2, $0.0e+00;
	v1 =	vsel vm11, v1, v6  }
0x66: {  	s21 =	simm.s32 $0x200;
	(erf) = vpow2.f32 v3;
	v1 =	vmul.f32 $1.442695020e+00, v1;
	v2 =	vsel vm12, v2, v5  }
0x67: {  	v3 =	vld [tilespmem:s21+$0x0];
	v5 =	vmul.f32 $9.999999770e-03, v4;
	v2 =	vmul.f32 $1.442695020e+00, v2  }
0x68: {  	vm13 =	vge.f32 v4, $0.0e+00;
	(erf) = vpow2.f32 v1  }
0x69: {  	v1 =	vsel vm13, v4, v5;
	(erf) = vpow2.f32 v2;
	v2 =	vld [tilespmem:s20+$0x10]  }
0x6a: {  	v1 =	vmul.f32 $1.442695020e+00, v1  }
0x6b: {  	v4 =	vld [tilespmem:s19+$0x20]  }
0x6c: {  	v7 =	vld [tilespmem:s21+$0x2800];
	(erf) = vpow2.f32 v1  }
0x6d: {  	v5 =	vld [tilespmem:s18+$0x30]  }
0x6e: {  	v1 =	vld [tilespmem:s17+$0x40]  }
0x6f: {  	v3 =	vld.idx.msk [tilespmem:v3+s12+$0x0], $0xffff;
	v6 =	vpop (erf)  }
0x70: {  	[tilespmem:s20+$0x7780] =	vst v6;
	v6 =	vld [tilespmem:s20+$0x2810]  }
0x71: {  	v9 =	vpop (erf);
	v2 =	vld.idx.msk [tilespmem:v2+s12+$0x0], $0xffff  }
0x72: {  	v8 =	vld [tilespmem:s19+$0x2820];
	[tilespmem:s19+$0x7790] =	vst v9  }
0x73: {  	v10 =	vpop (erf);
	v4 =	vld.idx.msk [tilespmem:v4+s12+$0x0], $0xffff  }
0x74: {  	v9 =	vld [tilespmem:s18+$0x2830];
	v3 =	vadd.f32 v7, v3;
	[tilespmem:s18+$0x77A0] =	vst v10  }
0x75: {  	v5 =	vld.idx.msk [tilespmem:v5+s12+$0x0], $0xffff;
	v7 =	vpop (erf)  }
0x76: {  	v10 =	vmul.f32 $9.999999770e-03, v3;
	[tilespmem:s17+$0x77B0] =	vst v7;
	v2 =	vadd.f32 v6, v2  }
0x77: {  	vm14 =	vge.f32 v3, $0.0e+00;
	v1 =	vld.idx.msk [tilespmem:v1+s12+$0x0], $0xffff  }
0x78: {  	v3 =	vsel vm14, v3, v10;
	v6 =	vld [tilespmem:s17+$0x2840];
	v4 =	vadd.f32 v8, v4;
	v7 =	vmul.f32 $9.999999770e-03, v2  }
0x79: {  	v3 =	vmul.f32 $1.442695020e+00, v3;
	vm15 =	vge.f32 v2, $0.0e+00  }
0x7a: {  	v5 =	vadd.f32 v9, v5;
	v8 =	vmul.f32 $9.999999770e-03, v4;
	v2 =	vsel vm15, v2, v7  }
0x7b: {  	s22 =	simm.s32 $0x280;
	vm4 =	vge.f32 v4, $0.0e+00;
	v2 =	vmul.f32 $1.442695020e+00, v2  }
0x7c: {  	(erf) = vpow2.f32 v3;
	v3 =	vld [tilespmem:s22+$0x0];
	v7 =	vmul.f32 $9.999999770e-03, v5;
	v4 =	vsel vm4, v4, v8  }
0x7d: {  	v1 =	vadd.f32 v6, v1;
	v4 =	vmul.f32 $1.442695020e+00, v4;
	(erf) = vpow2.f32 v2  }
0x7e: {  	v10 =	vld [tilespmem:s21+$0x2810];
	vm5 =	vge.f32 v5, $0.0e+00  }
0x7f: {  	v6 =	vld [tilespmem:s21+$0x10];
	v5 =	vsel vm5, v5, v7;
	(erf) = vpow2.f32 v4;
	v4 =	vmul.f32 $9.999999770e-03, v1  }
0x80: {  	vm6 =	vge.f32 v1, $0.0e+00;
	v7 =	vld [tilespmem:s20+$0x20];
	v5 =	vmul.f32 $1.442695020e+00, v5  }
0x81: {  	v9 =	vld [tilespmem:s20+$0x2820];
	v1 =	vsel vm6, v1, v4  }
0x82: {  	v4 =	vld [tilespmem:s19+$0x30];
	(erf) = vpow2.f32 v5;
	v1 =	vmul.f32 $1.442695020e+00, v1  }
0x83: {  	v5 =	vld [tilespmem:s18+$0x40]  }
0x84: {  	v3 =	vld.idx.msk [tilespmem:v3+s12+$0x0], $0xffff;
	(erf) = vpow2.f32 v1  }
0x85: {  	v8 =	vpop (erf);
	v1 =	vld [tilespmem:s22+$0x2800]  }
0x86: {  	v2 =	vld [tilespmem:s17+$0x50];
	[tilespmem:s21+$0x7780] =	vst v8;
	v8 =	vpop (erf)  }
0x87: {  	v6 =	vld.idx.msk [tilespmem:v6+s12+$0x0], $0xffff;
	[tilespmem:s20+$0x7790] =	vst v8  }
0x88: {  	v7 =	vld.idx.msk [tilespmem:v7+s12+$0x0], $0xffff  }
0x89: {  	v8 =	vpop (erf)  }
0x8a: {  	[tilespmem:s19+$0x77A0] =	vst v8;
	v1 =	vadd.f32 v1, v3;
	v8 =	vld [tilespmem:s19+$0x2830]  }
0x8b: {  	v3 =	vld.idx.msk [tilespmem:v4+s12+$0x0], $0xffff;
	v4 =	vpop (erf)  }
0x8c: {  	v6 =	vadd.f32 v10, v6;
	v11 =	vmul.f32 $9.999999770e-03, v1;
	[tilespmem:s18+$0x77B0] =	vst v4;
	v4 =	vld [tilespmem:s17+$0x2850]  }
0x8d: {  	vm7 =	vge.f32 v1, $0.0e+00;
	v5 =	vld.idx.msk [tilespmem:v5+s12+$0x0], $0xffff;
	v10 =	vpop (erf);
	v7 =	vadd.f32 v9, v7  }
0x8e: {  	v1 =	vsel vm7, v1, v11;
	[tilespmem:s17+$0x77C0] =	vst v10;
	v9 =	vld [tilespmem:s18+$0x2840];
	v10 =	vmul.f32 $9.999999770e-03, v6  }
0x8f: {  	vm8 =	vge.f32 v6, $0.0e+00;
	v1 =	vmul.f32 $1.442695020e+00, v1;
	v2 =	vld.idx.msk [tilespmem:v2+s12+$0x0], $0xffff;
	v11 =	vmul.f32 $9.999999770e-03, v7  }
0x90: {  	s23 =	simm.s32 $0x300;
	v3 =	vadd.f32 v8, v3;
	v6 =	vsel vm8, v6, v10;
	vm9 =	vge.f32 v7, $0.0e+00  }
0x91: {  	(erf) = vpow2.f32 v1;
	v1 =	vmul.f32 $1.442695020e+00, v6;
	v6 =	vsel vm9, v7, v11;
	v7 =	vld [tilespmem:s23+$0x0]  }
0x92: {  	v8 =	vmul.f32 $9.999999770e-03, v3  }
0x93: {  	v10 =	vld [tilespmem:s21+$0x20];
	v6 =	vmul.f32 $1.442695020e+00, v6;
	v5 =	vadd.f32 v9, v5;
	(erf) = vpow2.f32 v1  }
0x94: {  	vm10 =	vge.f32 v3, $0.0e+00;
	v11 =	vld [tilespmem:s22+$0x2810];
	v2 =	vadd.f32 v4, v2  }
0x95: {  	v3 =	vsel vm10, v3, v8;
	v8 =	vld [tilespmem:s22+$0x10];
	(erf) = vpow2.f32 v6;
	v6 =	vmul.f32 $9.999999770e-03, v5  }
0x96: {  	v1 =	vld [tilespmem:s17+$0x60];
	v3 =	vmul.f32 $1.442695020e+00, v3;
	vm11 =	vge.f32 v5, $0.0e+00;
	v9 =	vmul.f32 $9.999999770e-03, v2  }
0x97: {  	v4 =	vld [tilespmem:s18+$0x50];
	vm12 =	vge.f32 v2, $0.0e+00;
	v5 =	vsel vm11, v5, v6  }
0x98: {  	(erf) = vpow2.f32 v3;
	v6 =	vld [tilespmem:s20+$0x30];
	v3 =	vmul.f32 $1.442695020e+00, v5;
	v2 =	vsel vm12, v2, v9  }
0x99: {  	v2 =	vmul.f32 $1.442695020e+00, v2;
	v7 =	vld.idx.msk [tilespmem:v7+s12+$0x0], $0xffff  }
0x9a: {  	(erf) = vpow2.f32 v3;
	v3 =	vld [tilespmem:s23+$0x2800]  }
0x9b: {  	v5 =	vld [tilespmem:s19+$0x40];
	v9 =	vpop (erf);
	(erf) = vpow2.f32 v2  }
0x9c: {  	v2 =	vld [tilespmem:s21+$0x2820];
	[tilespmem:s22+$0x7780] =	vst v9;
	v9 =	vpop (erf)  }
0x9d: {  	v8 =	vld.idx.msk [tilespmem:v8+s12+$0x0], $0xffff;
	[tilespmem:s21+$0x7790] =	vst v9  }
0x9e: {  	v12 =	vpop (erf);
	v9 =	vld.idx.msk [tilespmem:v10+s12+$0x0], $0xffff  }
0x9f: {  	[tilespmem:s20+$0x77A0] =	vst v12;
	v3 =	vadd.f32 v3, v7;
	v7 =	vld [tilespmem:s20+$0x2830]  }
0xa0: {  	v6 =	vld.idx.msk [tilespmem:v6+s12+$0x0], $0xffff  }
0xa1: {  	v13 =	vld [tilespmem:s17+$0x2860];
	v10 =	vpop (erf);
	v12 =	vmul.f32 $9.999999770e-03, v3  }
0xa2: {  	[tilespmem:s19+$0x77B0] =	vst v10;
	v10 =	vld [tilespmem:s18+$0x2850];
	vm13 =	vge.f32 v3, $0.0e+00;
	v8 =	vadd.f32 v11, v8  }
0xa3: {  	v5 =	vld.idx.msk [tilespmem:v5+s12+$0x0], $0xffff;
	v11 =	vpop (erf);
	v3 =	vsel vm13, v3, v12;
	v2 =	vadd.f32 v2, v9  }
0xa4: {  	v12 =	vmul.f32 $9.999999770e-03, v8;
	[tilespmem:s18+$0x77C0] =	vst v11;
	v9 =	vpop (erf);
	v3 =	vmul.f32 $1.442695020e+00, v3;
	v11 =	vld [tilespmem:s19+$0x2840]  }
0xa5: {  	vm14 =	vge.f32 v8, $0.0e+00;
	[tilespmem:s17+$0x77D0] =	vst v9;
	v6 =	vadd.f32 v7, v6;
	v4 =	vld.idx.msk [tilespmem:v4+s12+$0x0], $0xffff;
	v7 =	vmul.f32 $9.999999770e-03, v2  }
0xa6: {  	s24 =	simm.s32 $0x380;
	vm15 =	vge.f32 v2, $0.0e+00;
	(erf) = vpow2.f32 v3;
	v1 =	vld.idx.msk [tilespmem:v1+s12+$0x0], $0xffff;
	v3 =	vsel vm14, v8, v12  }
0xa7: {  	v8 =	vmul.f32 $9.999999770e-03, v6;
	v3 =	vmul.f32 $1.442695020e+00, v3;
	v2 =	vsel vm15, v2, v7;
	v7 =	vld [tilespmem:s24+$0x0]  }
0xa8: {  	v9 =	vld [tilespmem:s17+$0x70];
	vm4 =	vge.f32 v6, $0.0e+00;
	v2 =	vmul.f32 $1.442695020e+00, v2  }
0xa9: {  	v12 =	vld [tilespmem:s21+$0x30];
	v6 =	vsel vm4, v6, v8;
	v5 =	vadd.f32 v11, v5;
	(erf) = vpow2.f32 v3  }
0xaa: {  	v3 =	vld [tilespmem:s18+$0x60];
	v6 =	vmul.f32 $1.442695020e+00, v6;
	(erf) = vpow2.f32 v2;
	v2 =	vadd.f32 v10, v4  }
0xab: {  	v10 =	vld [tilespmem:s23+$0x10];
	v8 =	vmul.f32 $9.999999770e-03, v5;
	v1 =	vadd.f32 v13, v1  }
0xac: {  	v11 =	vld [tilespmem:s22+$0x20];
	vm5 =	vge.f32 v5, $0.0e+00;
	(erf) = vpow2.f32 v6;
	v6 =	vmul.f32 $9.999999770e-03, v2  }
0xad: {  	v4 =	vld [tilespmem:s19+$0x50];
	vm6 =	vge.f32 v2, $0.0e+00;
	v5 =	vsel vm5, v5, v8;
	v8 =	vmul.f32 $9.999999770e-03, v1  }
0xae: {  	vm7 =	vge.f32 v1, $0.0e+00;
	v5 =	vmul.f32 $1.442695020e+00, v5;
	v2 =	vsel vm6, v2, v6;
	v6 =	vld [tilespmem:s20+$0x40]  }
0xaf: {  	v2 =	vmul.f32 $1.442695020e+00, v2;
	v1 =	vsel vm7, v1, v8;
	v7 =	vld.idx.msk [tilespmem:v7+s12+$0x0], $0xffff  }
0xb0: {  	(erf) = vpow2.f32 v5;
	v1 =	vmul.f32 $1.442695020e+00, v1;
	v5 =	vld [tilespmem:s24+$0x2800]  }
0xb1: {  	v8 =	vpop (erf);
	(erf) = vpow2.f32 v2;
	v2 =	vld [tilespmem:s22+$0x2820]  }
0xb2: {  	[tilespmem:s23+$0x7780] =	vst v8;
	v8 =	vpop (erf);
	(erf) = vpow2.f32 v1;
	v1 =	vld [tilespmem:s23+$0x2810]  }
0xb3: {  	v13 =	vpop (erf);
	v10 =	vld.idx.msk [tilespmem:v10+s12+$0x0], $0xffff;
	[tilespmem:s22+$0x7790] =	vst v8  }
0xb4: {  	v8 =	vld.idx.msk [tilespmem:v11+s12+$0x0], $0xffff;
	[tilespmem:s21+$0x77A0] =	vst v13  }
0xb5: {  	v11 =	vld.idx.msk [tilespmem:v12+s12+$0x0], $0xffff  }
0xb6: {  	v5 =	vadd.f32 v5, v7;
	v7 =	vld [tilespmem:s21+$0x2830]  }
0xb7: {  	v13 =	vld [tilespmem:s18+$0x2860];
	v12 =	vpop (erf)  }
0xb8: {  	[tilespmem:s20+$0x77B0] =	vst v12;
	v12 =	vld [tilespmem:s19+$0x2850];
	v14 =	vmul.f32 $9.999999770e-03, v5  }
0xb9: {  	vm8 =	vge.f32 v5, $0.0e+00;
	v6 =	vld.idx.msk [tilespmem:v6+s12+$0x0], $0xffff  }
0xba: {  	s25 =	simm.s32 $0x400;
	v1 =	vadd.f32 v1, v10;
	v15 =	vpop (erf);
	v5 =	vsel vm8, v5, v14;
	v14 =	vld [tilespmem:s20+$0x2840]  }
0xbb: {  	v2 =	vadd.f32 v2, v8;
	[tilespmem:s19+$0x77C0] =	vst v15;
	v10 =	vpop (erf);
	v7 =	vadd.f32 v7, v11;
	v11 =	vld [tilespmem:s25+$0x0]  }
0xbc: {  	v5 =	vmul.f32 $1.442695020e+00, v5;
	[tilespmem:s18+$0x77D0] =	vst v10;
	v8 =	vpop (erf);
	v4 =	vld.idx.msk [tilespmem:v4+s12+$0x0], $0xffff;
	v10 =	vmul.f32 $9.999999770e-03, v1  }
0xbd: {  	vm9 =	vge.f32 v1, $0.0e+00;
	vm10 =	vge.f32 v2, $0.0e+00;
	[tilespmem:s17+$0x77E0] =	vst v8;
	v8 =	vld.idx.msk [tilespmem:v3+s12+$0x0], $0xffff;
	v3 =	vmul.f32 $9.999999770e-03, v2  }
0xbe: {  	(erf) = vpow2.f32 v5;
	v5 =	vld.idx.msk [tilespmem:v9+s12+$0x0], $0xffff;
	v1 =	vsel vm9, v1, v10;
	v9 =	vmul.f32 $9.999999770e-03, v7  }
0xbf: {  	vm11 =	vge.f32 v7, $0.0e+00;
	v10 =	vld [tilespmem:s17+$0x2870];
	v1 =	vmul.f32 $1.442695020e+00, v1;
	v2 =	vsel vm10, v2, v3  }
0xc0: {  	v6 =	vadd.f32 v14, v6;
	v3 =	vmul.f32 $1.442695020e+00, v2;
	v7 =	vsel vm11, v7, v9  }
0xc1: {  	v14 =	vld [tilespmem:s24+$0x10];
	(erf) = vpow2.f32 v1;
	v7 =	vmul.f32 $1.442695020e+00, v7  }
0xc2: {  	v2 =	vld [tilespmem:s18+$0x70];
	v9 =	vmul.f32 $9.999999770e-03, v6;
	v12 =	vadd.f32 v12, v4;
	(erf) = vpow2.f32 v3  }
0xc3: {  	v1 =	vld [tilespmem:s19+$0x60];
	vm12 =	vge.f32 v6, $0.0e+00;
	v8 =	vadd.f32 v13, v8;
	(erf) = vpow2.f32 v7  }
0xc4: {  	v3 =	vld [tilespmem:s20+$0x50];
	v4 =	vsel vm12, v6, v9;
	v6 =	vmul.f32 $9.999999770e-03, v12;
	v10 =	vadd.f32 v10, v5  }
0xc5: {  	v13 =	vld [tilespmem:s23+$0x20];
	vm13 =	vge.f32 v12, $0.0e+00;
	v15 =	vmul.f32 $1.442695020e+00, v4;
	v9 =	vmul.f32 $9.999999770e-03, v8  }
0xc6: {  	v5 =	vld [tilespmem:s22+$0x30];
	vm14 =	vge.f32 v8, $0.0e+00;
	v6 =	vsel vm13, v12, v6;
	v12 =	vmul.f32 $9.999999770e-03, v10  }
0xc7: {  	v7 =	vld.idx.msk [tilespmem:v11+s12+$0x0], $0xffff;
	vm15 =	vge.f32 v10, $0.0e+00;
	v16 =	vmul.f32 $1.442695020e+00, v6;
	v6 =	vsel vm14, v8, v9  }
0xc8: {  	v4 =	vld [tilespmem:s21+$0x40];
	v11 =	vpop (erf);
	(erf) = vpow2.f32 v15;
	v15 =	vmul.f32 $1.442695020e+00, v6;
	v8 =	vsel vm15, v10, v12  }
0xc9: {  	v9 =	vld [tilespmem:s25+$0x2800];
	[tilespmem:s24+$0x7780] =	vst v11;
	(erf) = vpow2.f32 v16;
	v11 =	vmul.f32 $1.442695020e+00, v8  }
0xca: {  	v6 =	vld [tilespmem:s23+$0x2820];
	v12 =	vpop (erf);
	(erf) = vpow2.f32 v15  }
0xcb: {  	v8 =	vld [tilespmem:s24+$0x2810];
	(erf) = vpow2.f32 v11  }
0xcc: {  	v10 =	vld.idx.msk [tilespmem:v14+s12+$0x0], $0xffff;
	v15 =	vpop (erf);
	[tilespmem:s23+$0x7790] =	vst v12  }
0xcd: {  	s26 =	simm.s32 $0x1200;
	v12 =	vpop (erf);
	v11 =	vld.idx.msk [tilespmem:v13+s12+$0x0], $0xffff;
	[tilespmem:s22+$0x77A0] =	vst v15  }
.LBB2_6:
0xce: {  	p1 =	sne.s32 s26, $0x9E00;
	v7 =	vadd.f32 v9, v7;
	v5 =	vld.idx.msk [tilespmem:v5+s12+$0x0], $0xffff  }
0xcf: {  	v9 =	vld [tilespmem:s22+$0x2830]  }
0xd0: {  	v13 =	vmul.f32 $9.999999770e-03, v7;
	v14 =	vld [tilespmem:s19+$0x2860]  }
0xd1: {  	vm0 =	vge.f32 v7, $0.0e+00;
	[tilespmem:s21+$0x77B0] =	vst v12;
	v12 =	vld [tilespmem:s20+$0x2850];
	v15 =	vpop (erf)  }
0xd2: {  	v8 =	vadd.f32 v8, v10;
	v7 =	vsel vm0, v7, v13;
	v4 =	vld.idx.msk [tilespmem:v4+s12+$0x0], $0xffff;
	[tilespmem:s20+$0x77C0] =	vst v15;
	v10 =	vpop (erf)  }
0xd3: {  	v6 =	vadd.f32 v6, v11;
	v7 =	vmul.f32 $1.442695020e+00, v7;
	v11 =	vld [tilespmem:s21+$0x2840];
	[tilespmem:s19+$0x77D0] =	vst v10;
	v10 =	vpop (erf)  }
0xd4: {  	v13 =	vmul.f32 $9.999999770e-03, v8;
	v5 =	vadd.f32 v9, v5;
	v3 =	vld.idx.msk [tilespmem:v3+s12+$0x0], $0xffff;
	[tilespmem:s18+$0x77E0] =	vst v10;
	v9 =	vpop (erf)  }
0xd5: {  	vm0 =	vge.f32 v8, $0.0e+00;
	(erf) = vpow2.f32 v7;
	v7 =	vmul.f32 $9.999999770e-03, v6;
	v10 =	vld.idx.msk [tilespmem:v1+s12+$0x0], $0xffff;
	[tilespmem:s17+$0x77F0] =	vst v9;
	s17 =	smov.u32 s18;
	s18 =	smov.u32 s19;
	s19 =	smov.u32 s20  }
0xd6: {  	v1 =	vsel vm0, v8, v13;
	vm0 =	vge.f32 v6, $0.0e+00;
	s20 =	smov.u32 s21;
	s21 =	smov.u32 s22;
	s22 =	smov.u32 s23;
	v8 =	vmul.f32 $9.999999770e-03, v5;
	v9 =	vld.idx.msk [tilespmem:v2+s12+$0x0], $0xffff  }
0xd7: {  	s23 =	smov.u32 s24;
	s24 =	smov.u32 s25;
	s25 =	sshra.s32 s26, $0x2;
	v1 =	vmul.f32 $1.442695020e+00, v1;
	v2 =	vsel vm0, v6, v7;
	vm0 =	vge.f32 v5, $0.0e+00;
	v6 =	vld [tilespmem:s17+$0x2870]  }
0xd8: {  	v7 =	vld [tilespmem:s25+$0x0];
	v13 =	vmul.f32 $1.442695020e+00, v2;
	v2 =	vsel vm0, v5, v8;
	v4 =	vadd.f32 v11, v4  }
0xd9: {  	(erf) = vpow2.f32 v1;
	v5 =	vmul.f32 $1.442695020e+00, v2;
	v2 =	vld [tilespmem:s18+$0x70]  }
0xda: {  	v11 =	vadd.f32 v12, v3;
	(erf) = vpow2.f32 v13;
	v8 =	vmul.f32 $9.999999770e-03, v4;
	v1 =	vld [tilespmem:s19+$0x60]  }
0xdb: {  	vm0 =	vge.f32 v4, $0.0e+00;
	v10 =	vadd.f32 v14, v10;
	(erf) = vpow2.f32 v5;
	v3 =	vld [tilespmem:s20+$0x50]  }
0xdc: {  	v12 =	vld [tilespmem:s24+$0x10];
	v4 =	vsel vm0, v4, v8;
	v8 =	vmul.f32 $9.999999770e-03, v11;
	v6 =	vadd.f32 v6, v9  }
0xdd: {  	vm0 =	vge.f32 v11, $0.0e+00;
	v14 =	vmul.f32 $9.999999770e-03, v10;
	v13 =	vld [tilespmem:s23+$0x20];
	v9 =	vmul.f32 $1.442695020e+00, v4  }
0xde: {  	v15 =	vpop (erf);
	v5 =	vld [tilespmem:s22+$0x30];
	v8 =	vsel vm0, v11, v8;
	vm0 =	vge.f32 v10, $0.0e+00;
	v11 =	vmul.f32 $9.999999770e-03, v6  }
0xdf: {  	v4 =	vld [tilespmem:s21+$0x40];
	v8 =	vmul.f32 $1.442695020e+00, v8;
	v10 =	vsel vm0, v10, v14;
	vm0 =	vge.f32 v6, $0.0e+00  }
0xe0: {  	v7 =	vld.idx.msk [tilespmem:v7+s12+$0x0], $0xffff;
	(erf) = vpow2.f32 v9;
	v10 =	vmul.f32 $1.442695020e+00, v10;
	v6 =	vsel vm0, v6, v11  }
.Ltmp2:
0xe1: {  	v9 =	vld [tilespmem:s25+$0x2800];
	(erf) = vpow2.f32 v8;
	v11 =	vmul.f32 $1.442695020e+00, v6;
	(pc) =	sbr.rel @p1 .LBB2_6-.Ltmp2, $4  }
0xe2: {  	v6 =	vld [tilespmem:s23+$0x2820];
	v14 =	vpop (erf);
	(erf) = vpow2.f32 v10  }
0xe3: {  	[tilespmem:s24+$0x7780] =	vst v15;
	v8 =	vld [tilespmem:s24+$0x2810];
	v15 =	vpop (erf);
	(erf) = vpow2.f32 v11  }
0xe4: {  	v10 =	vld.idx.msk [tilespmem:v12+s12+$0x0], $0xffff;
	[tilespmem:s23+$0x7790] =	vst v14;
	v12 =	vpop (erf)  }
0xe5: {  	s26 =	sadd.s32 $0x200, s26;
	v11 =	vld.idx.msk [tilespmem:v13+s12+$0x0], $0xffff;
	[tilespmem:s22+$0x77A0] =	vst v15  }
0xe6: {  	v7 =	vadd.f32 v9, v7;
	_ =	sdelay $0x1  }
0xe7: {  	v9 =	vmul.f32 $9.999999770e-03, v7  }
0xe8: {  	vm0 =	vge.f32 v7, $0.0e+00  }
0xe9: {  	v7 =	vsel vm0, v7, v9  }
0xea: {  	v7 =	vmul.f32 $1.442695020e+00, v7  }
0xeb: {  	v5 =	vld.idx.msk [tilespmem:v5+s12+$0x0], $0xffff  }
0xec: {  	v27 =	vld [tilespmem:s22+$0x2830];
	(erf) = vpow2.f32 v7  }
0xed: {  	v31 =	vld [tilespmem:s25+$0x10]  }
0xee: {  	[tilespmem:s21+$0x77B0] =	vst v12;
	v13 =	vld [tilespmem:s21+$0x2840]  }
0xef: {  	v4 =	vld.idx.msk [tilespmem:v4+s12+$0x0], $0xffff  }
0xf0: {  	v28 =	vld [tilespmem:s19+$0x2860];
	v8 =	vadd.f32 v8, v10  }
0xf1: {  	v29 =	vld [tilespmem:s20+$0x2850];
	v30 =	vpop (erf);
	v6 =	vadd.f32 v6, v11  }
0xf2: {  	v37 =	vld [tilespmem:s18+$0x2870];
	[tilespmem:s20+$0x77C0] =	vst v30;
	v32 =	vpop (erf);
	v14 =	vmul.f32 $9.999999770e-03, v8  }
0xf3: {  	[tilespmem:s19+$0x77D0] =	vst v32;
	v33 =	vpop (erf);
	v5 =	vadd.f32 v27, v5;
	v3 =	vld.idx.msk [tilespmem:v3+s12+$0x0], $0xffff;
	vm5 =	vge.f32 v8, $0.0e+00;
	v34 =	vmul.f32 $9.999999770e-03, v6  }
0xf4: {  	v35 =	vld.idx.msk [tilespmem:v1+s12+$0x0], $0xffff;
	vm6 =	vge.f32 v6, $0.0e+00;
	v1 =	vpop (erf);
	v4 =	vadd.f32 v13, v4;
	v8 =	vsel vm5, v8, v14  }
0xf5: {  	v38 =	vld [tilespmem:s25+$0x2810];
	[tilespmem:s18+$0x77E0] =	vst v33;
	v36 =	vmul.f32 $9.999999770e-03, v5;
	vm7 =	vge.f32 v5, $0.0e+00;
	v8 =	vmul.f32 $1.442695020e+00, v8;
	v15 =	vpop (erf)  }
0xf6: {  	v2 =	vld.idx.msk [tilespmem:v2+s12+$0x0], $0xffff;
	v6 =	vsel vm6, v6, v34;
	v39 =	vmul.f32 $9.999999770e-03, v4;
	vm8 =	vge.f32 v4, $0.0e+00;
	[tilespmem:s25+$0x7780] =	vst v15  }
0xf7: {  	v6 =	vmul.f32 $1.442695020e+00, v6;
	v5 =	vsel vm7, v5, v36;
	(erf) = vpow2.f32 v8;
	v11 =	vld.idx.msk [tilespmem:v31+s12+$0x0], $0xffff  }
0xf8: {  	v5 =	vmul.f32 $1.442695020e+00, v5;
	v3 =	vadd.f32 v29, v3;
	v4 =	vsel vm8, v4, v39  }
0xf9: {  	(erf) = vpow2.f32 v6;
	v40 =	vadd.f32 v28, v35;
	v4 =	vmul.f32 $1.442695020e+00, v4  }
0xfa: {  	v41 =	vld [tilespmem:s24+$0x20];
	(erf) = vpow2.f32 v5;
	v42 =	vmul.f32 $9.999999770e-03, v3  }
0xfb: {  	v43 =	vld [tilespmem:s23+$0x30];
	v2 =	vadd.f32 v37, v2;
	vm9 =	vge.f32 v3, $0.0e+00;
	v10 =	vmul.f32 $9.999999770e-03, v40  }
0xfc: {  	v44 =	vld [tilespmem:s19+$0x70];
	vm10 =	vge.f32 v40, $0.0e+00;
	(erf) = vpow2.f32 v4;
	v6 =	vadd.f32 v38, v11  }
0xfd: {  	v46 =	vld [tilespmem:s20+$0x60];
	v3 =	vsel vm9, v3, v42;
	v45 =	vmul.f32 $9.999999770e-03, v2;
	vm11 =	vge.f32 v2, $0.0e+00  }
0xfe: {  	v47 =	vld [tilespmem:s22+$0x40];
	v3 =	vmul.f32 $1.442695020e+00, v3;
	v5 =	vsel vm10, v40, v10;
	v11 =	vmul.f32 $9.999999770e-03, v6  }
0xff: {  	v50 =	vld [tilespmem:s21+$0x50];
	v48 =	vmul.f32 $1.442695020e+00, v5;
	v2 =	vsel vm11, v2, v45;
	vm12 =	vge.f32 v6, $0.0e+00  }
0x100: {  	v56 =	vld [tilespmem:s21+$0x2850];
	(erf) = vpow2.f32 v3;
	v2 =	vmul.f32 $1.442695020e+00, v2;
	v52 =	vsel vm12, v6, v11  }
0x101: {  	v58 =	vld [tilespmem:s25+$0x20];
	(erf) = vpow2.f32 v48;
	v49 =	vpop (erf);
	v4 =	vmul.f32 $1.442695020e+00, v52  }
0x102: {  	v3 =	vld [tilespmem:s24+$0x2820];
	(erf) = vpow2.f32 v2;
	v51 =	vpop (erf)  }
0x103: {  	v2 =	vld [tilespmem:s23+$0x2830];
	[tilespmem:s24+$0x7790] =	vst v49;
	v54 =	vpop (erf);
	(erf) = vpow2.f32 v4  }
0x104: {  	v5 =	vld.idx.msk [tilespmem:v41+s12+$0x0], $0xffff;
	[tilespmem:s23+$0x77A0] =	vst v51  }
0x105: {  	v53 =	vld.idx.msk [tilespmem:v43+s12+$0x0], $0xffff  }
0x106: {  	v60 =	vld [tilespmem:s22+$0x2840];
	[tilespmem:s22+$0x77B0] =	vst v54;
	v57 =	vpop (erf)  }
0x107: {  	v7 =	vld.idx.msk [tilespmem:v47+s12+$0x0], $0xffff;
	[tilespmem:s21+$0x77C0] =	vst v57  }
0x108: {  	v62 =	vld.idx.msk [tilespmem:v50+s12+$0x0], $0xffff  }
0x109: {  	v55 =	vld [tilespmem:s20+$0x2860];
	v59 =	vpop (erf);
	v3 =	vadd.f32 v3, v5  }
0x10a: {  	v21 =	vld [tilespmem:s19+$0x2870];
	[tilespmem:s20+$0x77D0] =	vst v59;
	v61 =	vpop (erf);
	v6 =	vadd.f32 v2, v53  }
0x10b: {  	[tilespmem:s19+$0x77E0] =	vst v61;
	v63 =	vld.idx.msk [tilespmem:v46+s12+$0x0], $0xffff;
	v19 =	vmul.f32 $9.999999770e-03, v3;
	v2 =	vpop (erf)  }
0x10c: {  	vm13 =	vge.f32 v3, $0.0e+00;
	v7 =	vadd.f32 v60, v7;
	v12 =	vld.idx.msk [tilespmem:v44+s12+$0x0], $0xffff;
	v20 =	vmul.f32 $9.999999770e-03, v6;
	v16 =	vpop (erf)  }
0x10d: {  	v22 =	vld [tilespmem:s25+$0x2820];
	vm14 =	vge.f32 v6, $0.0e+00;
	v3 =	vsel vm13, v3, v19;
	v4 =	vadd.f32 v56, v62;
	[tilespmem:s25+$0x7790] =	vst v16  }
0x10e: {  	v6 =	vsel vm14, v6, v20;
	v3 =	vmul.f32 $1.442695020e+00, v3;
	v10 =	vld.idx.msk [tilespmem:v58+s12+$0x0], $0xffff  }
0x10f: {  	vm15 =	vge.f32 v7, $0.0e+00;
	v6 =	vmul.f32 $1.442695020e+00, v6;
	v23 =	vmul.f32 $9.999999770e-03, v4  }
0x110: {  	v5 =	vadd.f32 v55, v63;
	(erf) = vpow2.f32 v3;
	v3 =	vmul.f32 $9.999999770e-03, v7  }
0x111: {  	vm4 =	vge.f32 v4, $0.0e+00;
	v24 =	vadd.f32 v21, v12;
	(erf) = vpow2.f32 v6  }
0x112: {  	v4 =	vsel vm4, v4, v23;
	v8 =	vmul.f32 $9.999999770e-03, v5;
	v3 =	vsel vm15, v7, v3  }
0x113: {  	v25 =	vld [tilespmem:s24+$0x30];
	vm5 =	vge.f32 v5, $0.0e+00;
	v3 =	vmul.f32 $1.442695020e+00, v3;
	v26 =	vadd.f32 v22, v10  }
0x114: {  	v29 =	vld [tilespmem:s23+$0x40];
	v4 =	vmul.f32 $1.442695020e+00, v4;
	v27 =	vmul.f32 $9.999999770e-03, v24;
	vm6 =	vge.f32 v24, $0.0e+00  }
0x115: {  	v5 =	vsel vm5, v5, v8;
	(erf) = vpow2.f32 v3;
	v3 =	vmul.f32 $9.999999770e-03, v26  }
0x116: {  	v33 =	vld [tilespmem:s22+$0x50];
	v5 =	vmul.f32 $1.442695020e+00, v5;
	v7 =	vsel vm6, v24, v27;
	vm7 =	vge.f32 v26, $0.0e+00  }
0x117: {  	v28 =	vld [tilespmem:s20+$0x70];
	v30 =	vmul.f32 $1.442695020e+00, v7;
	(erf) = vpow2.f32 v4;
	v3 =	vsel vm7, v26, v3  }
0x118: {  	v37 =	vld [tilespmem:s25+$0x30];
	(erf) = vpow2.f32 v5;
	v3 =	vmul.f32 $1.442695020e+00, v3  }
0x119: {  	v31 =	vld [tilespmem:s21+$0x60];
	(erf) = vpow2.f32 v30;
	v32 =	vpop (erf)  }
0x11a: {  	v41 =	vld [tilespmem:s23+$0x2840];
	[tilespmem:s24+$0x77A0] =	vst v32;
	v36 =	vpop (erf);
	(erf) = vpow2.f32 v3  }
0x11b: {  	v34 =	vld.idx.msk [tilespmem:v25+s12+$0x0], $0xffff;
	[tilespmem:s23+$0x77B0] =	vst v36  }
0x11c: {  	v10 =	vld.idx.msk [tilespmem:v29+s12+$0x0], $0xffff  }
0x11d: {  	v3 =	vld [tilespmem:s24+$0x2830]  }
0x11e: {  	v35 =	vld [tilespmem:s21+$0x2860]  }
0x11f: {  	v45 =	vld [tilespmem:s20+$0x2870];
	v39 =	vpop (erf)  }
0x120: {  	v38 =	vld [tilespmem:s22+$0x2850];
	[tilespmem:s22+$0x77C0] =	vst v39;
	v40 =	vpop (erf)  }
0x121: {  	[tilespmem:s21+$0x77D0] =	vst v40;
	v42 =	vpop (erf);
	v7 =	vld.idx.msk [tilespmem:v33+s12+$0x0], $0xffff  }
0x122: {  	[tilespmem:s20+$0x77E0] =	vst v42;
	v6 =	vld.idx.msk [tilespmem:v31+s12+$0x0], $0xffff;
	v10 =	vadd.f32 v41, v10;
	v4 =	vadd.f32 v3, v34;
	v3 =	vpop (erf)  }
0x123: {  	v8 =	vld.idx.msk [tilespmem:v28+s12+$0x0], $0xffff;
	v44 =	vpop (erf)  }
0x124: {  	v46 =	vld [tilespmem:s25+$0x2830];
	v13 =	vmul.f32 $9.999999770e-03, v10;
	[tilespmem:s25+$0x77A0] =	vst v44  }
0x125: {  	vm9 =	vge.f32 v10, $0.0e+00;
	v43 =	vmul.f32 $9.999999770e-03, v4;
	v11 =	vld.idx.msk [tilespmem:v37+s12+$0x0], $0xffff  }
0x126: {  	vm8 =	vge.f32 v4, $0.0e+00;
	v7 =	vadd.f32 v38, v7;
	v48 =	vsel vm9, v10, v13  }
0x127: {  	v47 =	vadd.f32 v35, v6;
	v5 =	vmul.f32 $1.442695020e+00, v48;
	v4 =	vsel vm8, v4, v43  }
0x128: {  	v49 =	vmul.f32 $9.999999770e-03, v7;
	v8 =	vadd.f32 v45, v8;
	vm10 =	vge.f32 v7, $0.0e+00  }
0x129: {  	v4 =	vmul.f32 $1.442695020e+00, v4;
	v50 =	vmul.f32 $9.999999770e-03, v47;
	vm11 =	vge.f32 v47, $0.0e+00  }
0x12a: {  	v6 =	vsel vm10, v7, v49;
	v52 =	vmul.f32 $9.999999770e-03, v8;
	v51 =	vadd.f32 v46, v11  }
0x12b: {  	vm12 =	vge.f32 v8, $0.0e+00;
	(erf) = vpow2.f32 v4;
	v6 =	vmul.f32 $1.442695020e+00, v6  }
0x12c: {  	v4 =	vsel vm11, v47, v50;
	(erf) = vpow2.f32 v5;
	v53 =	vmul.f32 $9.999999770e-03, v51  }
0x12d: {  	v4 =	vmul.f32 $1.442695020e+00, v4;
	v8 =	vsel vm12, v8, v52;
	vm13 =	vge.f32 v51, $0.0e+00  }
0x12e: {  	v17 =	vld [tilespmem:s24+$0x2840];
	(erf) = vpow2.f32 v6;
	v55 =	vmul.f32 $1.442695020e+00, v8;
	v5 =	vsel vm13, v51, v53  }
0x12f: {  	v54 =	vld [tilespmem:s24+$0x40];
	(erf) = vpow2.f32 v4;
	v56 =	vmul.f32 $1.442695020e+00, v5  }
0x130: {  	v57 =	vld [tilespmem:s23+$0x50];
	(erf) = vpow2.f32 v55  }
0x131: {  	v58 =	vld [tilespmem:s22+$0x60];
	(erf) = vpow2.f32 v56  }
0x132: {  	v59 =	vld [tilespmem:s21+$0x70]  }
0x133: {  	v60 =	vld [tilespmem:s22+$0x2860]  }
0x134: {  	v62 =	vld [tilespmem:s25+$0x40]  }
0x135: {  	v63 =	vld [tilespmem:s23+$0x2850];
	v61 =	vpop (erf)  }
0x136: {  	v21 =	vld [tilespmem:s21+$0x2870];
	[tilespmem:s24+$0x77B0] =	vst v61;
	v15 =	vpop (erf)  }
0x137: {  	v9 =	vld.idx.msk [tilespmem:v54+s12+$0x0], $0xffff;
	[tilespmem:s23+$0x77C0] =	vst v15;
	v16 =	vpop (erf)  }
0x138: {  	[tilespmem:s22+$0x77D0] =	vst v16;
	v18 =	vpop (erf);
	v5 =	vld.idx.msk [tilespmem:v57+s12+$0x0], $0xffff  }
0x139: {  	[tilespmem:s21+$0x77E0] =	vst v18;
	v19 =	vpop (erf);
	v6 =	vld.idx.msk [tilespmem:v58+s12+$0x0], $0xffff  }
0x13a: {  	v7 =	vld.idx.msk [tilespmem:v59+s12+$0x0], $0xffff;
	v20 =	vpop (erf)  }
0x13b: {  	v22 =	vld [tilespmem:s25+$0x2840];
	[tilespmem:s25+$0x77B0] =	vst v20  }
0x13c: {  	v9 =	vadd.f32 v17, v9;
	v10 =	vld.idx.msk [tilespmem:v62+s12+$0x0], $0xffff  }
0x13d: {  	v5 =	vadd.f32 v63, v5  }
0x13e: {  	v12 =	vmul.f32 $9.999999770e-03, v9;
	vm14 =	vge.f32 v9, $0.0e+00;
	v6 =	vadd.f32 v60, v6  }
0x13f: {  	v23 =	vmul.f32 $9.999999770e-03, v5;
	v7 =	vadd.f32 v21, v7;
	vm15 =	vge.f32 v5, $0.0e+00  }
0x140: {  	v9 =	vsel vm14, v9, v12;
	v24 =	vmul.f32 $9.999999770e-03, v6;
	vm4 =	vge.f32 v6, $0.0e+00  }
0x141: {  	v9 =	vmul.f32 $1.442695020e+00, v9;
	v5 =	vsel vm15, v5, v23;
	v10 =	vadd.f32 v22, v10  }
0x142: {  	v25 =	vmul.f32 $9.999999770e-03, v7;
	vm5 =	vge.f32 v7, $0.0e+00;
	v5 =	vmul.f32 $1.442695020e+00, v5  }
0x143: {  	v6 =	vsel vm4, v6, v24;
	(erf) = vpow2.f32 v9;
	v26 =	vmul.f32 $9.999999770e-03, v10  }
0x144: {  	v6 =	vmul.f32 $1.442695020e+00, v6;
	v7 =	vsel vm5, v7, v25;
	vm6 =	vge.f32 v10, $0.0e+00  }
0x145: {  	(erf) = vpow2.f32 v5;
	v27 =	vmul.f32 $1.442695020e+00, v7;
	v28 =	vsel vm6, v10, v26  }
0x146: {  	(erf) = vpow2.f32 v6;
	v6 =	vmul.f32 $1.442695020e+00, v28  }
0x147: {  	(erf) = vpow2.f32 v27  }
0x148: {  	v29 =	vld [tilespmem:s24+$0x50];
	(erf) = vpow2.f32 v6  }
0x149: {  	v30 =	vld [tilespmem:s23+$0x60]  }
0x14a: {  	v31 =	vld [tilespmem:s22+$0x70]  }
0x14b: {  	v32 =	vld [tilespmem:s25+$0x50]  }
0x14c: {  	v39 =	vld [tilespmem:s25+$0x2850]  }
0x14d: {  	v33 =	vld [tilespmem:s24+$0x2850];
	v34 =	vpop (erf)  }
0x14e: {  	v41 =	vld [tilespmem:s22+$0x2870];
	v36 =	vpop (erf)  }
0x14f: {  	v35 =	vld [tilespmem:s23+$0x2860];
	[tilespmem:s24+$0x77C0] =	vst v34;
	v37 =	vpop (erf)  }
0x150: {  	[tilespmem:s23+$0x77D0] =	vst v36;
	v7 =	vld.idx.msk [tilespmem:v29+s12+$0x0], $0xffff;
	v38 =	vpop (erf)  }
0x151: {  	[tilespmem:s22+$0x77E0] =	vst v37;
	v8 =	vld.idx.msk [tilespmem:v30+s12+$0x0], $0xffff;
	v40 =	vpop (erf)  }
0x152: {  	v5 =	vld.idx.msk [tilespmem:v31+s12+$0x0], $0xffff;
	[tilespmem:s25+$0x77C0] =	vst v40  }
0x153: {  	v6 =	vld.idx.msk [tilespmem:v32+s12+$0x0], $0xffff;
	_ =	sdelay $0x1  }
0x154: {  	v7 =	vadd.f32 v33, v7  }
0x155: {  	v8 =	vadd.f32 v35, v8  }
0x156: {  	v9 =	vmul.f32 $9.999999770e-03, v7;
	v5 =	vadd.f32 v41, v5;
	vm7 =	vge.f32 v7, $0.0e+00  }
0x157: {  	v11 =	vmul.f32 $9.999999770e-03, v8;
	vm8 =	vge.f32 v8, $0.0e+00;
	v6 =	vadd.f32 v39, v6  }
0x158: {  	v7 =	vsel vm7, v7, v9;
	v42 =	vmul.f32 $9.999999770e-03, v5;
	vm9 =	vge.f32 v5, $0.0e+00  }
0x159: {  	v7 =	vmul.f32 $1.442695020e+00, v7;
	v8 =	vsel vm8, v8, v11;
	v43 =	vmul.f32 $9.999999770e-03, v6  }
0x15a: {  	v8 =	vmul.f32 $1.442695020e+00, v8;
	v5 =	vsel vm9, v5, v42;
	vm10 =	vge.f32 v6, $0.0e+00  }
0x15b: {  	(erf) = vpow2.f32 v7;
	v5 =	vmul.f32 $1.442695020e+00, v5;
	v6 =	vsel vm10, v6, v43  }
0x15c: {  	(erf) = vpow2.f32 v8;
	v6 =	vmul.f32 $1.442695020e+00, v6  }
0x15d: {  	(erf) = vpow2.f32 v5  }
0x15e: {  	(erf) = vpow2.f32 v6  }
0x15f: {  	v44 =	vld [tilespmem:s24+$0x60]  }
0x160: {  	v45 =	vld [tilespmem:s23+$0x70]  }
0x161: {  	v46 =	vld [tilespmem:s25+$0x60];
	_ =	sdelay $0x2  }
0x162: {  	v47 =	vld [tilespmem:s24+$0x2860];
	v48 =	vpop (erf)  }
0x163: {  	v51 =	vld [tilespmem:s25+$0x2860];
	v49 =	vpop (erf)  }
0x164: {  	v53 =	vld [tilespmem:s23+$0x2870];
	[tilespmem:s24+$0x77D0] =	vst v48;
	v50 =	vpop (erf)  }
0x165: {  	[tilespmem:s23+$0x77E0] =	vst v49;
	v7 =	vld.idx.msk [tilespmem:v44+s12+$0x0], $0xffff;
	v52 =	vpop (erf)  }
0x166: {  	v5 =	vld.idx.msk [tilespmem:v45+s12+$0x0], $0xffff;
	[tilespmem:s25+$0x77D0] =	vst v52  }
0x167: {  	v6 =	vld.idx.msk [tilespmem:v46+s12+$0x0], $0xffff;
	_ =	sdelay $0x2  }
0x168: {  	v7 =	vadd.f32 v47, v7  }
0x169: {  	v5 =	vadd.f32 v53, v5  }
0x16a: {  	v8 =	vmul.f32 $9.999999770e-03, v7;
	v6 =	vadd.f32 v51, v6  }
0x16b: {  	vm11 =	vge.f32 v7, $0.0e+00;
	v54 =	vmul.f32 $9.999999770e-03, v5  }
0x16c: {  	vm12 =	vge.f32 v5, $0.0e+00;
	v7 =	vsel vm11, v7, v8;
	v55 =	vmul.f32 $9.999999770e-03, v6  }
0x16d: {  	v7 =	vmul.f32 $1.442695020e+00, v7;
	v5 =	vsel vm12, v5, v54;
	vm13 =	vge.f32 v6, $0.0e+00  }
0x16e: {  	v5 =	vmul.f32 $1.442695020e+00, v5;
	v6 =	vsel vm13, v6, v55  }
0x16f: {  	(erf) = vpow2.f32 v7;
	v6 =	vmul.f32 $1.442695020e+00, v6  }
0x170: {  	(erf) = vpow2.f32 v5  }
0x171: {  	(erf) = vpow2.f32 v6;
	_ =	sdelay $0x1  }
0x172: {  	v56 =	vld [tilespmem:s24+$0x70]  }
0x173: {  	v57 =	vld [tilespmem:s25+$0x70];
	_ =	sdelay $0x3  }
0x174: {  	v7 =	vpop (erf)  }
0x175: {  	v61 =	vld [tilespmem:s25+$0x2870];
	v58 =	vpop (erf)  }
0x176: {  	v60 =	vld [tilespmem:s24+$0x2870];
	[tilespmem:s24+$0x77E0] =	vst v7;
	v59 =	vpop (erf)  }
0x177: {  	v5 =	vld.idx.msk [tilespmem:v56+s12+$0x0], $0xffff;
	[tilespmem:s25+$0x77E0] =	vst v59  }
0x178: {  	v6 =	vld.idx.msk [tilespmem:v57+s12+$0x0], $0xffff;
	_ =	sdelay $0x3  }
0x179: {  	v5 =	vadd.f32 v60, v5  }
0x17a: {  	v6 =	vadd.f32 v61, v6  }
0x17b: {  	v62 =	vmul.f32 $9.999999770e-03, v5  }
0x17c: {  	vm14 =	vge.f32 v5, $0.0e+00;
	v63 =	vmul.f32 $9.999999770e-03, v6  }
0x17d: {  	v5 =	vsel vm14, v5, v62;
	vm15 =	vge.f32 v6, $0.0e+00  }
0x17e: {  	v5 =	vmul.f32 $1.442695020e+00, v5;
	v6 =	vsel vm15, v6, v63  }
0x17f: {  	v6 =	vmul.f32 $1.442695020e+00, v6  }
0x180: {  	(erf) = vpow2.f32 v5  }
0x181: {  	(erf) = vpow2.f32 v6;
	_ =	sdelay $0x1  }
0x182: {  	[tilespmem:s17+$0x77F0] =	vst v1  }
0x183: {  	[tilespmem:s18+$0x77F0] =	vst v2  }
0x184: {  	[tilespmem:s19+$0x77F0] =	vst v3  }
0x185: {  	[tilespmem:s20+$0x77F0] =	vst v19  }
0x186: {  	[tilespmem:s21+$0x77F0] =	vst v38  }
0x187: {  	[tilespmem:s22+$0x77F0] =	vst v50  }
0x188: {  	s31 =	simm.s32 $0x0;
	p5 =	sle.s32 s4, $0x0;
	[tilespmem:s23+$0x77F0] =	vst v58;
	v1 =	vpop (erf)  }
0x189: {  	p2 =	sle.s32 s4, $0x1;
	p3 =	sle.s32 s4, $0x2;
	p4 =	sle.s32 s4, $0x3;
	[tilespmem:s24+$0x77F0] =	vst v1;
	v1 =	vpop (erf)  }
0x18a: {  	p1 =	sle.s32 s4, $0x4;
	s17 =	simm.s32 @!p5 $0x0;
	s18 =	simm.s32 @!p5 $0x7780;
	[tilespmem:s25+$0x77F0] =	vst v1  }
0x18b: {  	[hbm4b:s7+s31] =	stream.linear.scatter [tilespmem:s14], [sflag:$0x2], $0x2800, $0x38;
	[tilespmem:$0xC978] =	vst v63  }
0x18c: {  	s19 =	simm.s32 @!p5 $0x80;
	s20 =	simm.s32 @!p2 $0x7800;
	[bflag:$0x0] =	sbarrier.arrive $0xFFFF  }
0x18d: {  	[spmem:s1] =	stream.indirect.scatter.add.f32 @!p5 [tilespmem:s18], [sflag:$0x1], $0x1, s17, s19, $0xb8;
	[tilespmem:$0xC978] =	vst v63  }
0x18e: {  	s21 =	simm.s32 @!p2 $0x80;
	s22 =	simm.s32 @!p2 $0x80;
	s17 =	simm.s32 @!p3 $0x7880  }
0x18f: {  	[spmem:s1] =	stream.indirect.scatter.add.f32 @!p2 [tilespmem:s20], [sflag:$0x1], $0x1, s21, s22, $0xb8;
	[tilespmem:$0xC978] =	vst v63  }
0x190: {  	s18 =	simm.s32 @!p3 $0x100;
	s19 =	simm.s32 @!p4 $0x7900;
	s20 =	simm.s32 @!p3 $0x80  }
0x191: {  	[spmem:s1] =	stream.indirect.scatter.add.f32 @!p3 [tilespmem:s17], [sflag:$0x1], $0x1, s18, s20, $0xb8;
	[tilespmem:$0xC978] =	vst v63  }
0x192: {  	s17 =	simm.s32 @!p4 $0x180;
	s18 =	simm.s32 @!p4 $0x80;
	s20 =	simm.s32 @!p1 $0x7980  }
0x193: {  	[spmem:s1] =	stream.indirect.scatter.add.f32 @!p4 [tilespmem:s19], [sflag:$0x1], $0x1, s17, s18, $0xb8;
	[tilespmem:$0xC978] =	vst v63  }
0x194: {  	s17 =	simm.s32 @!p1 $0x200;
	s18 =	simm.s32 @!p1 $0x80;
	s19 =	simm.s32 @!p5 $0x1  }
0x195: {  	[spmem:s1] =	stream.indirect.scatter.add.f32 @!p1 [tilespmem:s20], [sflag:$0x1], $0x1, s17, s18, $0xb8;
	[tilespmem:$0xC978] =	vst v63  }
0x196: {  	_ =	swait.ge @!p5 [sflag:s19], $0x80  }
0x197: {  	[sflag:s19] =	ssyncset.done @!p5 $0x0  }
0x198: {  	s21 =	simm.s32 @!p2 $0x1;
	[sflag:s19] =	ssyncadd.s32 @!p5 $0xFFFFFF80  }
0x199: {  	s23 =	simm.s32 @!p3 $0x1;
	s22 =	simm.s32 @!p4 $0x1;
	_ =	swait.ge @!p2 [sflag:s21], $0x80  }
0x19a: {  	s18 =	simm.s32 $0xA00;
	s20 =	simm.s32 @!p1 $0x1;
	[sflag:s21] =	ssyncset.done @!p2 $0x0  }
0x19b: {  	s17 =	simm.s32 $0x9;
	s19 =	simm.s32 $0x1400;
	[sflag:s21] =	ssyncadd.s32 @!p2 $0xFFFFFF80  }
0x19c: {  	p2 =	sle.s32 s4, $0x5;
	s21 =	simm.s32 $0x8;
	_ =	swait.ge @!p3 [sflag:s23], $0x80  }
.LBB2_8:
0x19d: {  	s24 =	sshra.s32 @!p2 s18, $0x2  }
0x19e: {  	s25 =	sadd.s32 $0xFFFFFFFD, s17;
	[sflag:s23] =	ssyncset.done @!p3 $0x0;
	s26 =	smov.u32 s19  }
0x19f: {  	s29 =	simm.s32 @!p2 $0x80;
	s28 =	sadd.s32 @!p2 $0x7780, s24;
	[sflag:s23] =	ssyncadd.s32 @!p3 $0xFFFFFF80  }
0x1a0: {  	p5 =	sge.s32 s25, s4;
	s23 =	sadd.s32 $0xFFFFFFFE, s17;
	_ =	swait.ge @!p4 [sflag:s22], $0x80  }
0x1a1: {  	s25 =	sshra.s32 @!p5 s18, $0x2;
	p3 =	sge.s32 s23, s4;
	[sflag:s22] =	ssyncset.done @!p4 $0x0  }
0x1a2: {  	s23 =	sadd.s32 @!p5 $0x7800, s25;
	s25 =	sadd.s32 @!p5 $0x80, s25;
	[sflag:s22] =	ssyncadd.s32 @!p4 $0xFFFFFF80  }
0x1a3: {  	s30 =	sshra.s32 @!p3 s18, $0x2;
	s22 =	simm.s32 @!p5 $0x80;
	_ =	swait.ge @!p1 [sflag:s20], $0x80  }
0x1a4: {  	s31 =	sadd.s32 @!p3 $0x7880, s30;
	s30 =	sadd.s32 @!p3 $0x100, s30;
	[sflag:s20] =	ssyncset.done @!p1 $0x0  }
0x1a5: {  	s19 =	sadd.s32 $0xA00, s19;
	p4 =	sge.s32 s21, s4;
	[sflag:s20] =	ssyncadd.s32 @!p1 $0xFFFFFF80  }
0x1a6: {  	[spmem:s1] =	stream.indirect.scatter.add.f32 @!p2 [tilespmem:s28], [sflag:$0x1], $0x1, s24, s29, $0xb8;
	[tilespmem:$0xC978] =	vst v63  }
0x1a7: {  	p6 =	sne.s32 s19, $0xA000;
	s20 =	sshra.s32 @!p4 s18, $0x2  }
0x1a8: {  	[spmem:s1] =	stream.indirect.scatter.add.f32 @!p5 [tilespmem:s23], [sflag:$0x1], $0x1, s25, s22, $0xb8;
	[tilespmem:$0xC978] =	vst v63  }
0x1a9: {  	p1 =	sge.s32 s17, s4;
	s21 =	sadd.s32 @!p4 $0x7900, s20;
	s20 =	sadd.s32 @!p4 $0x180, s20  }
0x1aa: {  	s18 =	sshra.s32 @!p1 s18, $0x2;
	s22 =	simm.s32 @!p3 $0x80;
	s23 =	simm.s32 @!p4 $0x80  }
0x1ab: {  	[spmem:s1] =	stream.indirect.scatter.add.f32 @!p3 [tilespmem:s31], [sflag:$0x1], $0x1, s30, s22, $0xb8;
	[tilespmem:$0xC978] =	vst v63  }
0x1ac: {  	s24 =	sadd.s32 @!p1 $0x200, s18;
	s25 =	simm.s32 @!p1 $0x80;
	s22 =	sadd.s32 @!p1 $0x7980, s18  }
0x1ad: {  	[spmem:s1] =	stream.indirect.scatter.add.f32 @!p4 [tilespmem:s21], [sflag:$0x1], $0x1, s20, s23, $0xb8;
	[tilespmem:$0xC978] =	vst v63  }
0x1ae: {  	s18 =	smov.u32 s26;
	s20 =	simm.s32 @!p2 $0x1  }
0x1af: {  	[spmem:s1] =	stream.indirect.scatter.add.f32 @!p1 [tilespmem:s22], [sflag:$0x1], $0x1, s24, s25, $0xb8;
	[tilespmem:$0xC978] =	vst v63  }
0x1b0: {  	_ =	swait.ge @!p2 [sflag:s20], $0x80  }
0x1b1: {  	s21 =	simm.s32 @!p5 $0x1;
	s23 =	simm.s32 @!p3 $0x1;
	[sflag:s20] =	ssyncset.done @!p2 $0x0  }
.Ltmp3:
0x1b2: {  	[sflag:s20] =	ssyncadd.s32 @!p2 $0xFFFFFF80;
	(pc) =	sbr.rel @p6 .LBB2_8-.Ltmp3, $4  }
0x1b3: {  	_ =	swait.ge @!p5 [sflag:s21], $0x80  }
0x1b4: {  	s17 =	sadd.s32 $0x5, s17;
	s20 =	simm.s32 @!p1 $0x1;
	[sflag:s21] =	ssyncset.done @!p5 $0x0  }
0x1b5: {  	s24 =	sadd.s32 $0xFFFFFFFC, s17;
	s22 =	simm.s32 @!p4 $0x1;
	[sflag:s21] =	ssyncadd.s32 @!p5 $0xFFFFFF80  }
0x1b6: {  	p2 =	sge.s32 s24, s4;
	s21 =	sadd.s32 $0xFFFFFFFF, s17;
	_ =	swait.ge @!p3 [sflag:s23], $0x80  }
0x1b7: {  	[sflag:s23] =	ssyncset.done @!p3 $0x0  }
0x1b8: {  	s19 =	sshra.s32 @!p2 s18, $0x2;
	s30 =	sadd.s32 $0xFFFFFFFD, s17;
	[sflag:s23] =	ssyncadd.s32 @!p3 $0xFFFFFF80  }
0x1b9: {  	s25 =	simm.s32 @!p2 $0x80;
	s31 =	sadd.s32 $0xFFFFFFFE, s17;
	_ =	swait.ge @!p4 [sflag:s22], $0x80  }
0x1ba: {  	p5 =	sge.s32 s17, s4;
	p3 =	sge.s32 s30, s4;
	[sflag:s22] =	ssyncset.done @!p4 $0x0  }
0x1bb: {  	s24 =	sadd.s32 @!p2 $0x7780, s19;
	s23 =	sshra.s32 @!p3 s18, $0x2;
	[sflag:s22] =	ssyncadd.s32 @!p4 $0xFFFFFF80  }
0x1bc: {  	p4 =	sge.s32 s31, s4;
	s22 =	sadd.s32 @!p3 $0x7800, s23;
	_ =	swait.ge @!p1 [sflag:s20], $0x80  }
0x1bd: {  	s23 =	sadd.s32 @!p3 $0x80, s23;
	s26 =	sshra.s32 @!p4 s18, $0x2;
	[sflag:s20] =	ssyncset.done @!p1 $0x0  }
0x1be: {  	[sflag:s20] =	ssyncadd.s32 @!p1 $0xFFFFFF80;
	s20 =	sadd.s32 @!p4 $0x7880, s26;
	p1 =	sge.s32 s21, s4  }
0x1bf: {  	[spmem:s1] =	stream.indirect.scatter.add.f32 @!p2 [tilespmem:s24], [sflag:$0x1], $0x1, s19, s25, $0xb8;
	[tilespmem:$0xC978] =	vst v63  }
0x1c0: {  	s19 =	simm.s32 @!p3 $0x80;
	s21 =	sshra.s32 @!p1 s18, $0x2;
	s18 =	sshra.s32 @!p5 s18, $0x2  }
0x1c1: {  	[spmem:s1] =	stream.indirect.scatter.add.f32 @!p3 [tilespmem:s22], [sflag:$0x1], $0x1, s23, s19, $0xb8;
	[tilespmem:$0xC978] =	vst v63  }
0x1c2: {  	s17 =	sadd.s32 @!p1 $0x7900, s21;
	s19 =	sadd.s32 @!p4 $0x100, s26;
	s22 =	simm.s32 @!p4 $0x80  }
0x1c3: {  	[spmem:s1] =	stream.indirect.scatter.add.f32 @!p4 [tilespmem:s20], [sflag:$0x1], $0x1, s19, s22, $0xb8;
	[tilespmem:$0xC978] =	vst v63  }
0x1c4: {  	s19 =	sadd.s32 @!p1 $0x180, s21;
	s20 =	simm.s32 @!p1 $0x80;
	s21 =	sadd.s32 @!p5 $0x7980, s18  }
0x1c5: {  	[spmem:s1] =	stream.indirect.scatter.add.f32 @!p1 [tilespmem:s17], [sflag:$0x1], $0x1, s19, s20, $0xb8;
	[tilespmem:$0xC978] =	vst v63  }
0x1c6: {  	s17 =	sadd.s32 @!p5 $0x200, s18;
	s18 =	simm.s32 @!p5 $0x80;
	s19 =	simm.s32 @!p2 $0x1  }
0x1c7: {  	[spmem:s1] =	stream.indirect.scatter.add.f32 @!p5 [tilespmem:s21], [sflag:$0x1], $0x1, s17, s18, $0xb8;
	[tilespmem:$0xC978] =	vst v63  }
0x1c8: {  	_ =	swait.ge @!p2 [sflag:s19], $0x80  }
0x1c9: {  	[sflag:s19] =	ssyncset.done @!p2 $0x0  }
0x1ca: {  	s17 =	simm.s32 @!p3 $0x1;
	[sflag:s19] =	ssyncadd.s32 @!p2 $0xFFFFFF80  }
0x1cb: {  	_ =	swait.ge @!p3 [sflag:s17], $0x80  }
0x1cc: {  	[sflag:s17] =	ssyncset.done @!p3 $0x0  }
0x1cd: {  	s18 =	simm.s32 @!p4 $0x1;
	[sflag:s17] =	ssyncadd.s32 @!p3 $0xFFFFFF80  }
0x1ce: {  	_ =	swait.ge @!p4 [sflag:s18], $0x80  }
0x1cf: {  	[sflag:s18] =	ssyncset.done @!p4 $0x0  }
0x1d0: {  	s17 =	simm.s32 @!p1 $0x1;
	[sflag:s18] =	ssyncadd.s32 @!p4 $0xFFFFFF80  }
0x1d1: {  	_ =	swait.ge @!p1 [sflag:s17], $0x80  }
0x1d2: {  	[sflag:s17] =	ssyncset.done @!p1 $0x0  }
0x1d3: {  	s18 =	simm.s32 @!p5 $0x1;
	[sflag:s17] =	ssyncadd.s32 @!p1 $0xFFFFFF80  }
0x1d4: {  	_ =	swait.ge @!p5 [sflag:s18], $0x80  }
0x1d5: {  	[sflag:s18] =	ssyncset.done @!p5 $0x0  }
0x1d6: {  	[sflag:s18] =	ssyncadd.s32 @!p5 $0xFFFFFF80  }
0x1d7: {  	[bflag:$0x0] =	sbarrier.arrive $0xFFFF  }
0x1d8: {  	_ =	swait.ge [sflag:s15], $0x2800  }
0x1d9: {  	s16 =	sadd.s32 $0x1, s16;
	s17 =	sshrl.u32 @!p0 s1, $0x3;
	[sflag:s15] =	ssyncset.done $0x0  }
0x1da: {  	p1 =	sne.s32 s16, s9;
	s18 =	simm.s32 @!p0 $0x1C03;
	[sflag:s15] =	ssyncadd.s32 $0xFFFFD800  }
0x1db: {  	[hbm:s8], [sflag:s18] =	dma.local @!p0 [spmem:s17], $0x4F0  }
.Ltmp4:
0x1dc: {  	_ = 	snop;
	(pc) =	sbr.rel @p1 .LBB2_1-.Ltmp4, $4  }
0x1dd: {  	s17 =	simm.s32 @!p0 $0x3  }
0x1de: {  	_ =	swait.ge @!p0 [sflag:s17], $0x4F0  }
0x1df: {  	[sflag:s17] =	ssyncset.done @!p0 $0x0  }
0x1e0: {  	[sflag:s17] =	ssyncadd.s32 @!p0 $0xFFFFFB10  }
0x1e1: {  	_ =	sfence.sel $0x180000  }
0x1e2: {  	[bflag:$0x0] =	sbarrier.arrive $0xFFFF  }
0x1e3: {  	_ =	strace $0x90000047  }
0x1e4: {  	s0 =	sadd.s32 @!p0 $0x100000, s0;
	[bflag:$0x2] =	sbarrier.arrive $0xFFFF  }
0x1e5: {  	[sflag:s0] =	ssyncadd.tile.s32 @!p0 $0x1;
	_ =	shalt  }
.Lfunc_end2:
_tile_overlayer_lowered:
.L_overlay_start_2:
0x1e6: {  	(tag) =	ssettag $0x2  }
0x1e7: {  	s0 =	rddreg [dreg:$0x0];
	s2 =	stileid.u32  }
0x1e8: {  	s1 =	rddreg [dreg:$0x1];
	p0 =	sne.s32 s2, $0x0  }
0x1e9: {  	s3 =	rddreg [dreg:$0x2];
	[bflag:$0x3] =	sbarrier.arrive $0xFFFF;
	s2 =	simm.s32 @!p0 $0x1C03  }
0x1ea: {  	[timem:s3], [sflag:s2] =	dma.local @!p0 [hbm:s0], s1  }
0x1eb: {  	s0 =	simm.s32 @!p0 $0x3  }
0x1ec: {  	_ =	swait.ge @!p0 [sflag:s0], s1  }
0x1ed: {  	s1 =	ssub.s32 @!p0 $0x0, s1;
	[sflag:s0] =	ssyncset.done @!p0 $0x0  }
0x1ee: {  	[sflag:s0] =	ssyncadd.s32 @!p0 s1  }
0x1ef: {  	[bflag:$0x3] =	sbarrier.arrive $0xFFFF  }
0x1f0: {  	_ =	shalt  }

// kernel: kernel.9.cloned.1.call-start
scs
__scs_entry_jumppad:
0x0: {  	(pc) =	sbr.rel $0x88, $3  }
0x1: {  	(tag) =	ssettag $0x0;
	lr =	simm.s32 $0x1  }
0x2: {  	[smem:$0x3F9B] =	sst lr;
	_ =	strace $0xD0000000  }
0x3: {  	_ = 	snop  }
0x4: {  	_ = 	snop  }
0x5: {  	_ = 	snop  }
0x6: {  	_ = 	snop  }
0x7: {  	_ = 	snop  }
__scs_overlays_trampoline_lowered:
0x8: {  	[smem:$0x3FAA] =	sst s0  }
0x9: {  	[smem:$0x3FAB] =	sst s1  }
0xa: {  	[smem:$0x3FAC] =	sst s2  }
0xb: {  	[smem:$0x3FAD] =	sst s3  }
0xc: {  	[smem:$0x3FAE] =	sst s4  }
0xd: {  	[smem:$0x3FAF] =	sst s5  }
0xe: {  	[smem:$0x3FB0] =	sst s6  }
0xf: {  	[smem:$0x3FB1] =	sst s7  }
0x10: {  	[smem:$0x3FB2] =	sst s8  }
0x11: {  	[smem:$0x3FB3] =	sst s9;
	s0 =	simm.s32 @!p0 $0x0  }
0x12: {  	s1 =	sld [smem:$0x3F99];
	s0 =	simm.s32 @p0 $0x1  }
0x13: {  	[smem:$0x3FB4] =	sst s0;
	s0 =	simm.s32 @!p1 $0x0  }
0x14: {  	s2 =	sld [smem:$0x3F98];
	s0 =	simm.s32 @p1 $0x1  }
0x15: {  	[smem:$0x3FB5] =	sst s0;
	s0 =	simm.s32 @!p2 $0x0  }
0x16: {  	s3 =	sld [smem:$0x3FDB];
	s0 =	simm.s32 @p2 $0x1  }
0x17: {  	s4 =	simm.s32 $0x1BF5;
	[smem:$0x3FB7] =	sst s0  }
0x18: {  	s0 =	sld [smem:$0x3F9A];
	_ =	swait.ge [sflag:s4], $0x0  }
0x19: {  	s7 =	sld [smem:$0x3F9B]  }
0x1a: {  	s8 =	sadd.s32 $0xFFFFE003, lr  }
0x1b: {  	s9 =	sadd.s32 $0xFFFFFEF7, lr;
	s5 =	simm.s32 $0xFFFFFFFF;
	p2 =	slt.u32 s8, $0xFFFFF086  }
0x1c: {  	p1 =	slt.u32 s9, $0xF7A;
	s5 =	simm.s32 @!p2 $0x0  }
0x1d: {  	s5 =	simm.s32 @p1 $0x1;
	p0 =	seq.s32 s7, s2  }
0x1e: {  	s7 =	smul.u32 @!p0 $0xF7A, s2;
	p2 =	seq.s32 @!p0 s5, $0x0  }
0x1f: {  	s9 =	smul.u32 $0xF7A, s1;
	s8 =	simm.s32 @!p0 $0x1BF5;
	p2 =	por !p2, p0  }
0x20: {  	[sflag:s8] =	ssyncset.s32 @!p0 $0xFFFFF086;
	s6 =	sadd.s32 @!p0 s3, s7;
	s7 =	simm.s32 @!p0 $0x108  }
0x21: {  	s3 =	sadd.s32 s3, s9;
	s6 =	sadd.s32 @!p0 $0x88, s6;
	s7 =	simm.s32 @p2 $0x1082  }
0x22: {  	[simem:s7], [sflag:s8] =	dma.local @!p0 [hbm:s6], $0xF7A  }
0x23: {  	s9 =	sor.u32 $0xD0000000, s2;
	s6 =	simm.s32 $0x108;
	_ =	swait.ge @!p0 [sflag:s8], $0x0  }
0x24: {  	s3 =	sadd.s32 $0x88, s3;
	s6 =	simm.s32 @!p1 $0x1082;
	[sflag:s4] =	ssyncset.s32 $0xFFFFF086  }
0x25: {  	[simem:s6], [sflag:s4] =	dma.local [hbm:s3], $0xF7A  }
0x26: {  	[smem:$0x3F9B] =	sst s1;
	(tag) =	ssettag s2;
	_ =	strace s9  }
0x27: {  	s1 =	sld [smem:$0x3FAB]  }
0x28: {  	s2 =	sld [smem:$0x3FAC]  }
0x29: {  	s4 =	sld [smem:$0x3FAE]  }
0x2a: {  	p0 =	seq.s32 s5, $0x0;
	s5 =	sld [smem:$0x3FAF]  }
0x2b: {  	s6 =	sld [smem:$0x3FB0]  }
0x2c: {  	s7 =	sld [smem:$0x3FB1]  }
0x2d: {  	s3 =	simm.s32 $0x108;
	s8 =	sld [smem:$0x3FB2]  }
0x2e: {  	s3 =	simm.s32 @!p0 $0x1082;
	s9 =	sld [smem:$0x3FB3]  }
0x2f: {  	lr =	sadd.s32 s0, s3;
	s0 =	sld [smem:$0x3FAA]  }
0x30: {  	s3 =	sld [smem:$0x3FAD]  }
0x31: {  	[smem:$0x3FB6] =	sst s10  }
0x32: {  	s10 =	sld [smem:$0x3FB4];
	_ =	sdelay $0x3  }
0x33: {  	p0 =	seq.s32 s10, $0x1;
	s10 =	sld [smem:$0x3FB6];
	_ =	sdelay $0x3  }
0x34: {  	[smem:$0x3FB6] =	sst s10  }
0x35: {  	s10 =	sld [smem:$0x3FB5];
	_ =	sdelay $0x3  }
0x36: {  	p1 =	seq.s32 s10, $0x1;
	s10 =	sld [smem:$0x3FB6];
	_ =	sdelay $0x3  }
0x37: {  	[smem:$0x3FB6] =	sst s10  }
0x38: {  	s10 =	sld [smem:$0x3FB7]  }
0x39: {  	_ = 	snop;
	(pc) =	sbr.ind lr, $3  }
0x3a: {  	_ = 	snop  }
0x3b: {  	_ = 	snop  }
0x3c: {  	p2 =	seq.s32 s10, $0x1;
	s10 =	sld [smem:$0x3FB6]  }
0x3d: {  	_ =	shalt  }
0x3e: {  	_ =	shalt  }
0x3f: {  	_ =	shalt  }
0x40: {  	_ =	shalt  }
0x41: {  	_ =	shalt  }
0x42: {  	_ =	shalt  }
0x43: {  	_ =	shalt  }
0x44: {  	_ =	shalt  }
0x45: {  	_ =	shalt  }
0x46: {  	_ =	shalt  }
0x47: {  	_ =	shalt  }
0x48: {  	_ =	shalt  }
0x49: {  	_ =	shalt  }
0x4a: {  	_ =	shalt  }
0x4b: {  	_ =	shalt  }
0x4c: {  	_ =	shalt  }
0x4d: {  	_ =	shalt  }
0x4e: {  	_ =	shalt  }
0x4f: {  	_ =	shalt  }
0x50: {  	_ =	shalt  }
0x51: {  	_ =	shalt  }
0x52: {  	_ =	shalt  }
0x53: {  	_ =	shalt  }
0x54: {  	_ =	shalt  }
0x55: {  	_ =	shalt  }
0x56: {  	_ =	shalt  }
0x57: {  	_ =	shalt  }
0x58: {  	_ =	shalt  }
0x59: {  	_ =	shalt  }
0x5a: {  	_ =	shalt  }
0x5b: {  	_ =	shalt  }
0x5c: {  	_ =	shalt  }
0x5d: {  	_ =	shalt  }
0x5e: {  	_ =	shalt  }
0x5f: {  	_ =	shalt  }
0x60: {  	_ =	shalt  }
0x61: {  	_ =	shalt  }
0x62: {  	_ =	shalt  }
0x63: {  	_ =	shalt  }
0x64: {  	_ =	shalt  }
0x65: {  	_ =	shalt  }
0x66: {  	_ =	shalt  }
0x67: {  	_ =	shalt  }
0x68: {  	_ =	shalt  }
0x69: {  	_ =	shalt  }
0x6a: {  	_ =	shalt  }
0x6b: {  	_ =	shalt  }
0x6c: {  	_ =	shalt  }
0x6d: {  	_ =	shalt  }
0x6e: {  	_ =	shalt  }
0x6f: {  	_ =	shalt  }
0x70: {  	_ =	shalt  }
0x71: {  	_ =	shalt  }
0x72: {  	_ =	shalt  }
0x73: {  	_ =	shalt  }
0x74: {  	_ =	shalt  }
0x75: {  	_ =	shalt  }
0x76: {  	_ =	shalt  }
0x77: {  	_ =	shalt  }
0x78: {  	_ =	shalt  }
0x79: {  	_ =	shalt  }
0x7a: {  	_ =	shalt  }
0x7b: {  	_ =	shalt  }
0x7c: {  	_ =	shalt  }
0x7d: {  	_ =	shalt  }
0x7e: {  	_ =	shalt  }
0x7f: {  	_ =	shalt  }
0x80: {  	_ =	shalt  }
0x81: {  	_ =	shalt  }
0x82: {  	_ =	shalt  }
0x83: {  	_ =	shalt  }
0x84: {  	_ =	shalt  }
0x85: {  	_ =	shalt  }
0x86: {  	_ =	shalt  }
0x87: {  	_ =	shalt  }
.Lfunc_end0:
.L_simem_size_0:
called_computation.1_lowered:
.L_overlay_start_0:
0x88: {  	s2 =	sld [smem:$0x3FD9]  }
0x89: {  	s3 =	sld [smem:$0x3FFE];
	_ =	sdelay $0x1  }
0x8a: {  	s1 =	srdreg.scid  }
0x8b: {  	s0 =	sand.u32 $0x1, s1  }
0x8c: {  	s14 =	sshll.u32 s0, $0xA;
	s2 =	sadd.s32 s3, s2  }
0x8d: {  	s2 =	sadd.s32 s2, s14  }
0x8e: {  	[smem:$0x3FC2] =	sst s2  }
0x8f: {  	_ = 	snop  }
0x90: {  	s2 =	sld [smem:$0x3FD0];
	_ =	sdelay $0x2  }
0x91: {  	s15 =	simm.s32 $0xA;
	s4 =	simm.s32 $0x10  }
0x92: {  	[smem:s4], [sflag:s15] =	dma.local [hbm:s2], $0x1  }
0x93: {  	_ =	swait.eq [sflag:s15], $0x1  }
0x94: {  	[sflag:s15] =	ssyncset.done $0x0  }
0x95: {  	[sflag:s15] =	ssyncadd.s32 $0xFFFFFFFF  }
0x96: {  	s16 =	sld [smem:$0x11];
	(tm) =	ssettm $0x1  }
0x97: {  	s17 =	sld [smem:$0x3FFB];
	_ =	sdelay $0x3  }
0x98: {  	_ =	strace s17  }
0x99: {  	s3 =	sld [smem:$0x3FFC];
	_ =	sdelay $0x3  }
0x9a: {  	_ =	strace s3  }
0x9b: {  	s3 =	sld [smem:$0x3FFD];
	_ =	sdelay $0x3  }
0x9c: {  	_ =	strace s3  }
0x9d: {  	_ =	strace $0x8FFFFFFF  }
0x9e: {  	s18 =	sld [smem:$0x3FDB];
	_ =	sdelay $0x1  }
0x9f: {  	s19 =	simm.s32 $_scs_section_size  }
0xa0: {  	s5 =	simm.s32 $_size__tile_overlayer_lowered;
	s6 =	simm.s32 $_tile_overlayer_lowered  }
0xa1: {  	s22 =	simm.s32 $0x1BFF;
	s21 =	sshll.u32 s6, $0x1;
	s3 =	sadd.s32 s19, s18  }
0xa2: {  	s7 =	simm.s32 $0x0;
	s20 =	sshll.u32 s5, $0x1;
	s5 =	sadd.s32 s21, s3  }
0xa3: {  	[timem:s7], [sflag:s22] =	dma.local [hbm:s5], s20  }
0xa4: {  	_ =	swait.ge [sflag:s22], s20  }
0xa5: {  	s4 =	ssub.s32 $0x0, s20;
	[sflag:s22] =	ssyncset.done $0x0  }
0xa6: {  	[sflag:s22] =	ssyncadd.s32 s4;
	_ =	sdelay $0x1  }
0xa7: {  	s23 =	simm.s32 $0x1B8B  }
0xa8: {  	_ =	swait.ge [sflag:s23], $0x1  }
0xa9: {  	[sflag:s23] =	ssyncset.done $0x0  }
0xaa: {  	s25 =	simm.s32 $0x1B8E;
	s24 =	sld [smem:$0x3FFE];
	[sflag:s23] =	ssyncadd.s32 $0xFFFFFFFF  }
0xab: {  	s26 =	simm.s32 $execute0_lowered;
	[smem:$0x3FD2] =	sst s25  }
0xac: {  	s5 =	sshll.u32 s26, $0x1;
	_ =	strace $0x80000049;
	[dreg:$0x1] =	wrdreg $0xFFFFFFFF  }
0xad: {  	s28 =	simm.s32 $_size_execute0_lowered;
	s3 =	sadd.s32 s3, s5;
	[dreg:$0x0] =	wrdreg $0x0  }
0xae: {  	s5 =	sshll.u32 s28, $0x1;
	[dreg:$0x2] =	wrdreg s3  }
0xaf: {  	[dreg:$0x3] =	wrdreg s5  }
0xb0: {  	[dreg:$0x4] =	wrdreg $0xC0  }
0xb1: {  	_ =	task [dreg:s7], $0x5FFFF  }
0xb2: {  	[dreg:$0x1] =	wrdreg $0xFFFFFFFF  }
0xb3: {  	[dreg:$0x0] =	wrdreg $0x60  }
0xb4: {  	[dreg:$0x2] =	wrdreg s16  }
0xb5: {  	[dreg:$0x3] =	wrdreg s24  }
0xb6: {  	[dreg:$0x4] =	wrdreg $0x9  }
0xb7: {  	_ =	task.clear_ibuf [dreg:s7], $0x5FFFF;
	_ =	strace $0x90000049  }
0xb8: {  	s29 =	simm.s32 $0x9;
	_ =	strace $0x8000004B  }
0xb9: {  	_ =	swait.ge [sflag:s29], $0x1  }
0xba: {  	[sflag:s29] =	ssyncadd.s32 $0xFFFFFFFF  }
0xbb: {  	_ =	strace $0x9000004B  }
0xbc: {  	_ =	sfence  }
0xbd: {  	s30 =	sld [smem:$0x0];
	_ =	sdelay $0x2  }
0xbe: {  	s31 =	sshll.u32 s1, $0xD;
	s1 =	sshrl.u32 s1, $0x2  }
0xbf: {  	s3 =	sand.u32 $0x4000, s31;
	s1 =	sadd.s32 s1, s30  }
0xc0: {  	s0 =	sor.u32 s3, s0;
	s1 =	sshll.u32 s1, $0x11  }
0xc1: {  	s0 =	sor.u32 s1, s0  }
0xc2: {  	s0 =	sadd.s32 $0x8F2B, s0  }
0xc3: {  	[sflag:s0] =	ssyncadd.remote.s32 $0x1  }
0xc4: {  	_ =	sfence.sel $0xFFFF  }
0xc5: {  	[dreg:$0x0] =	wrdreg $0xFFFFFFFF;
	(pc) =	sbr.abs _section_cstart, $3  }
0xc6: {  	[dreg:$0x1] =	wrdreg $0xFFFFFFFF  }
0xc7: {  	_ =	task.clear_ibuf [dreg:s7], $0x2FFFF;
	_ =	strace $0x9FFFFFFF  }
0xc8: {  	(tm) =	ssettm $0x7FFFFFFF  }
0xc9: {  	_ =	shalt  }
tec
execute0_lowered:
.L_overlay_start_1:
0x0: {  	(tag) =	ssettag $0x1  }
0x1: {  	s1 =	srdreg.scid  }
0x2: {  	s0 =	stileid.u32;
	s4 =	rddreg [dreg:$0x0]  }
0x3: {  	s6 =	rddreg [dreg:$0x1];
	s3 =	sand.u32 $0x1, s1;
	s31 =	sshll.u32 s0, $0x1  }
0x4: {  	s2 =	simm.s32 $0x0;
	s10 =	simm.s32 $0x2800;
	s1 =	sor.u32 s3, s31  }
0x5: {  	s11 =	simm.s32 $0x5000;
	s12 =	simm.s32 $0x7780;
	s5 =	smul.u32 $0x4E2, s1  }
0x6: {  	s13 =	simm.s32 $0x9F00;
	s14 =	simm.s32 $0x0;
	[smem:$0x7FF] =	sst s2  }
0x7: {  	s7 =	ssub.s32 $0x2, s3;
	s3 =	sadd.s32 $0xB600, s6;
	s5 =	sadd.s32 $0x70, s5  }
0x8: {  	s1 =	rddreg [dreg:$0x2];
	s9 =	sshrl.u32 s7, $0x1;
	s5 =	sand.u32 $0x1FF80, s5  }
0x9: {  	_ =	strace $0x8000004A;
	s9 =	ssub.s32 s7, s9;
	s8 =	sadd.s32 s5, s6  }
0xa: {  	s4 =	sadd.s32 s4, s5;
	s6 =	sadd.s32 $0xBAF0, s6;
	s5 =	sadd.s32 $0x1600, s8  }
0xb: {  	s7 =	sadd.s32 $0xC000, s8;
	s8 =	smax.u32 s9, $0x1;
	s9 =	simm.s32 $0x1  }
.LBB2_1:
0xc: {  	[tilespmem:s2], [sflag:$0x1] =	stream.linear.gather [hbm4b:s4+s2], $0x2800, $0x38;
	[tilespmem:$0xC700] =	vst v63  }
0xd: {  	_ =	swait.ge [sflag:s9], $0x2800  }
0xe: {  	[sflag:s9] =	ssyncset.done $0x0  }
0xf: {  	[sflag:s9] =	ssyncadd.s32 $0xFFFFD800  }
0x10: {  	[tilespmem:s10], [sflag:$0x1] =	stream.linear.gather [hbm4b:s5+s2], $0x2800, $0x38;
	[tilespmem:$0xC700] =	vst v63  }
0x11: {  	_ =	swait.ge [sflag:s9], $0x2800  }
0x12: {  	[sflag:s9] =	ssyncset.done $0x0  }
0x13: {  	[sflag:s9] =	ssyncadd.s32 $0xFFFFD800  }
0x14: {  	[tilespmem:s11], [sflag:$0x1] =	stream.linear.gather [hbm4b:s3+s2], $0x2780, $0x38;
	[tilespmem:$0xC700] =	vst v63  }
0x15: {  	_ =	swait.ge [sflag:s9], $0x2780  }
0x16: {  	[sflag:s9] =	ssyncset.done $0x0  }
0x17: {  	[sflag:s9] =	ssyncadd.s32 $0xFFFFD880  }
0x18: {  	[tilespmem:s12], [sflag:$0x1] =	stream.linear.gather [hbm4b:s6+s2], $0x2780, $0x38;
	[tilespmem:$0xC700] =	vst v63  }
0x19: {  	_ =	swait.ge [sflag:s9], $0x2780  }
0x1a: {  	[sflag:s9] =	ssyncset.done $0x0  }
0x1b: {  	s15 =	simm.s32 $0x5020;
	[sflag:s9] =	ssyncadd.s32 $0xFFFFD880  }
0x1c: {  	s16 =	simm.s32 $0x77A0;
	v5 =	vld [tilespmem:s15+$0x10]  }
0x1d: {  	v6 =	vld [tilespmem:s16+$0x10]  }
0x1e: {  	v2 =	vld [tilespmem:s16+$0xFFFFFFE0]  }
0x1f: {  	v0 =	vld [tilespmem:s15+$0xFFFFFFF0]  }
0x20: {  	v4 =	vld [tilespmem:s16+$0xFFFFFFF0]  }
0x21: {  	v1 =	vld [tilespmem:s15+$0x0]  }
0x22: {  	v3 =	vld [tilespmem:s16+$0x0];
	v6 =	vadd.f32 v6, v5  }
0x23: {  	s17 =	simm.s32 $0x0;
	s18 =	simm.s32 $0x5060;
	v5 =	vld [tilespmem:s15+$0xFFFFFFE0]  }
.LBB2_2:
0x24: {  	v7 =	vld [tilespmem:s18+$0x10];
	[tilespmem:s15+$0x10] =	vst v6;
	s16 =	sadd.s32 $0x40, s16  }
0x25: {  	s17 =	sadd.s32 $0x4, s17;
	v6 =	vld [tilespmem:s16+$0x10];
	v4 =	vadd.f32 v4, v0  }
0x26: {  	p0 =	slt.u32 s17, $0x274;
	v8 =	vld [tilespmem:s16+$0xFFFFFFE0]  }
.Ltmp0:
0x27: {  	v0 =	vld [tilespmem:s18+$0xFFFFFFF0];
	[tilespmem:s15+$0xFFFFFFF0] =	vst v4;
	v3 =	vadd.f32 v3, v1;
	(pc) =	sbr.rel @p0 .LBB2_2-.Ltmp0, $4  }
0x28: {  	v4 =	vld [tilespmem:s16+$0xFFFFFFF0];
	v9 =	vadd.f32 v2, v5  }
0x29: {  	v1 =	vld [tilespmem:s18+$0x0];
	[tilespmem:s15+$0x0] =	vst v3  }
0x2a: {  	v3 =	vld [tilespmem:s16+$0x0];
	v6 =	vadd.f32 v6, v7;
	[tilespmem:s15+$0xFFFFFFE0] =	vst v9;
	s15 =	smov.u32 s18  }
0x2b: {  	s18 =	sadd.s32 $0x40, s18;
	v5 =	vld [tilespmem:s15+$0xFFFFFFE0];
	v2 =	vmov v8  }
0x2c: {  	_ =	sdelay $0x1  }
0x2d: {  	v0 =	vadd.f32 v4, v0  }
0x2e: {  	[tilespmem:s15+$0x10] =	vst v6;
	v1 =	vadd.f32 v3, v1  }
0x2f: {  	[tilespmem:s15+$0xFFFFFFF0] =	vst v0;
	v0 =	vadd.f32 v2, v5  }
0x30: {  	[tilespmem:s15+$0x0] =	vst v1  }
0x31: {  	[tilespmem:s15+$0xFFFFFFE0] =	vst v0;
	s15 =	simm.s32 $0x0  }
0x32: {  	v0 =	vld [tilespmem:s15+$0x0];
	_ =	sdelay $0x7  }
0x33: {  	v0 =	vld.idx.msk [tilespmem:v0+s11+$0x0], $0xffff;
	_ =	sdelay $0x4  }
0x34: {  	(erf) = vrcp.f32 v0;
	_ =	sdelay $0x3  }
0x35: {  	v1 =	vld [tilespmem:s15+$0x10]  }
0x36: {  	v0 =	vld [tilespmem:s15+$0x2800];
	_ =	sdelay $0x3  }
0x37: {  	s16 =	simm.s32 $0x80;
	v2 =	vpop (erf)  }
0x38: {  	v0 =	vmul.f32 v2, v0;
	v2 =	vld [tilespmem:s16+$0x0];
	_ =	sdelay $0x1  }
0x39: {  	[tilespmem:s15+$0x9F00] =	vst v0  }
0x3a: {  	v0 =	vld.idx.msk [tilespmem:v1+s11+$0x0], $0xffff;
	_ =	sdelay $0x4  }
0x3b: {  	(erf) = vrcp.f32 v0;
	v0 =	vld.idx.msk [tilespmem:v2+s11+$0x0], $0xffff;
	_ =	sdelay $0x3  }
0x3c: {  	v1 =	vld [tilespmem:s15+$0x2810]  }
0x3d: {  	v2 =	vld [tilespmem:s15+$0x20];
	(erf) = vrcp.f32 v0;
	_ =	sdelay $0x3  }
0x3e: {  	v3 =	vld [tilespmem:s16+$0x2800];
	v0 =	vpop (erf)  }
0x3f: {  	v0 =	vmul.f32 v0, v1;
	v1 =	vld [tilespmem:s16+$0x10];
	_ =	sdelay $0x1  }
0x40: {  	[tilespmem:s15+$0x9F10] =	vst v0  }
0x41: {  	v0 =	vld.idx.msk [tilespmem:v2+s11+$0x0], $0xffff  }
0x42: {  	s17 =	simm.s32 $0x100;
	v4 =	vpop (erf)  }
0x43: {  	v2 =	vld [tilespmem:s17+$0x0];
	v3 =	vmul.f32 v4, v3;
	_ =	sdelay $0x1  }
0x44: {  	[tilespmem:s16+$0x9F00] =	vst v3  }
0x45: {  	(erf) = vrcp.f32 v0;
	v0 =	vld.idx.msk [tilespmem:v1+s11+$0x0], $0xffff;
	_ =	sdelay $0x3  }
0x46: {  	v3 =	vld [tilespmem:s15+$0x30]  }
0x47: {  	v2 =	vld.idx.msk [tilespmem:v2+s11+$0x0], $0xffff;
	(erf) = vrcp.f32 v0  }
0x48: {  	v1 =	vld [tilespmem:s15+$0x2820];
	_ =	sdelay $0x3  }
0x49: {  	v4 =	vld [tilespmem:s16+$0x2810];
	(erf) = vrcp.f32 v2;
	v0 =	vpop (erf)  }
0x4a: {  	v0 =	vmul.f32 v0, v1;
	v1 =	vld [tilespmem:s16+$0x20];
	_ =	sdelay $0x1  }
0x4b: {  	v5 =	vld [tilespmem:s17+$0x10];
	[tilespmem:s15+$0x9F20] =	vst v0  }
0x4c: {  	v0 =	vld.idx.msk [tilespmem:v3+s11+$0x0], $0xffff;
	v3 =	vpop (erf)  }
0x4d: {  	v2 =	vld [tilespmem:s17+$0x2800];
	v3 =	vmul.f32 v3, v4;
	_ =	sdelay $0x2  }
0x4e: {  	[tilespmem:s16+$0x9F10] =	vst v3  }
0x4f: {  	s18 =	simm.s32 $0x180;
	v1 =	vld.idx.msk [tilespmem:v1+s11+$0x0], $0xffff;
	v3 =	vpop (erf)  }
0x50: {  	(erf) = vrcp.f32 v0;
	v0 =	vld [tilespmem:s18+$0x0];
	v2 =	vmul.f32 v3, v2;
	_ =	sdelay $0x1  }
0x51: {  	[tilespmem:s17+$0x9F00] =	vst v2  }
0x52: {  	v2 =	vld.idx.msk [tilespmem:v5+s11+$0x0], $0xffff  }
0x53: {  	v3 =	vld [tilespmem:s15+$0x2830];
	(erf) = vrcp.f32 v1  }
0x54: {  	v1 =	vld [tilespmem:s15+$0x40];
	_ =	sdelay $0x1  }
0x55: {  	v4 =	vld [tilespmem:s16+$0x2820]  }
0x56: {  	v0 =	vld.idx.msk [tilespmem:v0+s11+$0x0], $0xffff;
	(erf) = vrcp.f32 v2  }
0x57: {  	v5 =	vpop (erf);
	v2 =	vld [tilespmem:s16+$0x30]  }
0x58: {  	v3 =	vmul.f32 v5, v3;
	_ =	sdelay $0x1  }
0x59: {  	[tilespmem:s15+$0x9F30] =	vst v3;
	v3 =	vld [tilespmem:s17+$0x2810]  }
0x5a: {  	v1 =	vld.idx.msk [tilespmem:v1+s11+$0x0], $0xffff;
	(erf) = vrcp.f32 v0;
	v5 =	vpop (erf)  }
0x5b: {  	v0 =	vld [tilespmem:s17+$0x20];
	v4 =	vmul.f32 v5, v4;
	_ =	sdelay $0x1  }
0x5c: {  	[tilespmem:s16+$0x9F20] =	vst v4;
	v4 =	vld [tilespmem:s18+$0x2800]  }
0x5d: {  	v2 =	vld.idx.msk [tilespmem:v2+s11+$0x0], $0xffff;
	v5 =	vpop (erf)  }
0x5e: {  	(erf) = vrcp.f32 v1;
	v1 =	vld [tilespmem:s18+$0x10];
	v3 =	vmul.f32 v5, v3;
	_ =	sdelay $0x2  }
0x5f: {  	v5 =	vld [tilespmem:s15+$0x2840];
	[tilespmem:s17+$0x9F10] =	vst v3  }
0x60: {  	v0 =	vld.idx.msk [tilespmem:v0+s11+$0x0], $0xffff;
	v3 =	vpop (erf)  }
0x61: {  	s19 =	simm.s32 $0x200;
	(erf) = vrcp.f32 v2;
	v2 =	vld [tilespmem:s15+$0x50];
	v3 =	vmul.f32 v3, v4  }
0x62: {  	v6 =	vld [tilespmem:s19+$0x0]  }
0x63: {  	[tilespmem:s18+$0x9F00] =	vst v3  }
0x64: {  	v1 =	vld.idx.msk [tilespmem:v1+s11+$0x0], $0xffff  }
0x65: {  	v4 =	vld [tilespmem:s16+$0x2830];
	(erf) = vrcp.f32 v0;
	v3 =	vpop (erf)  }
0x66: {  	v0 =	vld [tilespmem:s16+$0x40];
	v3 =	vmul.f32 v3, v5;
	_ =	sdelay $0x1  }
0x67: {  	v5 =	vld [tilespmem:s17+$0x2820];
	[tilespmem:s15+$0x9F40] =	vst v3  }
0x68: {  	v2 =	vld.idx.msk [tilespmem:v2+s11+$0x0], $0xffff;
	(erf) = vrcp.f32 v1  }
0x69: {  	v3 =	vld.idx.msk [tilespmem:v6+s11+$0x0], $0xffff;
	v6 =	vpop (erf)  }
0x6a: {  	v1 =	vld [tilespmem:s17+$0x30];
	v4 =	vmul.f32 v6, v4;
	_ =	sdelay $0x1  }
0x6b: {  	[tilespmem:s16+$0x9F30] =	vst v4;
	v4 =	vld [tilespmem:s18+$0x2810]  }
0x6c: {  	v0 =	vld.idx.msk [tilespmem:v0+s11+$0x0], $0xffff;
	v6 =	vpop (erf);
	(erf) = vrcp.f32 v2  }
0x6d: {  	v2 =	vld [tilespmem:s18+$0x20];
	(erf) = vrcp.f32 v3  }
0x6e: {  	v3 =	vmul.f32 v6, v5;
	v5 =	vld [tilespmem:s15+$0x2850]  }
0x6f: {  	v6 =	vld [tilespmem:s19+$0x2800]  }
0x70: {  	[tilespmem:s17+$0x9F20] =	vst v3;
	v3 =	vld [tilespmem:s15+$0x60];
	v7 =	vpop (erf)  }
0x71: {  	v1 =	vld.idx.msk [tilespmem:v1+s11+$0x0], $0xffff;
	(erf) = vrcp.f32 v0;
	v4 =	vmul.f32 v7, v4  }
0x72: {  	v0 =	vld [tilespmem:s19+$0x10];
	_ =	sdelay $0x1  }
0x73: {  	v7 =	vld [tilespmem:s16+$0x2840];
	[tilespmem:s18+$0x9F10] =	vst v4  }
0x74: {  	v2 =	vld.idx.msk [tilespmem:v2+s11+$0x0], $0xffff;
	v4 =	vpop (erf)  }
0x75: {  	s20 =	simm.s32 $0x280;
	(erf) = vrcp.f32 v1;
	v1 =	vld [tilespmem:s16+$0x50];
	v8 =	vpop (erf);
	v4 =	vmul.f32 v4, v5  }
0x76: {  	v5 =	vld [tilespmem:s20+$0x0];
	v6 =	vmul.f32 v8, v6  }
0x77: {  	v8 =	vld [tilespmem:s17+$0x2830];
	[tilespmem:s15+$0x9F50] =	vst v4  }
0x78: {  	[tilespmem:s19+$0x9F00] =	vst v6;
	v3 =	vld.idx.msk [tilespmem:v3+s11+$0x0], $0xffff  }
0x79: {  	v0 =	vld.idx.msk [tilespmem:v0+s11+$0x0], $0xffff;
	v4 =	vpop (erf)  }
0x7a: {  	(erf) = vrcp.f32 v2;
	v2 =	vld [tilespmem:s17+$0x40];
	v4 =	vmul.f32 v4, v7;
	_ =	sdelay $0x1  }
0x7b: {  	v6 =	vld [tilespmem:s18+$0x2820];
	[tilespmem:s16+$0x9F40] =	vst v4  }
0x7c: {  	v1 =	vld.idx.msk [tilespmem:v1+s11+$0x0], $0xffff  }
0x7d: {  	v4 =	vld.idx.msk [tilespmem:v5+s11+$0x0], $0xffff;
	v5 =	vpop (erf);
	(erf) = vrcp.f32 v3  }
0x7e: {  	v7 =	vld [tilespmem:s15+$0x2860];
	(erf) = vrcp.f32 v0;
	v0 =	vmul.f32 v5, v8  }
0x7f: {  	v3 =	vld [tilespmem:s18+$0x30]  }
0x80: {  	v8 =	vld [tilespmem:s15+$0x70];
	[tilespmem:s17+$0x9F30] =	vst v0  }
0x81: {  	v9 =	vld.idx.msk [tilespmem:v2+s11+$0x0], $0xffff  }
0x82: {  	v2 =	vld [tilespmem:s19+$0x2810];
	(erf) = vrcp.f32 v1  }
0x83: {  	v0 =	vpop (erf);
	(erf) = vrcp.f32 v4;
	v4 =	vld [tilespmem:s19+$0x20]  }
0x84: {  	v10 =	vld [tilespmem:s16+$0x2850];
	v0 =	vmul.f32 v0, v6  }
0x85: {  	v5 =	vld [tilespmem:s20+$0x2800]  }
0x86: {  	[tilespmem:s18+$0x9F20] =	vst v0;
	v0 =	vld [tilespmem:s16+$0x60];
	v1 =	vpop (erf)  }
0x87: {  	v6 =	vld.idx.msk [tilespmem:v3+s11+$0x0], $0xffff;
	(erf) = vrcp.f32 v9;
	v3 =	vpop (erf);
	v7 =	vmul.f32 v1, v7  }
0x88: {  	v1 =	vld [tilespmem:s20+$0x10];
	v3 =	vmul.f32 v3, v2  }
0x89: {  	v2 =	vld [tilespmem:s17+$0x2840];
	[tilespmem:s15+$0x9F60] =	vst v7  }
0x8a: {  	[tilespmem:s19+$0x9F10] =	vst v3;
	v3 =	vld.idx.msk [tilespmem:v8+s11+$0x0], $0xffff  }
0x8b: {  	v4 =	vld.idx.msk [tilespmem:v4+s11+$0x0], $0xffff;
	v8 =	vpop (erf)  }
0x8c: {  	s21 =	simm.s32 $0x300;
	s22 =	simm.s32 $0xE00;
	(erf) = vrcp.f32 v6;
	v6 =	vld [tilespmem:s17+$0x50];
	v7 =	vpop (erf);
	v8 =	vmul.f32 v8, v10  }
.LBB2_4:
0x8d: {  	p0 =	sne.s32 s22, $0x9E00;
	v9 =	vld [tilespmem:s21+$0x0];
	v10 =	vmul.f32 v7, v5  }
0x8e: {  	v7 =	vld [tilespmem:s18+$0x2830];
	[tilespmem:s16+$0x9F50] =	vst v8  }
0x8f: {  	[tilespmem:s20+$0x9F00] =	vst v10;
	v0 =	vld.idx.msk [tilespmem:v0+s11+$0x0], $0xffff  }
0x90: {  	v1 =	vld.idx.msk [tilespmem:v1+s11+$0x0], $0xffff;
	v5 =	vpop (erf);
	(erf) = vrcp.f32 v3  }
0x91: {  	(erf) = vrcp.f32 v4;
	v3 =	vld [tilespmem:s18+$0x40];
	v2 =	vmul.f32 v5, v2  }
0x92: {  	v4 =	vld [tilespmem:s15+$0x2870]  }
0x93: {  	v5 =	vld [tilespmem:s19+$0x2820];
	[tilespmem:s17+$0x9F40] =	vst v2  }
0x94: {  	v2 =	vld.idx.msk [tilespmem:v6+s11+$0x0], $0xffff  }
0x95: {  	v6 =	vld.idx.msk [tilespmem:v9+s11+$0x0], $0xffff;
	v8 =	vpop (erf);
	(erf) = vrcp.f32 v0  }
0x96: {  	(erf) = vrcp.f32 v1;
	v1 =	vld [tilespmem:s19+$0x30];
	v9 =	vmul.f32 v8, v7  }
0x97: {  	v7 =	vld [tilespmem:s16+$0x2860]  }
0x98: {  	[tilespmem:s18+$0x9F30] =	vst v9;
	v8 =	vld [tilespmem:s16+$0x70]  }
0x99: {  	v3 =	vld.idx.msk [tilespmem:v3+s11+$0x0], $0xffff;
	v0 =	vpop (erf)  }
0x9a: {  	v9 =	vld [tilespmem:s20+$0x2810];
	v10 =	vpop (erf);
	(erf) = vrcp.f32 v2;
	v0 =	vmul.f32 v0, v4  }
0x9b: {  	(erf) = vrcp.f32 v6;
	v4 =	vld [tilespmem:s20+$0x20];
	v2 =	vmul.f32 v10, v5  }
0x9c: {  	v10 =	vld [tilespmem:s17+$0x2850];
	[tilespmem:s15+$0x9F70] =	vst v0;
	s15 =	smov.u32 s16;
	s16 =	smov.u32 s17;
	s17 =	smov.u32 s18  }
0x9d: {  	s18 =	smov.u32 s19;
	[tilespmem:s19+$0x9F20] =	vst v2;
	v0 =	vld [tilespmem:s16+$0x60];
	s19 =	smov.u32 s20;
	s20 =	smov.u32 s21  }
0x9e: {  	v6 =	vld.idx.msk [tilespmem:v1+s11+$0x0], $0xffff;
	v1 =	vpop (erf)  }
0x9f: {  	v5 =	vld [tilespmem:s20+$0x2800];
	v2 =	vpop (erf);
	(erf) = vrcp.f32 v3;
	v3 =	vmul.f32 v1, v7  }
.Ltmp1:
0xa0: {  	v1 =	vld [tilespmem:s20+$0x10];
	v7 =	vmul.f32 v2, v9;
	(pc) =	sbr.rel @p0 .LBB2_4-.Ltmp1, $4  }
0xa1: {  	v2 =	vld [tilespmem:s17+$0x2840];
	[tilespmem:s15+$0x9F60] =	vst v3  }
0xa2: {  	[tilespmem:s19+$0x9F10] =	vst v7;
	v3 =	vld.idx.msk [tilespmem:v8+s11+$0x0], $0xffff  }
0xa3: {  	v4 =	vld.idx.msk [tilespmem:v4+s11+$0x0], $0xffff;
	v8 =	vpop (erf)  }
0xa4: {  	s21 =	sshra.s32 s22, $0x2;
	s22 =	sadd.s32 $0x200, s22;
	v7 =	vpop (erf);
	(erf) = vrcp.f32 v6;
	v6 =	vld [tilespmem:s17+$0x50];
	v8 =	vmul.f32 v8, v10  }
0xa5: {  	_ = 	snop  }
0xa6: {  	v9 =	vld [tilespmem:s21+$0x0];
	_ =	sdelay $0x2  }
0xa7: {  	v5 =	vmul.f32 v7, v5;
	v63 =	vld [tilespmem:s18+$0x2830];
	v16 =	vpop (erf)  }
0xa8: {  	v17 =	vld [tilespmem:s18+$0x40];
	[tilespmem:s16+$0x9F50] =	vst v8;
	v2 =	vmul.f32 v16, v2  }
0xa9: {  	[tilespmem:s20+$0x9F00] =	vst v5;
	v0 =	vld.idx.msk [tilespmem:v0+s11+$0x0], $0xffff  }
0xaa: {  	v1 =	vld.idx.msk [tilespmem:v1+s11+$0x0], $0xffff;
	[tilespmem:s17+$0x9F40] =	vst v2  }
0xab: {  	v2 =	vld.idx.msk [tilespmem:v6+s11+$0x0], $0xffff  }
0xac: {  	(erf) = vrcp.f32 v3;
	v18 =	vld.idx.msk [tilespmem:v9+s11+$0x0], $0xffff  }
0xad: {  	v19 =	vld [tilespmem:s19+$0x2820];
	(erf) = vrcp.f32 v4  }
0xae: {  	v20 =	vld [tilespmem:s19+$0x30];
	(erf) = vrcp.f32 v0  }
0xaf: {  	v21 =	vld [tilespmem:s16+$0x2860];
	(erf) = vrcp.f32 v1  }
0xb0: {  	v22 =	vld [tilespmem:s16+$0x70];
	(erf) = vrcp.f32 v2  }
0xb1: {  	v23 =	vld [tilespmem:s20+$0x2810];
	(erf) = vrcp.f32 v18  }
0xb2: {  	v24 =	vld [tilespmem:s20+$0x20]  }
0xb3: {  	v25 =	vld [tilespmem:s17+$0x2850]  }
0xb4: {  	v11 =	vld [tilespmem:s17+$0x60];
	v10 =	vpop (erf)  }
0xb5: {  	v12 =	vld [tilespmem:s21+$0x2800];
	v0 =	vpop (erf)  }
0xb6: {  	v13 =	vld [tilespmem:s21+$0x10];
	v7 =	vmul.f32 v10, v63;
	v26 =	vpop (erf)  }
0xb7: {  	v4 =	vmul.f32 v26, v19;
	v27 =	vpop (erf)  }
0xb8: {  	[tilespmem:s18+$0x9F30] =	vst v7;
	v1 =	vmul.f32 v27, v21;
	v28 =	vpop (erf)  }
0xb9: {  	v5 =	vld.idx.msk [tilespmem:v17+s11+$0x0], $0xffff;
	[tilespmem:s19+$0x9F20] =	vst v4;
	v2 =	vmul.f32 v28, v23;
	v29 =	vpop (erf)  }
0xba: {  	v6 =	vld.idx.msk [tilespmem:v20+s11+$0x0], $0xffff;
	[tilespmem:s16+$0x9F60] =	vst v1;
	v30 =	vpop (erf);
	v4 =	vmul.f32 v29, v25  }
0xbb: {  	[tilespmem:s20+$0x9F10] =	vst v2;
	v31 =	vld.idx.msk [tilespmem:v22+s11+$0x0], $0xffff;
	v1 =	vmul.f32 v30, v12  }
0xbc: {  	v3 =	vld.idx.msk [tilespmem:v24+s11+$0x0], $0xffff;
	[tilespmem:s17+$0x9F50] =	vst v4  }
0xbd: {  	[tilespmem:s21+$0x9F00] =	vst v1;
	v32 =	vld.idx.msk [tilespmem:v11+s11+$0x0], $0xffff  }
0xbe: {  	(erf) = vrcp.f32 v5;
	v33 =	vld.idx.msk [tilespmem:v13+s11+$0x0], $0xffff  }
0xbf: {  	v34 =	vld [tilespmem:s18+$0x2840];
	(erf) = vrcp.f32 v6  }
0xc0: {  	v35 =	vld [tilespmem:s18+$0x50];
	(erf) = vrcp.f32 v31  }
0xc1: {  	v36 =	vld [tilespmem:s19+$0x2830];
	(erf) = vrcp.f32 v3  }
0xc2: {  	v37 =	vld [tilespmem:s19+$0x40];
	(erf) = vrcp.f32 v32  }
0xc3: {  	v38 =	vld [tilespmem:s20+$0x2820];
	(erf) = vrcp.f32 v33  }
0xc4: {  	v39 =	vld [tilespmem:s20+$0x30]  }
0xc5: {  	v40 =	vld [tilespmem:s17+$0x2860]  }
0xc6: {  	v41 =	vld [tilespmem:s17+$0x70]  }
0xc7: {  	v43 =	vld [tilespmem:s21+$0x2810];
	v42 =	vpop (erf)  }
0xc8: {  	v45 =	vld [tilespmem:s21+$0x20];
	v44 =	vpop (erf)  }
0xc9: {  	v5 =	vmul.f32 v42, v34;
	v1 =	vpop (erf)  }
0xca: {  	v2 =	vmul.f32 v44, v36;
	v46 =	vpop (erf)  }
0xcb: {  	[tilespmem:s18+$0x9F40] =	vst v5;
	v47 =	vmul.f32 v46, v38;
	v48 =	vpop (erf)  }
0xcc: {  	v6 =	vld.idx.msk [tilespmem:v35+s11+$0x0], $0xffff;
	[tilespmem:s19+$0x9F30] =	vst v2;
	v49 =	vpop (erf);
	v7 =	vmul.f32 v48, v40  }
0xcd: {  	v3 =	vld.idx.msk [tilespmem:v37+s11+$0x0], $0xffff;
	[tilespmem:s20+$0x9F20] =	vst v47;
	v2 =	vmul.f32 v49, v43  }
0xce: {  	v4 =	vld.idx.msk [tilespmem:v39+s11+$0x0], $0xffff;
	[tilespmem:s17+$0x9F60] =	vst v7  }
0xcf: {  	[tilespmem:s21+$0x9F10] =	vst v2;
	v50 =	vld.idx.msk [tilespmem:v41+s11+$0x0], $0xffff  }
0xd0: {  	v51 =	vld.idx.msk [tilespmem:v45+s11+$0x0], $0xffff  }
0xd1: {  	(erf) = vrcp.f32 v6  }
0xd2: {  	(erf) = vrcp.f32 v3  }
0xd3: {  	v52 =	vld [tilespmem:s18+$0x2850];
	(erf) = vrcp.f32 v4  }
0xd4: {  	v53 =	vld [tilespmem:s18+$0x60];
	(erf) = vrcp.f32 v50  }
0xd5: {  	v54 =	vld [tilespmem:s19+$0x2840];
	(erf) = vrcp.f32 v51  }
0xd6: {  	v55 =	vld [tilespmem:s19+$0x50]  }
0xd7: {  	v56 =	vld [tilespmem:s20+$0x2830]  }
0xd8: {  	v57 =	vld [tilespmem:s20+$0x40]  }
0xd9: {  	v58 =	vld [tilespmem:s21+$0x2820]  }
0xda: {  	v60 =	vld [tilespmem:s21+$0x30];
	v59 =	vpop (erf)  }
0xdb: {  	v61 =	vpop (erf)  }
0xdc: {  	v3 =	vmul.f32 v59, v52;
	v62 =	vpop (erf)  }
0xdd: {  	v2 =	vmul.f32 v61, v54;
	v63 =	vpop (erf)  }
0xde: {  	[tilespmem:s18+$0x9F50] =	vst v3;
	v9 =	vmul.f32 v62, v56;
	v12 =	vpop (erf)  }
0xdf: {  	v4 =	vld.idx.msk [tilespmem:v53+s11+$0x0], $0xffff;
	[tilespmem:s19+$0x9F40] =	vst v2;
	v13 =	vmul.f32 v12, v58  }
0xe0: {  	v5 =	vld.idx.msk [tilespmem:v55+s11+$0x0], $0xffff;
	[tilespmem:s20+$0x9F30] =	vst v9  }
0xe1: {  	v3 =	vld.idx.msk [tilespmem:v57+s11+$0x0], $0xffff;
	[tilespmem:s21+$0x9F20] =	vst v13  }
0xe2: {  	v2 =	vld.idx.msk [tilespmem:v60+s11+$0x0], $0xffff;
	_ =	sdelay $0x1  }
0xe3: {  	(erf) = vrcp.f32 v4  }
0xe4: {  	v14 =	vld [tilespmem:s18+$0x2860];
	(erf) = vrcp.f32 v5  }
0xe5: {  	v15 =	vld [tilespmem:s18+$0x70];
	(erf) = vrcp.f32 v3  }
0xe6: {  	v16 =	vld [tilespmem:s19+$0x2850];
	(erf) = vrcp.f32 v2  }
0xe7: {  	v17 =	vld [tilespmem:s19+$0x60]  }
0xe8: {  	v18 =	vld [tilespmem:s20+$0x2840]  }
0xe9: {  	v19 =	vld [tilespmem:s20+$0x50]  }
0xea: {  	v20 =	vld [tilespmem:s21+$0x2830]  }
0xeb: {  	v21 =	vld [tilespmem:s21+$0x40]  }
0xec: {  	v22 =	vpop (erf)  }
0xed: {  	v4 =	vmul.f32 v22, v14;
	v23 =	vpop (erf)  }
0xee: {  	v3 =	vmul.f32 v23, v16;
	v24 =	vpop (erf)  }
0xef: {  	[tilespmem:s18+$0x9F60] =	vst v4;
	v25 =	vmul.f32 v24, v18;
	v26 =	vpop (erf)  }
0xf0: {  	v5 =	vld.idx.msk [tilespmem:v15+s11+$0x0], $0xffff;
	[tilespmem:s19+$0x9F50] =	vst v3;
	v27 =	vmul.f32 v26, v20  }
0xf1: {  	v2 =	vld.idx.msk [tilespmem:v17+s11+$0x0], $0xffff;
	[tilespmem:s20+$0x9F40] =	vst v25  }
0xf2: {  	v4 =	vld.idx.msk [tilespmem:v19+s11+$0x0], $0xffff;
	[tilespmem:s21+$0x9F30] =	vst v27  }
0xf3: {  	v3 =	vld.idx.msk [tilespmem:v21+s11+$0x0], $0xffff;
	_ =	sdelay $0x1  }
0xf4: {  	(erf) = vrcp.f32 v5  }
0xf5: {  	(erf) = vrcp.f32 v2  }
0xf6: {  	(erf) = vrcp.f32 v4  }
0xf7: {  	v28 =	vld [tilespmem:s19+$0x2860];
	(erf) = vrcp.f32 v3  }
0xf8: {  	v29 =	vld [tilespmem:s19+$0x70]  }
0xf9: {  	v30 =	vld [tilespmem:s20+$0x2850]  }
0xfa: {  	v31 =	vld [tilespmem:s20+$0x60]  }
0xfb: {  	v32 =	vld [tilespmem:s21+$0x2840]  }
0xfc: {  	v33 =	vld [tilespmem:s21+$0x50]  }
0xfd: {  	v34 =	vpop (erf)  }
0xfe: {  	v35 =	vpop (erf)  }
0xff: {  	v2 =	vmul.f32 v35, v28;
	v36 =	vpop (erf)  }
0x100: {  	v4 =	vmul.f32 v36, v30;
	v37 =	vpop (erf)  }
0x101: {  	[tilespmem:s19+$0x9F60] =	vst v2;
	v38 =	vmul.f32 v37, v32  }
0x102: {  	v3 =	vld.idx.msk [tilespmem:v29+s11+$0x0], $0xffff;
	[tilespmem:s20+$0x9F50] =	vst v4  }
0x103: {  	v4 =	vld.idx.msk [tilespmem:v31+s11+$0x0], $0xffff;
	[tilespmem:s21+$0x9F40] =	vst v38  }
0x104: {  	v2 =	vld.idx.msk [tilespmem:v33+s11+$0x0], $0xffff;
	_ =	sdelay $0x2  }
0x105: {  	(erf) = vrcp.f32 v3  }
0x106: {  	(erf) = vrcp.f32 v4  }
0x107: {  	(erf) = vrcp.f32 v2;
	_ =	sdelay $0x1  }
0x108: {  	v42 =	vld [tilespmem:s21+$0x60]  }
0x109: {  	v39 =	vld [tilespmem:s20+$0x2860]  }
0x10a: {  	v40 =	vld [tilespmem:s20+$0x70]  }
0x10b: {  	v41 =	vld [tilespmem:s21+$0x2850];
	_ =	sdelay $0x1  }
0x10c: {  	v43 =	vpop (erf)  }
0x10d: {  	v44 =	vpop (erf)  }
0x10e: {  	v2 =	vmul.f32 v44, v39;
	v45 =	vpop (erf)  }
0x10f: {  	v4 =	vmul.f32 v45, v41  }
0x110: {  	[tilespmem:s20+$0x9F60] =	vst v2  }
0x111: {  	v2 =	vld.idx.msk [tilespmem:v40+s11+$0x0], $0xffff;
	[tilespmem:s21+$0x9F50] =	vst v4  }
0x112: {  	v46 =	vld.idx.msk [tilespmem:v42+s11+$0x0], $0xffff;
	_ =	sdelay $0x3  }
0x113: {  	(erf) = vrcp.f32 v2  }
0x114: {  	(erf) = vrcp.f32 v46;
	_ =	sdelay $0x3  }
0x115: {  	v47 =	vld [tilespmem:s21+$0x2860]  }
0x116: {  	v48 =	vld [tilespmem:s21+$0x70];
	_ =	sdelay $0x2  }
0x117: {  	v49 =	vpop (erf)  }
0x118: {  	v50 =	vpop (erf)  }
0x119: {  	v2 =	vmul.f32 v50, v47;
	_ =	sdelay $0x1  }
0x11a: {  	[tilespmem:s21+$0x9F60] =	vst v2  }
0x11b: {  	v2 =	vld.idx.msk [tilespmem:v48+s11+$0x0], $0xffff;
	_ =	sdelay $0x3  }
0x11c: {  	v52 =	vld [tilespmem:s16+$0x2870]  }
0x11d: {  	v51 =	vld [tilespmem:s15+$0x2870];
	(erf) = vrcp.f32 v2  }
0x11e: {  	v53 =	vld [tilespmem:s17+$0x2870]  }
0x11f: {  	v54 =	vld [tilespmem:s18+$0x2870]  }
0x120: {  	v55 =	vld [tilespmem:s19+$0x2870]  }
0x121: {  	v1 =	vmul.f32 v1, v52;
	v56 =	vld [tilespmem:s20+$0x2870]  }
0x122: {  	v0 =	vmul.f32 v0, v51;
	v57 =	vld [tilespmem:s21+$0x2870]  }
0x123: {  	[tilespmem:s16+$0x9F70] =	vst v1;
	v58 =	vmul.f32 v63, v53  }
0x124: {  	[tilespmem:s15+$0x9F70] =	vst v0;
	v59 =	vmul.f32 v34, v54  }
0x125: {  	[tilespmem:s17+$0x9F70] =	vst v58;
	v60 =	vmul.f32 v43, v55  }
0x126: {  	[tilespmem:s18+$0x9F70] =	vst v59;
	v61 =	vmul.f32 v49, v56;
	v62 =	vpop (erf)  }
0x127: {  	s14 =	sadd.s32 $0x1, s14;
	[tilespmem:s19+$0x9F70] =	vst v60;
	v63 =	vmul.f32 v62, v57  }
0x128: {  	p0 =	sne.s32 s14, s8;
	[tilespmem:s20+$0x9F70] =	vst v61  }
.Ltmp2:
0x129: {  	[tilespmem:s21+$0x9F70] =	vst v63;
	(pc) =	sbr.rel @p0 .LBB2_1-.Ltmp2, $4  }
0x12a: {  	[hbm4b:s7+s2] =	stream.linear.scatter [tilespmem:s13], [sflag:$0x1], $0x2800, $0x38;
	[tilespmem:$0xC700] =	vst v63  }
0x12b: {  	_ =	swait.ge [sflag:s9], $0x2800  }
0x12c: {  	[sflag:s9] =	ssyncset.done $0x0  }
0x12d: {  	[sflag:s9] =	ssyncadd.s32 $0xFFFFD800  }
0x12e: {  	_ =	sfence.sel $0x180000  }
0x12f: {  	[bflag:$0x0] =	sbarrier.arrive $0xFFFF  }
0x130: {  	p0 =	sne.s32 s0, $0x0;
	_ =	strace $0x9000004A  }
0x131: {  	s0 =	sadd.s32 @!p0 $0x100000, s1;
	[bflag:$0x2] =	sbarrier.arrive $0xFFFF  }
0x132: {  	[sflag:s0] =	ssyncadd.tile.s32 @!p0 $0x1;
	_ =	shalt  }
.Lfunc_end2:
_tile_overlayer_lowered:
.L_overlay_start_2:
0x133: {  	(tag) =	ssettag $0x2  }
0x134: {  	s0 =	rddreg [dreg:$0x0];
	s2 =	stileid.u32  }
0x135: {  	s1 =	rddreg [dreg:$0x1];
	p0 =	sne.s32 s2, $0x0  }
0x136: {  	s3 =	rddreg [dreg:$0x2];
	[bflag:$0x3] =	sbarrier.arrive $0xFFFF;
	s2 =	simm.s32 @!p0 $0x1C01  }
0x137: {  	[timem:s3], [sflag:s2] =	dma.local @!p0 [hbm:s0], s1  }
0x138: {  	s0 =	simm.s32 @!p0 $0x1  }
0x139: {  	_ =	swait.ge @!p0 [sflag:s0], s1  }
0x13a: {  	s1 =	ssub.s32 @!p0 $0x0, s1;
	[sflag:s0] =	ssyncset.done @!p0 $0x0  }
0x13b: {  	[sflag:s0] =	ssyncadd.s32 @!p0 s1  }
0x13c: {  	[bflag:$0x3] =	sbarrier.arrive $0xFFFF  }
0x13d: {  	_ =	shalt  }

</sc_bundles>
